<compile_context>
chip_gen: v7x
topology: tpu7x:2x2x1
jax: 0.10.2.dev20260603
libtpu: 0.0.44.dev20260713+nightly
codegen_flags: <defaults>
</compile_context>

<pallas_src>
import functools

import jax
import jax.numpy as jnp
from jax import lax
from jax.experimental import pallas as pl
from jax.experimental.pallas import tpu as pltpu
from jax.experimental.pallas import tpu_sc as plsc

NC = 2
NS = 16
L = 16
TILES = NC * NS
EB = 128
CH = 16
RB = 512


def _sc_mesh():
    return plsc.VectorSubcoreMesh(core_axis_name="c", subcore_axis_name="s")


_SC_PARAMS = pltpu.CompilerParams(use_tc_tiling_on_sc=False)


@functools.lru_cache(maxsize=None)
def _make_deg(npad, nb):
    rpt = npad // NS

    @functools.partial(
        pl.kernel,
        out_type=jax.ShapeDtypeStruct((NC, npad), jnp.float32),
        mesh=_sc_mesh(),
        compiler_params=_SC_PARAMS,
        scratch_types=[
            pltpu.VMEM((nb, EB), jnp.int32),
            pltpu.VMEM((EB,), jnp.float32),
            pltpu.VMEM((rpt,), jnp.float32),
            pltpu.VMEM_SHARED((npad,), jnp.float32),
        ],
    )
    def deg_kernel(dst_hbm, out_hbm, dst_v, ones_v, zer_v, acc):
        c = lax.axis_index("c")
        s = lax.axis_index("s")
        w = c * NS + s

        @pl.loop(0, EB // L)
        def _(i):
            ones_v[pl.ds(i * L, L)] = jnp.ones((L,), jnp.float32)

        @pl.loop(0, rpt // L)
        def _(i):
            zer_v[pl.ds(i * L, L)] = jnp.zeros((L,), jnp.float32)

        pltpu.sync_copy(zer_v, acc.at[pl.ds(s * rpt, rpt)])
        plsc.subcore_barrier()

        pltpu.sync_copy(dst_hbm.at[w], dst_v)

        @pl.loop(0, nb)
        def _(j):
            pltpu.sync_copy(ones_v, acc.at[dst_v.at[j]], add=True)

        plsc.subcore_barrier()
        pltpu.sync_copy(acc.at[pl.ds(s * rpt, rpt)],
                        out_hbm.at[c, pl.ds(s * rpt, rpt)])

    return deg_kernel


@functools.lru_cache(maxsize=None)
def _make_prop(npad, nb, wd, npass=1):
    rpt = npad // NS
    stage_y = 2 * npad * wd + 16 * (2 * 2 * CH * EB + 2 * EB * wd) \
        <= (2 << 20) - 8192
    assert stage_y

    scratch = [
        pltpu.VMEM((2, CH, EB), jnp.int32),
        pltpu.VMEM((2, CH, EB), jnp.int32),
        pltpu.VMEM((2, EB, wd), jnp.float32),
        pltpu.VMEM_SHARED((npad, wd), jnp.float32),
        pltpu.VMEM_SHARED((npad, wd), jnp.float32),
        pltpu.SemaphoreType.DMA,
    ]

    @functools.partial(
        pl.kernel,
        out_type=tuple(jax.ShapeDtypeStruct((NC, npad, wd), jnp.float32)
                       for _ in range(npass)),
        mesh=_sc_mesh(),
        compiler_params=_SC_PARAMS,
        scratch_types=scratch,
    )
    def prop_kernel(*refs):
        ys = refs[:npass]
        src_hbm, dst_hbm = refs[npass], refs[npass + 1]
        outs = refs[npass + 2:2 * npass + 2]
        src_v, dst_v, rows_v, acc, y_tbl, sem_g = refs[2 * npass + 2:]
        c = lax.axis_index("c")
        s = lax.axis_index("s")
        w = c * NS + s

        def run_pass(y_hbm, out_hbm):
            @pl.loop(0, EB)
            def _(r):
                @pl.loop(0, wd // L)
                def _(q):
                    rows_v[0, r, pl.ds(q * L, L)] = jnp.zeros((L,),
                                                              jnp.float32)

            @pl.loop(0, rpt // EB)
            def _(i):
                pltpu.sync_copy(rows_v.at[0],
                                acc.at[pl.ds(s * rpt + i * EB, EB)])

            pltpu.sync_copy(y_hbm.at[pl.ds(s * rpt, rpt)],
                            y_tbl.at[pl.ds(s * rpt, rpt)])
            plsc.subcore_barrier()

            pltpu.sync_copy(src_hbm.at[w, pl.ds(0, CH)], src_v.at[0])
            pltpu.sync_copy(dst_hbm.at[w, pl.ds(0, CH)], dst_v.at[0])
            pltpu.async_copy(y_tbl.at[src_v.at[0, 0]], rows_v.at[0], sem_g)

            @pl.loop(0, nb)
            def _(t):
                m = lax.div(t, CH)
                mb = lax.rem(m, 2)
                slot = lax.rem(t, CH)
                b = lax.rem(t, 2)

                pltpu.make_async_copy(
                    y_tbl.at[src_v.at[mb, slot]], rows_v.at[b],
                    sem_g).wait()

                @pl.when((slot == CH - 1) & (t + 1 < nb))
                def _():
                    mb1 = lax.rem(m + 1, 2)
                    pltpu.sync_copy(
                        src_hbm.at[w, pl.ds((m + 1) * CH, CH)],
                        src_v.at[mb1])
                    pltpu.sync_copy(
                        dst_hbm.at[w, pl.ds((m + 1) * CH, CH)],
                        dst_v.at[mb1])

                @pl.when(t + 1 < nb)
                def _():
                    t1 = t + 1
                    pltpu.async_copy(
                        y_tbl.at[src_v.at[lax.rem(lax.div(t1, CH), 2),
                                          lax.rem(t1, CH)]],
                        rows_v.at[lax.rem(t1, 2)], sem_g)

                pltpu.sync_copy(rows_v.at[b], acc.at[dst_v.at[mb, slot]],
                                add=True)

            plsc.subcore_barrier()
            pltpu.sync_copy(acc.at[pl.ds(s * rpt, rpt)],
                            out_hbm.at[c, pl.ds(s * rpt, rpt)])

        for p in range(npass):
            run_pass(ys[p], outs[p])

    return prop_kernel


def _tc1(degp, xp, W1):
    npad = xp.shape[0]

    def body(deg_ref, x_ref, w1_ref, ya_ref, yb_ref):
        dinv = lax.rsqrt(deg_ref[0] + deg_ref[1] + 1.0)
        y = dinv[:, None] * jnp.dot(
            x_ref[...], w1_ref[...], preferred_element_type=jnp.float32)
        ya_ref[...] = y[:, :64]
        yb_ref[...] = y[:, 64:]

    return pl.pallas_call(
        body,
        grid=(npad // RB,),
        in_specs=[
            pl.BlockSpec((NC, RB), lambda i: (0, i)),
            pl.BlockSpec((RB, 128), lambda i: (i, 0)),
            pl.BlockSpec((128, 128), lambda i: (0, 0)),
        ],
        out_specs=[pl.BlockSpec((RB, 64), lambda i: (i, 0)),
                   pl.BlockSpec((RB, 64), lambda i: (i, 0))],
        out_shape=[jax.ShapeDtypeStruct((npad, 64), jnp.float32),
                   jax.ShapeDtypeStruct((npad, 64), jnp.float32)],
    )(degp, xp, W1)


def _tc2(degp, s1a, s1b, y1a, y1b, b1, W2):
    npad = y1a.shape[0]
    cd = W2.shape[1]

    def body(deg_ref, s1a_ref, s1b_ref, y1a_ref, y1b_ref, b1_ref, w2_ref,
             y2_ref):
        dinv = lax.rsqrt(deg_ref[0] + deg_ref[1] + 1.0)
        t = jnp.concatenate(
            [s1a_ref[0] + s1a_ref[1] + y1a_ref[...],
             s1b_ref[0] + s1b_ref[1] + y1b_ref[...]], axis=-1)
        h = jnp.maximum(dinv[:, None] * t + b1_ref[...], 0.0)
        y2_ref[...] = dinv[:, None] * jnp.dot(
            h, w2_ref[...], preferred_element_type=jnp.float32)

    return pl.pallas_call(
        body,
        grid=(npad // RB,),
        in_specs=[
            pl.BlockSpec((NC, RB), lambda i: (0, i)),
            pl.BlockSpec((NC, RB, 64), lambda i: (0, i, 0)),
            pl.BlockSpec((NC, RB, 64), lambda i: (0, i, 0)),
            pl.BlockSpec((RB, 64), lambda i: (i, 0)),
            pl.BlockSpec((RB, 64), lambda i: (i, 0)),
            pl.BlockSpec((128,), lambda i: (0,)),
            pl.BlockSpec((128, cd), lambda i: (0, 0)),
        ],
        out_specs=pl.BlockSpec((RB, cd), lambda i: (i, 0)),
        out_shape=jax.ShapeDtypeStruct((npad, cd), jnp.float32),
    )(degp, s1a, s1b, y1a, y1b, b1, W2)


def _tc3(degp, s2, y2, b2):
    npad = y2.shape[0]
    cd = y2.shape[1]

    def body(deg_ref, s2_ref, y2_ref, b2_ref, o_ref):
        dinv = lax.rsqrt(deg_ref[0] + deg_ref[1] + 1.0)
        o = dinv[:, None] * (s2_ref[0] + s2_ref[1] + y2_ref[...]) + b2_ref[...]
        m = jnp.max(o, axis=-1, keepdims=True)
        lse = jnp.log(jnp.sum(jnp.exp(o - m), axis=-1, keepdims=True)) + m
        o_ref[...] = o - lse

    return pl.pallas_call(
        body,
        grid=(npad // RB,),
        in_specs=[
            pl.BlockSpec((NC, RB), lambda i: (0, i)),
            pl.BlockSpec((NC, RB, cd), lambda i: (0, i, 0)),
            pl.BlockSpec((RB, cd), lambda i: (i, 0)),
            pl.BlockSpec((cd,), lambda i: (0,)),
        ],
        out_specs=pl.BlockSpec((RB, cd), lambda i: (i, 0)),
        out_shape=jax.ShapeDtypeStruct((npad, cd), jnp.float32),
    )(degp, s2, y2, b2)


def kernel(x, edge_index, W1, b1, W2, b2):
    n, d = x.shape
    e = edge_index.shape[1]

    npad = ((n + RB) // RB) * RB
    step = TILES * EB * CH
    epad = ((e + step - 1) // step) * step
    nb = epad // (TILES * EB)

    ei = edge_index.astype(jnp.int32)
    pad = jnp.full((epad - e,), n, jnp.int32)
    src_p = jnp.concatenate([ei[0], pad]).reshape(TILES, nb, EB)
    dst_p = jnp.concatenate([ei[1], pad]).reshape(TILES, nb, EB)
    xp = jnp.pad(x, ((0, npad - n), (0, 0)))

    degp = _make_deg(npad, nb)(dst_p)
    y1a, y1b = _tc1(degp, xp, W1)
    s1a, s1b = _make_prop(npad, nb, 64, npass=2)(
        y1a, y1b, src_p, dst_p)
    y2 = _tc2(degp, s1a, s1b, y1a, y1b, b1, W2)
    s2, = _make_prop(npad, nb, 16)(y2, src_p, dst_p)
    out = _tc3(degp, s2, y2, b2)
    return out[:n]

# --- scband reference (transcript-rebuilt; emitter-appended) ---
"""Pipeline reference for scband-gcnjaccard-70884140253413 (READ-ONLY COPY).

The authoritative reference and input builder live on the scoring server;
editing this copy changes nothing except your own understanding.
"""

import jax, jax.numpy as jnp
import numpy as np

N = 10000
E = 320000
D = 128
H = 128
C = 16


def setup_inputs(seed: int = 0) -> dict:
    key = jax.random.key(seed)
    k1, k2, k3, k4 = jax.random.split(key, 4)
    x = jax.random.normal(k1, (N, D), dtype=jnp.float32)
    edge_index = jax.random.randint(k2, (2, E), 0, N)
    W1 = jax.random.normal(k3, (D, H), dtype=jnp.float32) * (1.0 / np.sqrt(D))
    b1 = jnp.zeros((H,), dtype=jnp.float32)
    W2 = jax.random.normal(k4, (H, C), dtype=jnp.float32) * (1.0 / np.sqrt(H))
    b2 = jnp.zeros((C,), dtype=jnp.float32)
    return {"x": x, "edge_index": edge_index, "W1": W1, "b1": b1, "W2": W2, "b2": b2}


def _gcn_norm(edge_index, num_nodes):
    # A' = D^-1/2 (A + I) D^-1/2, matching normalize_adj_tensor with self-loops
    loop = jnp.arange(num_nodes, dtype=edge_index.dtype)
    src = jnp.concatenate([edge_index[0], loop])
    dst = jnp.concatenate([edge_index[1], loop])
    deg = jax.ops.segment_sum(jnp.ones_like(src, dtype=jnp.float32), dst, num_segments=num_nodes)
    dinv = jnp.where(deg > 0, jax.lax.rsqrt(deg), 0.0)
    w = dinv[src] * dinv[dst]
    return src, dst, w


def _propagate(h, src, dst, w, num_nodes):
    # adj @ h  via gather + scatter-add (SparseCore-friendly)
    msgs = w[:, None] * jnp.take(h, src, axis=0)
    return jax.ops.segment_sum(msgs, dst, num_segments=num_nodes)


def reference(x, edge_index, W1, b1, W2, b2):
    num_nodes = x.shape[0]
    src, dst, w = _gcn_norm(edge_index, num_nodes)
    # layer 1: GraphConvolution -> adj @ (x @ W1) + b1, relu (with_relu=True)
    h = _propagate(x @ W1, src, dst, w, num_nodes) + b1
    h = jax.nn.relu(h)
    # dropout is identity in eval mode
    # layer 2: adj @ (h @ W2) + b2
    out = _propagate(h @ W2, src, dst, w, num_nodes) + b2
    return jax.nn.log_softmax(out, axis=-1)

if __name__ == "__main__":
    import jax
    _d = setup_inputs()
    print(jax.jit(kernel)(*tuple(_d.values())))

</pallas_src>

<mosaic_0001>
#map = affine_map<(d0, d1) -> (0, 0)>
#map1 = affine_map<(d0, d1) -> (0, 0, 0)>
module attributes {stable_mosaic.version = 14 : i64} {
  func.func @prop_kernel(%arg0: i32, %arg1: i32, %arg2: memref<10240x16xf32, #tpu.memory_space<hbm>>, %arg3: memref<32x80x128xi32, #tpu.memory_space<hbm>>, %arg4: memref<32x80x128xi32, #tpu.memory_space<hbm>>, %arg5: memref<2x10240x16xf32, #tpu.memory_space<hbm>>, %arg6: memref<2x16x128xi32, #tpu.memory_space<vmem>>, %arg7: memref<2x16x128xi32, #tpu.memory_space<vmem>>, %arg8: memref<2x128x16xf32, #tpu.memory_space<vmem>>, %arg9: memref<10240x16xf32, #tpu.memory_space<vmem_shared>>, %arg10: memref<10240x16xf32, #tpu.memory_space<vmem_shared>>, %arg11: memref<!tpu.dma_semaphore, #tpu.memory_space<semaphore_mem>>) attributes {dimension_semantics = [#tpu.dimension_semantics<core_parallel>, #tpu.dimension_semantics<subcore_parallel>], iteration_bounds = array<i64: 2, 16>, scalar_prefetch = 0 : i64, scratch_operands = 6 : i64, tpu.core_type = #tpu.core_type<sc_vector_subcore>, window_params = [{transform_indices = #map}, {transform_indices = #map1}, {transform_indices = #map1}, {transform_indices = #map1}]} {
    %mul3A = arith.constant 16 : i32
    %mul3A_0 = arith.muli %arg0, %mul3A : i32
    %add3A = arith.addi %mul3A_0, %arg1 : i32
    %scan3A = arith.constant 0 : i32
    %scan3A_1 = arith.constant 128 : i32
    %scan3A_2 = arith.addi %scan3A, %scan3A_1 : i32
    %scan3A_3 = arith.constant 1 : i32
    scf.for %scan3A_37 = %scan3A to %scan3A_2 step %scan3A_3  : i32 {
      %mul3A_38 = arith.constant 1 : i32
      %mul3A_39 = arith.muli %scan3A_37, %mul3A_38 : i32
      %add3A_40 = arith.constant 0 : i32
      %add3A_41 = arith.addi %add3A_40, %mul3A_39 : i32
      %scan3A_42 = arith.constant 0 : i32
      %mul3A_43 = arith.constant 1 : i32
      %mul3A_44 = arith.muli %scan3A_42, %mul3A_43 : i32
      %add3A_45 = arith.constant 0 : i32
      %add3A_46 = arith.addi %add3A_45, %mul3A_44 : i32
      %broadcast_in_dim3A = arith.constant 0.000000e+00 : f32
      %broadcast_in_dim3A_47 = vector.broadcast %broadcast_in_dim3A : f32 to vector<16xf32>
      %mul3A_48 = arith.constant 16 : i32
      %mul3A_49 = arith.muli %add3A_46, %mul3A_48 : i32
      %swap3A = arith.constant 0 : i32
      %swap3A_50 = arith.index_cast %swap3A : i32 to index
      %swap3A_51 = arith.index_cast %add3A_41 : i32 to index
      %swap3A_52 = arith.index_cast %mul3A_49 : i32 to index
      %swap3A_53 = tpu.vector_load %arg8[%swap3A_50, %swap3A_51, %swap3A_52] {strides = array<i32>} : memref<2x128x16xf32, #tpu.memory_space<vmem>>, vector<1x1x16xf32>,
      %swap3A_54 = vector.shape_cast %swap3A_53 : vector<1x1x16xf32> to vector<16xf32>
      %swap3A_55 = vector.shape_cast %broadcast_in_dim3A_47 : vector<16xf32> to vector<1x1x16xf32>
      tpu.vector_store %arg8[%swap3A_50, %swap3A_51, %swap3A_52], %swap3A_55 {strides = array<i32>} : memref<2x128x16xf32, #tpu.memory_space<vmem>>, vector<1x1x16xf32>,
      %scan3A_56 = arith.constant 1 : i32
    }
    %scan3A_4 = arith.constant 128 : i32
    %scan3A_5 = arith.constant 0 : i32
    %scan3A_6 = arith.constant 5 : i32
    %scan3A_7 = arith.addi %scan3A_5, %scan3A_6 : i32
    %scan3A_8 = arith.constant 1 : i32
    scf.for %scan3A_37 = %scan3A_5 to %scan3A_7 step %scan3A_8  : i32 {
      %mul3A_38 = arith.constant 1 : i32
      %mul3A_39 = arith.muli %scan3A_37, %mul3A_38 : i32
      %add3A_40 = arith.constant 0 : i32
      %add3A_41 = arith.addi %add3A_40, %mul3A_39 : i32
      %mul3A_42 = arith.constant 640 : i32
      %mul3A_43 = arith.muli %arg1, %mul3A_42 : i32
      %mul3A_44 = arith.constant 128 : i32
      %mul3A_45 = arith.muli %add3A_41, %mul3A_44 : i32
      %add3A_46 = arith.addi %mul3A_43, %mul3A_45 : i32
      %run_scoped3A_47 = arith.constant 0 : i32
      "tpu.region"() ({
        %run_scoped3A_48 = tpu.sem_alloc : memref<!tpu.dma_semaphore, #tpu.memory_space<semaphore_mem>>
        %dma_start3A_49 = arith.constant 0 : i32
        %dma_start3A_50 = arith.constant 0 : i32
        %dma_start3A_51 = tpu.memref_slice %arg8[%run_scoped3A_47, %dma_start3A_49, %dma_start3A_50] : memref<2x128x16xf32, #tpu.memory_space<vmem>> -> memref<1x128x16xf32, #tpu.memory_space<vmem>>
        %dma_start3A_52 = tpu.memref_squeeze %dma_start3A_51 : memref<1x128x16xf32, #tpu.memory_space<vmem>> -> memref<128x16xf32, #tpu.memory_space<vmem>>
        %dma_start3A_53 = arith.constant 0 : i32
        %dma_start3A_54 = tpu.memref_slice %arg9[%add3A_46, %dma_start3A_53] : memref<10240x16xf32, #tpu.memory_space<vmem_shared>> -> memref<128x16xf32, #tpu.memory_space<vmem_shared>>
        %dma_start3A_55 = arith.constant 0 : i32
        %dma_start3A_56 = tpu.memref_slice %arg9[%add3A_46, %dma_start3A_55] : memref<10240x16xf32, #tpu.memory_space<vmem_shared>> -> memref<128x16xf32, #tpu.memory_space<vmem_shared>>
        %dma_start3A_57 = arith.constant 0 : i32
        %dma_start3A_58 = arith.constant 0 : i32
        %dma_start3A_59 = tpu.memref_slice %arg8[%run_scoped3A_47, %dma_start3A_57, %dma_start3A_58] : memref<2x128x16xf32, #tpu.memory_space<vmem>> -> memref<1x128x16xf32, #tpu.memory_space<vmem>>
        %dma_start3A_60 = tpu.memref_squeeze %dma_start3A_59 : memref<1x128x16xf32, #tpu.memory_space<vmem>> -> memref<128x16xf32, #tpu.memory_space<vmem>>
        tpu.enqueue_dma source(%dma_start3A_60 : memref<128x16xf32, #tpu.memory_space<vmem>>) target(%dma_start3A_56 : memref<128x16xf32, #tpu.memory_space<vmem_shared>>) target_semaphore(%run_scoped3A_48 : memref<!tpu.dma_semaphore, #tpu.memory_space<semaphore_mem>>)
        %dma_wait3A = arith.constant 0 : i32
        %dma_wait3A_61 = arith.constant 0 : i32
        %dma_wait3A_62 = tpu.memref_slice %arg8[%run_scoped3A_47, %dma_wait3A, %dma_wait3A_61] : memref<2x128x16xf32, #tpu.memory_space<vmem>> -> memref<1x128x16xf32, #tpu.memory_space<vmem>>
        %dma_wait3A_63 = tpu.memref_squeeze %dma_wait3A_62 : memref<1x128x16xf32, #tpu.memory_space<vmem>> -> memref<128x16xf32, #tpu.memory_space<vmem>>
        %dma_wait3A_64 = arith.constant 0 : i32
        %dma_wait3A_65 = tpu.memref_slice %arg9[%add3A_46, %dma_wait3A_64] : memref<10240x16xf32, #tpu.memory_space<vmem_shared>> -> memref<128x16xf32, #tpu.memory_space<vmem_shared>>
        %dma_wait3A_66 = arith.constant 0 : i32
        %dma_wait3A_67 = tpu.memref_slice %arg9[%add3A_46, %dma_wait3A_66] : memref<10240x16xf32, #tpu.memory_space<vmem_shared>> -> memref<128x16xf32, #tpu.memory_space<vmem_shared>>
        %dma_wait3A_68 = arith.constant 0 : i32
        %dma_wait3A_69 = arith.constant 0 : i32
        %dma_wait3A_70 = tpu.memref_slice %arg8[%run_scoped3A_47, %dma_wait3A_68, %dma_wait3A_69] : memref<2x128x16xf32, #tpu.memory_space<vmem>> -> memref<1x128x16xf32, #tpu.memory_space<vmem>>
        %dma_wait3A_71 = tpu.memref_squeeze %dma_wait3A_70 : memref<1x128x16xf32, #tpu.memory_space<vmem>> -> memref<128x16xf32, #tpu.memory_space<vmem>>
        tpu.wait_dma2 semaphore(%run_scoped3A_48 : memref<!tpu.dma_semaphore, #tpu.memory_space<semaphore_mem>>) src(%dma_wait3A_71 : memref<128x16xf32, #tpu.memory_space<vmem>>) dst(%dma_wait3A_67 : memref<128x16xf32, #tpu.memory_space<vmem_shared>>)
        tpu.yield
      }) : () -> ()
    }
    %scan3A_9 = arith.constant 5 : i32
    %mul3A_10 = arith.constant 640 : i32
    %mul3A_11 = arith.muli %arg1, %mul3A_10 : i32
    %mul3A_12 = arith.constant 640 : i32
    %mul3A_13 = arith.muli %arg1, %mul3A_12 : i32
    "tpu.region"() ({
      %run_scoped3A_37 = tpu.sem_alloc : memref<!tpu.dma_semaphore, #tpu.memory_space<semaphore_mem>>
      %dma_start3A_38 = arith.constant 0 : i32
      %dma_start3A_39 = tpu.memref_slice %arg10[%mul3A_13, %dma_start3A_38] : memref<10240x16xf32, #tpu.memory_space<vmem_shared>> -> memref<640x16xf32, #tpu.memory_space<vmem_shared>>
      %dma_start3A_40 = arith.constant 0 : i32
      %dma_start3A_41 = tpu.memref_slice %arg2[%mul3A_11, %dma_start3A_40] : memref<10240x16xf32, #tpu.memory_space<hbm>> -> memref<640x16xf32, #tpu.memory_space<hbm>>
      tpu.enqueue_dma source(%dma_start3A_41 : memref<640x16xf32, #tpu.memory_space<hbm>>) target(%dma_start3A_39 : memref<640x16xf32, #tpu.memory_space<vmem_shared>>) target_semaphore(%run_scoped3A_37 : memref<!tpu.dma_semaphore, #tpu.memory_space<semaphore_mem>>)
      %dma_wait3A = arith.constant 0 : i32
      %dma_wait3A_42 = tpu.memref_slice %arg10[%mul3A_13, %dma_wait3A] : memref<10240x16xf32, #tpu.memory_space<vmem_shared>> -> memref<640x16xf32, #tpu.memory_space<vmem_shared>>
      %dma_wait3A_43 = arith.constant 0 : i32
      %dma_wait3A_44 = tpu.memref_slice %arg2[%mul3A_11, %dma_wait3A_43] : memref<10240x16xf32, #tpu.memory_space<hbm>> -> memref<640x16xf32, #tpu.memory_space<hbm>>
      tpu.wait_dma2 semaphore(%run_scoped3A_37 : memref<!tpu.dma_semaphore, #tpu.memory_space<semaphore_mem>>) src(%dma_wait3A_44 : memref<640x16xf32, #tpu.memory_space<hbm>>) dst(%dma_wait3A_42 : memref<640x16xf32, #tpu.memory_space<vmem_shared>>)
      tpu.yield
    }) : () -> ()
    %barrier3A = arith.constant 0 : index
    tpu.barrier barrier_id(%barrier3A)
    %run_scoped3A = arith.constant 0 : i32
    "tpu.region"() ({
      %run_scoped3A_37 = tpu.sem_alloc : memref<!tpu.dma_semaphore, #tpu.memory_space<semaphore_mem>>
      %dma_start3A_38 = arith.constant 0 : i32
      %dma_start3A_39 = arith.constant 0 : i32
      %dma_start3A_40 = tpu.memref_slice %arg6[%run_scoped3A, %dma_start3A_38, %dma_start3A_39] : memref<2x16x128xi32, #tpu.memory_space<vmem>> -> memref<1x16x128xi32, #tpu.memory_space<vmem>>
      %dma_start3A_41 = tpu.memref_squeeze %dma_start3A_40 : memref<1x16x128xi32, #tpu.memory_space<vmem>> -> memref<16x128xi32, #tpu.memory_space<vmem>>
      %dma_start3A_42 = arith.constant 0 : i32
      %dma_start3A_43 = arith.constant 0 : i32
      %dma_start3A_44 = tpu.memref_slice %arg3[%add3A, %dma_start3A_42, %dma_start3A_43] : memref<32x80x128xi32, #tpu.memory_space<hbm>> -> memref<1x16x128xi32, #tpu.memory_space<hbm>>
      %dma_start3A_45 = tpu.memref_squeeze %dma_start3A_44 : memref<1x16x128xi32, #tpu.memory_space<hbm>> -> memref<16x128xi32, #tpu.memory_space<hbm>>
      %dma_start3A_46 = arith.constant 0 : i32
      %dma_start3A_47 = arith.constant 0 : i32
      %dma_start3A_48 = tpu.memref_slice %arg6[%run_scoped3A, %dma_start3A_46, %dma_start3A_47] : memref<2x16x128xi32, #tpu.memory_space<vmem>> -> memref<1x16x128xi32, #tpu.memory_space<vmem>>
      %dma_start3A_49 = tpu.memref_squeeze %dma_start3A_48 : memref<1x16x128xi32, #tpu.memory_space<vmem>> -> memref<16x128xi32, #tpu.memory_space<vmem>>
      %dma_start3A_50 = arith.constant 0 : i32
      %dma_start3A_51 = arith.constant 0 : i32
      %dma_start3A_52 = tpu.memref_slice %arg3[%add3A, %dma_start3A_50, %dma_start3A_51] : memref<32x80x128xi32, #tpu.memory_space<hbm>> -> memref<1x16x128xi32, #tpu.memory_space<hbm>>
      %dma_start3A_53 = tpu.memref_squeeze %dma_start3A_52 : memref<1x16x128xi32, #tpu.memory_space<hbm>> -> memref<16x128xi32, #tpu.memory_space<hbm>>
      tpu.enqueue_dma source(%dma_start3A_53 : memref<16x128xi32, #tpu.memory_space<hbm>>) target(%dma_start3A_49 : memref<16x128xi32, #tpu.memory_space<vmem>>) target_semaphore(%run_scoped3A_37 : memref<!tpu.dma_semaphore, #tpu.memory_space<semaphore_mem>>)
      %dma_wait3A = arith.constant 0 : i32
      %dma_wait3A_54 = arith.constant 0 : i32
      %dma_wait3A_55 = tpu.memref_slice %arg6[%run_scoped3A, %dma_wait3A, %dma_wait3A_54] : memref<2x16x128xi32, #tpu.memory_space<vmem>> -> memref<1x16x128xi32, #tpu.memory_space<vmem>>
      %dma_wait3A_56 = tpu.memref_squeeze %dma_wait3A_55 : memref<1x16x128xi32, #tpu.memory_space<vmem>> -> memref<16x128xi32, #tpu.memory_space<vmem>>
      %dma_wait3A_57 = arith.constant 0 : i32
      %dma_wait3A_58 = arith.constant 0 : i32
      %dma_wait3A_59 = tpu.memref_slice %arg3[%add3A, %dma_wait3A_57, %dma_wait3A_58] : memref<32x80x128xi32, #tpu.memory_space<hbm>> -> memref<1x16x128xi32, #tpu.memory_space<hbm>>
      %dma_wait3A_60 = tpu.memref_squeeze %dma_wait3A_59 : memref<1x16x128xi32, #tpu.memory_space<hbm>> -> memref<16x128xi32, #tpu.memory_space<hbm>>
      %dma_wait3A_61 = arith.constant 0 : i32
      %dma_wait3A_62 = arith.constant 0 : i32
      %dma_wait3A_63 = tpu.memref_slice %arg6[%run_scoped3A, %dma_wait3A_61, %dma_wait3A_62] : memref<2x16x128xi32, #tpu.memory_space<vmem>> -> memref<1x16x128xi32, #tpu.memory_space<vmem>>
      %dma_wait3A_64 = tpu.memref_squeeze %dma_wait3A_63 : memref<1x16x128xi32, #tpu.memory_space<vmem>> -> memref<16x128xi32, #tpu.memory_space<vmem>>
      %dma_wait3A_65 = arith.constant 0 : i32
      %dma_wait3A_66 = arith.constant 0 : i32
      %dma_wait3A_67 = tpu.memref_slice %arg3[%add3A, %dma_wait3A_65, %dma_wait3A_66] : memref<32x80x128xi32, #tpu.memory_space<hbm>> -> memref<1x16x128xi32, #tpu.memory_space<hbm>>
      %dma_wait3A_68 = tpu.memref_squeeze %dma_wait3A_67 : memref<1x16x128xi32, #tpu.memory_space<hbm>> -> memref<16x128xi32, #tpu.memory_space<hbm>>
      tpu.wait_dma2 semaphore(%run_scoped3A_37 : memref<!tpu.dma_semaphore, #tpu.memory_space<semaphore_mem>>) src(%dma_wait3A_68 : memref<16x128xi32, #tpu.memory_space<hbm>>) dst(%dma_wait3A_64 : memref<16x128xi32, #tpu.memory_space<vmem>>)
      tpu.yield
    }) : () -> ()
    %run_scoped3A_14 = arith.constant 0 : i32
    "tpu.region"() ({
      %run_scoped3A_37 = tpu.sem_alloc : memref<!tpu.dma_semaphore, #tpu.memory_space<semaphore_mem>>
      %dma_start3A_38 = arith.constant 0 : i32
      %dma_start3A_39 = arith.constant 0 : i32
      %dma_start3A_40 = tpu.memref_slice %arg7[%run_scoped3A_14, %dma_start3A_38, %dma_start3A_39] : memref<2x16x128xi32, #tpu.memory_space<vmem>> -> memref<1x16x128xi32, #tpu.memory_space<vmem>>
      %dma_start3A_41 = tpu.memref_squeeze %dma_start3A_40 : memref<1x16x128xi32, #tpu.memory_space<vmem>> -> memref<16x128xi32, #tpu.memory_space<vmem>>
      %dma_start3A_42 = arith.constant 0 : i32
      %dma_start3A_43 = arith.constant 0 : i32
      %dma_start3A_44 = tpu.memref_slice %arg4[%add3A, %dma_start3A_42, %dma_start3A_43] : memref<32x80x128xi32, #tpu.memory_space<hbm>> -> memref<1x16x128xi32, #tpu.memory_space<hbm>>
      %dma_start3A_45 = tpu.memref_squeeze %dma_start3A_44 : memref<1x16x128xi32, #tpu.memory_space<hbm>> -> memref<16x128xi32, #tpu.memory_space<hbm>>
      %dma_start3A_46 = arith.constant 0 : i32
      %dma_start3A_47 = arith.constant 0 : i32
      %dma_start3A_48 = tpu.memref_slice %arg7[%run_scoped3A_14, %dma_start3A_46, %dma_start3A_47] : memref<2x16x128xi32, #tpu.memory_space<vmem>> -> memref<1x16x128xi32, #tpu.memory_space<vmem>>
      %dma_start3A_49 = tpu.memref_squeeze %dma_start3A_48 : memref<1x16x128xi32, #tpu.memory_space<vmem>> -> memref<16x128xi32, #tpu.memory_space<vmem>>
      %dma_start3A_50 = arith.constant 0 : i32
      %dma_start3A_51 = arith.constant 0 : i32
      %dma_start3A_52 = tpu.memref_slice %arg4[%add3A, %dma_start3A_50, %dma_start3A_51] : memref<32x80x128xi32, #tpu.memory_space<hbm>> -> memref<1x16x128xi32, #tpu.memory_space<hbm>>
      %dma_start3A_53 = tpu.memref_squeeze %dma_start3A_52 : memref<1x16x128xi32, #tpu.memory_space<hbm>> -> memref<16x128xi32, #tpu.memory_space<hbm>>
      tpu.enqueue_dma source(%dma_start3A_53 : memref<16x128xi32, #tpu.memory_space<hbm>>) target(%dma_start3A_49 : memref<16x128xi32, #tpu.memory_space<vmem>>) target_semaphore(%run_scoped3A_37 : memref<!tpu.dma_semaphore, #tpu.memory_space<semaphore_mem>>)
      %dma_wait3A = arith.constant 0 : i32
      %dma_wait3A_54 = arith.constant 0 : i32
      %dma_wait3A_55 = tpu.memref_slice %arg7[%run_scoped3A_14, %dma_wait3A, %dma_wait3A_54] : memref<2x16x128xi32, #tpu.memory_space<vmem>> -> memref<1x16x128xi32, #tpu.memory_space<vmem>>
      %dma_wait3A_56 = tpu.memref_squeeze %dma_wait3A_55 : memref<1x16x128xi32, #tpu.memory_space<vmem>> -> memref<16x128xi32, #tpu.memory_space<vmem>>
      %dma_wait3A_57 = arith.constant 0 : i32
      %dma_wait3A_58 = arith.constant 0 : i32
      %dma_wait3A_59 = tpu.memref_slice %arg4[%add3A, %dma_wait3A_57, %dma_wait3A_58] : memref<32x80x128xi32, #tpu.memory_space<hbm>> -> memref<1x16x128xi32, #tpu.memory_space<hbm>>
      %dma_wait3A_60 = tpu.memref_squeeze %dma_wait3A_59 : memref<1x16x128xi32, #tpu.memory_space<hbm>> -> memref<16x128xi32, #tpu.memory_space<hbm>>
      %dma_wait3A_61 = arith.constant 0 : i32
      %dma_wait3A_62 = arith.constant 0 : i32
      %dma_wait3A_63 = tpu.memref_slice %arg7[%run_scoped3A_14, %dma_wait3A_61, %dma_wait3A_62] : memref<2x16x128xi32, #tpu.memory_space<vmem>> -> memref<1x16x128xi32, #tpu.memory_space<vmem>>
      %dma_wait3A_64 = tpu.memref_squeeze %dma_wait3A_63 : memref<1x16x128xi32, #tpu.memory_space<vmem>> -> memref<16x128xi32, #tpu.memory_space<vmem>>
      %dma_wait3A_65 = arith.constant 0 : i32
      %dma_wait3A_66 = arith.constant 0 : i32
      %dma_wait3A_67 = tpu.memref_slice %arg4[%add3A, %dma_wait3A_65, %dma_wait3A_66] : memref<32x80x128xi32, #tpu.memory_space<hbm>> -> memref<1x16x128xi32, #tpu.memory_space<hbm>>
      %dma_wait3A_68 = tpu.memref_squeeze %dma_wait3A_67 : memref<1x16x128xi32, #tpu.memory_space<hbm>> -> memref<16x128xi32, #tpu.memory_space<hbm>>
      tpu.wait_dma2 semaphore(%run_scoped3A_37 : memref<!tpu.dma_semaphore, #tpu.memory_space<semaphore_mem>>) src(%dma_wait3A_68 : memref<16x128xi32, #tpu.memory_space<hbm>>) dst(%dma_wait3A_64 : memref<16x128xi32, #tpu.memory_space<vmem>>)
      tpu.yield
    }) : () -> ()
    %dma_start3A = arith.constant 0 : i32
    %dma_start3A_15 = arith.constant 0 : i32
    %dma_start3A_16 = arith.constant 0 : i32
    %dma_start3A_17 = arith.constant 0 : i32
    %dma_start3A_18 = arith.constant 0 : i32
    %dma_start3A_19 = tpu.memref_slice %arg8[%dma_start3A_16, %dma_start3A_17, %dma_start3A_18] : memref<2x128x16xf32, #tpu.memory_space<vmem>> -> memref<1x128x16xf32, #tpu.memory_space<vmem>>
    %dma_start3A_20 = tpu.memref_squeeze %dma_start3A_19 : memref<1x128x16xf32, #tpu.memory_space<vmem>> -> memref<128x16xf32, #tpu.memory_space<vmem>>
    %dma_start3A_21 = arith.constant 0 : i32
    %dma_start3A_22 = tpu.memref_slice %arg6[%dma_start3A, %dma_start3A_15, %dma_start3A_21] : memref<2x16x128xi32, #tpu.memory_space<vmem>> -> memref<1x1x128xi32, #tpu.memory_space<vmem>>
    %dma_start3A_23 = tpu.memref_squeeze %dma_start3A_22 : memref<1x1x128xi32, #tpu.memory_space<vmem>> -> memref<128xi32, #tpu.memory_space<vmem>>
    %dma_start3A_24 = arith.constant 0 : i32
    %dma_start3A_25 = arith.constant 0 : i32
    %dma_start3A_26 = tpu.memref_slice %arg10[%dma_start3A_24, %dma_start3A_25] : memref<10240x16xf32, #tpu.memory_space<vmem_shared>> -> memref<10240x16xf32, #tpu.memory_space<vmem_shared>>
    tpu.enqueue_indirect_dma source(%dma_start3A_26 : memref<10240x16xf32, #tpu.memory_space<vmem_shared>>) target(%dma_start3A_20 : memref<128x16xf32, #tpu.memory_space<vmem>>) offsets(%dma_start3A_23 : memref<128xi32, #tpu.memory_space<vmem>>) semaphore(%arg11 : memref<!tpu.dma_semaphore, #tpu.memory_space<semaphore_mem>>)
    %scan3A_27 = arith.constant 0 : i32
    %scan3A_28 = arith.constant 80 : i32
    %scan3A_29 = arith.addi %scan3A_27, %scan3A_28 : i32
    %scan3A_30 = arith.constant 1 : i32
    scf.for %scan3A_37 = %scan3A_27 to %scan3A_29 step %scan3A_30  : i32 {
      %mul3A_38 = arith.constant 1 : i32
      %mul3A_39 = arith.muli %scan3A_37, %mul3A_38 : i32
      %add3A_40 = arith.constant 0 : i32
      %add3A_41 = arith.addi %add3A_40, %mul3A_39 : i32
      %div3A = arith.constant 16 : i32
      %div3A_42 = arith.divsi %add3A_41, %div3A : i32
      %rem3A = arith.constant 2 : i32
      %rem3A_43 = arith.remsi %div3A_42, %rem3A : i32
      %rem3A_44 = arith.constant 16 : i32
      %rem3A_45 = arith.remsi %add3A_41, %rem3A_44 : i32
      %rem3A_46 = arith.constant 2 : i32
      %rem3A_47 = arith.remsi %add3A_41, %rem3A_46 : i32
      %dma_wait3A = arith.constant 0 : i32
      %dma_wait3A_48 = arith.constant 0 : i32
      %dma_wait3A_49 = tpu.memref_slice %arg8[%rem3A_47, %dma_wait3A, %dma_wait3A_48] : memref<2x128x16xf32, #tpu.memory_space<vmem>> -> memref<1x128x16xf32, #tpu.memory_space<vmem>>
      %dma_wait3A_50 = tpu.memref_squeeze %dma_wait3A_49 : memref<1x128x16xf32, #tpu.memory_space<vmem>> -> memref<128x16xf32, #tpu.memory_space<vmem>>
      %dma_wait3A_51 = arith.constant 0 : i32
      %dma_wait3A_52 = tpu.memref_slice %arg6[%rem3A_43, %rem3A_45, %dma_wait3A_51] : memref<2x16x128xi32, #tpu.memory_space<vmem>> -> memref<1x1x128xi32, #tpu.memory_space<vmem>>
      %dma_wait3A_53 = tpu.memref_squeeze %dma_wait3A_52 : memref<1x1x128xi32, #tpu.memory_space<vmem>> -> memref<128xi32, #tpu.memory_space<vmem>>
      %dma_wait3A_54 = arith.constant 0 : i32
      %dma_wait3A_55 = arith.constant 0 : i32
      %dma_wait3A_56 = tpu.memref_slice %arg10[%dma_wait3A_54, %dma_wait3A_55] : memref<10240x16xf32, #tpu.memory_space<vmem_shared>> -> memref<10240x16xf32, #tpu.memory_space<vmem_shared>>
      tpu.wait_indirect_dma semaphore(%arg11 : memref<!tpu.dma_semaphore, #tpu.memory_space<semaphore_mem>>) src(%dma_wait3A_56 : memref<10240x16xf32, #tpu.memory_space<vmem_shared>>) dst(%dma_wait3A_50 : memref<128x16xf32, #tpu.memory_space<vmem>>)
      %eq3A = arith.constant 15 : i32
      %eq3A_57 = arith.cmpi eq, %rem3A_45, %eq3A : i32
      %add3A_58 = arith.constant 1 : i32
      %add3A_59 = arith.addi %add3A_41, %add3A_58 : i32
      %lt3A = arith.constant 80 : i32
      %lt3A_60 = arith.cmpi slt, %add3A_59, %lt3A : i32
      %and3A = arith.andi %eq3A_57, %lt3A_60 : i1
      %convert_element_type3A = arith.extui %and3A : i1 to i32
      %cond3A = arith.constant 0 : i32
      %cond3A_61 = arith.cmpi ne, %convert_element_type3A, %cond3A : i32
      scf.if %cond3A_61 {
        %add3A_69 = arith.constant 1 : i32
        %add3A_70 = arith.addi %div3A_42, %add3A_69 : i32
        %rem3A_71 = arith.constant 2 : i32
        %rem3A_72 = arith.remsi %add3A_70, %rem3A_71 : i32
        %add3A_73 = arith.constant 1 : i32
        %add3A_74 = arith.addi %div3A_42, %add3A_73 : i32
        %mul3A_75 = arith.constant 16 : i32
        %mul3A_76 = arith.muli %add3A_74, %mul3A_75 : i32
        "tpu.region"() ({
          %run_scoped3A_81 = tpu.sem_alloc : memref<!tpu.dma_semaphore, #tpu.memory_space<semaphore_mem>>
          %dma_start3A_82 = arith.constant 0 : i32
          %dma_start3A_83 = arith.constant 0 : i32
          %dma_start3A_84 = tpu.memref_slice %arg6[%rem3A_72, %dma_start3A_82, %dma_start3A_83] : memref<2x16x128xi32, #tpu.memory_space<vmem>> -> memref<1x16x128xi32, #tpu.memory_space<vmem>>
          %dma_start3A_85 = tpu.memref_squeeze %dma_start3A_84 : memref<1x16x128xi32, #tpu.memory_space<vmem>> -> memref<16x128xi32, #tpu.memory_space<vmem>>
          %dma_start3A_86 = arith.constant 0 : i32
          %dma_start3A_87 = tpu.memref_slice %arg3[%add3A, %mul3A_76, %dma_start3A_86] : memref<32x80x128xi32, #tpu.memory_space<hbm>> -> memref<1x16x128xi32, #tpu.memory_space<hbm>>
          %dma_start3A_88 = tpu.memref_squeeze %dma_start3A_87 : memref<1x16x128xi32, #tpu.memory_space<hbm>> -> memref<16x128xi32, #tpu.memory_space<hbm>>
          %dma_start3A_89 = arith.constant 0 : i32
          %dma_start3A_90 = arith.constant 0 : i32
          %dma_start3A_91 = tpu.memref_slice %arg6[%rem3A_72, %dma_start3A_89, %dma_start3A_90] : memref<2x16x128xi32, #tpu.memory_space<vmem>> -> memref<1x16x128xi32, #tpu.memory_space<vmem>>
          %dma_start3A_92 = tpu.memref_squeeze %dma_start3A_91 : memref<1x16x128xi32, #tpu.memory_space<vmem>> -> memref<16x128xi32, #tpu.memory_space<vmem>>
          %dma_start3A_93 = arith.constant 0 : i32
          %dma_start3A_94 = tpu.memref_slice %arg3[%add3A, %mul3A_76, %dma_start3A_93] : memref<32x80x128xi32, #tpu.memory_space<hbm>> -> memref<1x16x128xi32, #tpu.memory_space<hbm>>
          %dma_start3A_95 = tpu.memref_squeeze %dma_start3A_94 : memref<1x16x128xi32, #tpu.memory_space<hbm>> -> memref<16x128xi32, #tpu.memory_space<hbm>>
          tpu.enqueue_dma source(%dma_start3A_95 : memref<16x128xi32, #tpu.memory_space<hbm>>) target(%dma_start3A_92 : memref<16x128xi32, #tpu.memory_space<vmem>>) target_semaphore(%run_scoped3A_81 : memref<!tpu.dma_semaphore, #tpu.memory_space<semaphore_mem>>)
          %dma_wait3A_96 = arith.constant 0 : i32
          %dma_wait3A_97 = arith.constant 0 : i32
          %dma_wait3A_98 = tpu.memref_slice %arg6[%rem3A_72, %dma_wait3A_96, %dma_wait3A_97] : memref<2x16x128xi32, #tpu.memory_space<vmem>> -> memref<1x16x128xi32, #tpu.memory_space<vmem>>
          %dma_wait3A_99 = tpu.memref_squeeze %dma_wait3A_98 : memref<1x16x128xi32, #tpu.memory_space<vmem>> -> memref<16x128xi32, #tpu.memory_space<vmem>>
          %dma_wait3A_100 = arith.constant 0 : i32
          %dma_wait3A_101 = tpu.memref_slice %arg3[%add3A, %mul3A_76, %dma_wait3A_100] : memref<32x80x128xi32, #tpu.memory_space<hbm>> -> memref<1x16x128xi32, #tpu.memory_space<hbm>>
          %dma_wait3A_102 = tpu.memref_squeeze %dma_wait3A_101 : memref<1x16x128xi32, #tpu.memory_space<hbm>> -> memref<16x128xi32, #tpu.memory_space<hbm>>
          %dma_wait3A_103 = arith.constant 0 : i32
          %dma_wait3A_104 = arith.constant 0 : i32
          %dma_wait3A_105 = tpu.memref_slice %arg6[%rem3A_72, %dma_wait3A_103, %dma_wait3A_104] : memref<2x16x128xi32, #tpu.memory_space<vmem>> -> memref<1x16x128xi32, #tpu.memory_space<vmem>>
          %dma_wait3A_106 = tpu.memref_squeeze %dma_wait3A_105 : memref<1x16x128xi32, #tpu.memory_space<vmem>> -> memref<16x128xi32, #tpu.memory_space<vmem>>
          %dma_wait3A_107 = arith.constant 0 : i32
          %dma_wait3A_108 = tpu.memref_slice %arg3[%add3A, %mul3A_76, %dma_wait3A_107] : memref<32x80x128xi32, #tpu.memory_space<hbm>> -> memref<1x16x128xi32, #tpu.memory_space<hbm>>
          %dma_wait3A_109 = tpu.memref_squeeze %dma_wait3A_108 : memref<1x16x128xi32, #tpu.memory_space<hbm>> -> memref<16x128xi32, #tpu.memory_space<hbm>>
          tpu.wait_dma2 semaphore(%run_scoped3A_81 : memref<!tpu.dma_semaphore, #tpu.memory_space<semaphore_mem>>) src(%dma_wait3A_109 : memref<16x128xi32, #tpu.memory_space<hbm>>) dst(%dma_wait3A_106 : memref<16x128xi32, #tpu.memory_space<vmem>>)
          tpu.yield
        }) : () -> ()
        %add3A_77 = arith.constant 1 : i32
        %add3A_78 = arith.addi %div3A_42, %add3A_77 : i32
        %mul3A_79 = arith.constant 16 : i32
        %mul3A_80 = arith.muli %add3A_78, %mul3A_79 : i32
        "tpu.region"() ({
          %run_scoped3A_81 = tpu.sem_alloc : memref<!tpu.dma_semaphore, #tpu.memory_space<semaphore_mem>>
          %dma_start3A_82 = arith.constant 0 : i32
          %dma_start3A_83 = arith.constant 0 : i32
          %dma_start3A_84 = tpu.memref_slice %arg7[%rem3A_72, %dma_start3A_82, %dma_start3A_83] : memref<2x16x128xi32, #tpu.memory_space<vmem>> -> memref<1x16x128xi32, #tpu.memory_space<vmem>>
          %dma_start3A_85 = tpu.memref_squeeze %dma_start3A_84 : memref<1x16x128xi32, #tpu.memory_space<vmem>> -> memref<16x128xi32, #tpu.memory_space<vmem>>
          %dma_start3A_86 = arith.constant 0 : i32
          %dma_start3A_87 = tpu.memref_slice %arg4[%add3A, %mul3A_80, %dma_start3A_86] : memref<32x80x128xi32, #tpu.memory_space<hbm>> -> memref<1x16x128xi32, #tpu.memory_space<hbm>>
          %dma_start3A_88 = tpu.memref_squeeze %dma_start3A_87 : memref<1x16x128xi32, #tpu.memory_space<hbm>> -> memref<16x128xi32, #tpu.memory_space<hbm>>
          %dma_start3A_89 = arith.constant 0 : i32
          %dma_start3A_90 = arith.constant 0 : i32
          %dma_start3A_91 = tpu.memref_slice %arg7[%rem3A_72, %dma_start3A_89, %dma_start3A_90] : memref<2x16x128xi32, #tpu.memory_space<vmem>> -> memref<1x16x128xi32, #tpu.memory_space<vmem>>
          %dma_start3A_92 = tpu.memref_squeeze %dma_start3A_91 : memref<1x16x128xi32, #tpu.memory_space<vmem>> -> memref<16x128xi32, #tpu.memory_space<vmem>>
          %dma_start3A_93 = arith.constant 0 : i32
          %dma_start3A_94 = tpu.memref_slice %arg4[%add3A, %mul3A_80, %dma_start3A_93] : memref<32x80x128xi32, #tpu.memory_space<hbm>> -> memref<1x16x128xi32, #tpu.memory_space<hbm>>
          %dma_start3A_95 = tpu.memref_squeeze %dma_start3A_94 : memref<1x16x128xi32, #tpu.memory_space<hbm>> -> memref<16x128xi32, #tpu.memory_space<hbm>>
          tpu.enqueue_dma source(%dma_start3A_95 : memref<16x128xi32, #tpu.memory_space<hbm>>) target(%dma_start3A_92 : memref<16x128xi32, #tpu.memory_space<vmem>>) target_semaphore(%run_scoped3A_81 : memref<!tpu.dma_semaphore, #tpu.memory_space<semaphore_mem>>)
          %dma_wait3A_96 = arith.constant 0 : i32
          %dma_wait3A_97 = arith.constant 0 : i32
          %dma_wait3A_98 = tpu.memref_slice %arg7[%rem3A_72, %dma_wait3A_96, %dma_wait3A_97] : memref<2x16x128xi32, #tpu.memory_space<vmem>> -> memref<1x16x128xi32, #tpu.memory_space<vmem>>
          %dma_wait3A_99 = tpu.memref_squeeze %dma_wait3A_98 : memref<1x16x128xi32, #tpu.memory_space<vmem>> -> memref<16x128xi32, #tpu.memory_space<vmem>>
          %dma_wait3A_100 = arith.constant 0 : i32
          %dma_wait3A_101 = tpu.memref_slice %arg4[%add3A, %mul3A_80, %dma_wait3A_100] : memref<32x80x128xi32, #tpu.memory_space<hbm>> -> memref<1x16x128xi32, #tpu.memory_space<hbm>>
          %dma_wait3A_102 = tpu.memref_squeeze %dma_wait3A_101 : memref<1x16x128xi32, #tpu.memory_space<hbm>> -> memref<16x128xi32, #tpu.memory_space<hbm>>
          %dma_wait3A_103 = arith.constant 0 : i32
          %dma_wait3A_104 = arith.constant 0 : i32
          %dma_wait3A_105 = tpu.memref_slice %arg7[%rem3A_72, %dma_wait3A_103, %dma_wait3A_104] : memref<2x16x128xi32, #tpu.memory_space<vmem>> -> memref<1x16x128xi32, #tpu.memory_space<vmem>>
          %dma_wait3A_106 = tpu.memref_squeeze %dma_wait3A_105 : memref<1x16x128xi32, #tpu.memory_space<vmem>> -> memref<16x128xi32, #tpu.memory_space<vmem>>
          %dma_wait3A_107 = arith.constant 0 : i32
          %dma_wait3A_108 = tpu.memref_slice %arg4[%add3A, %mul3A_80, %dma_wait3A_107] : memref<32x80x128xi32, #tpu.memory_space<hbm>> -> memref<1x16x128xi32, #tpu.memory_space<hbm>>
          %dma_wait3A_109 = tpu.memref_squeeze %dma_wait3A_108 : memref<1x16x128xi32, #tpu.memory_space<hbm>> -> memref<16x128xi32, #tpu.memory_space<hbm>>
          tpu.wait_dma2 semaphore(%run_scoped3A_81 : memref<!tpu.dma_semaphore, #tpu.memory_space<semaphore_mem>>) src(%dma_wait3A_109 : memref<16x128xi32, #tpu.memory_space<hbm>>) dst(%dma_wait3A_106 : memref<16x128xi32, #tpu.memory_space<vmem>>)
          tpu.yield
        }) : () -> ()
      } else {
      }
      %add3A_62 = arith.constant 1 : i32
      %add3A_63 = arith.addi %add3A_41, %add3A_62 : i32
      %lt3A_64 = arith.constant 80 : i32
      %lt3A_65 = arith.cmpi slt, %add3A_63, %lt3A_64 : i32
      %convert_element_type3A_66 = arith.extui %lt3A_65 : i1 to i32
      %cond3A_67 = arith.constant 0 : i32
      %cond3A_68 = arith.cmpi ne, %convert_element_type3A_66, %cond3A_67 : i32
      scf.if %cond3A_68 {
        %add3A_69 = arith.constant 1 : i32
        %add3A_70 = arith.addi %add3A_41, %add3A_69 : i32
        %div3A_71 = arith.constant 16 : i32
        %div3A_72 = arith.divsi %add3A_70, %div3A_71 : i32
        %rem3A_73 = arith.constant 2 : i32
        %rem3A_74 = arith.remsi %div3A_72, %rem3A_73 : i32
        %rem3A_75 = arith.constant 16 : i32
        %rem3A_76 = arith.remsi %add3A_70, %rem3A_75 : i32
        %rem3A_77 = arith.constant 2 : i32
        %rem3A_78 = arith.remsi %add3A_70, %rem3A_77 : i32
        %dma_start3A_79 = arith.constant 0 : i32
        %dma_start3A_80 = arith.constant 0 : i32
        %dma_start3A_81 = tpu.memref_slice %arg8[%rem3A_78, %dma_start3A_79, %dma_start3A_80] : memref<2x128x16xf32, #tpu.memory_space<vmem>> -> memref<1x128x16xf32, #tpu.memory_space<vmem>>
        %dma_start3A_82 = tpu.memref_squeeze %dma_start3A_81 : memref<1x128x16xf32, #tpu.memory_space<vmem>> -> memref<128x16xf32, #tpu.memory_space<vmem>>
        %dma_start3A_83 = arith.constant 0 : i32
        %dma_start3A_84 = tpu.memref_slice %arg6[%rem3A_74, %rem3A_76, %dma_start3A_83] : memref<2x16x128xi32, #tpu.memory_space<vmem>> -> memref<1x1x128xi32, #tpu.memory_space<vmem>>
        %dma_start3A_85 = tpu.memref_squeeze %dma_start3A_84 : memref<1x1x128xi32, #tpu.memory_space<vmem>> -> memref<128xi32, #tpu.memory_space<vmem>>
        %dma_start3A_86 = arith.constant 0 : i32
        %dma_start3A_87 = arith.constant 0 : i32
        %dma_start3A_88 = tpu.memref_slice %arg10[%dma_start3A_86, %dma_start3A_87] : memref<10240x16xf32, #tpu.memory_space<vmem_shared>> -> memref<10240x16xf32, #tpu.memory_space<vmem_shared>>
        tpu.enqueue_indirect_dma source(%dma_start3A_88 : memref<10240x16xf32, #tpu.memory_space<vmem_shared>>) target(%dma_start3A_82 : memref<128x16xf32, #tpu.memory_space<vmem>>) offsets(%dma_start3A_85 : memref<128xi32, #tpu.memory_space<vmem>>) semaphore(%arg11 : memref<!tpu.dma_semaphore, #tpu.memory_space<semaphore_mem>>)
      } else {
      }
      "tpu.region"() ({
        %run_scoped3A_69 = tpu.sem_alloc : memref<!tpu.dma_semaphore, #tpu.memory_space<semaphore_mem>>
        %dma_start3A_70 = arith.constant 0 : i32
        %dma_start3A_71 = arith.constant 0 : i32
        %dma_start3A_72 = tpu.memref_slice %arg8[%rem3A_47, %dma_start3A_70, %dma_start3A_71] : memref<2x128x16xf32, #tpu.memory_space<vmem>> -> memref<1x128x16xf32, #tpu.memory_space<vmem>>
        %dma_start3A_73 = tpu.memref_squeeze %dma_start3A_72 : memref<1x128x16xf32, #tpu.memory_space<vmem>> -> memref<128x16xf32, #tpu.memory_space<vmem>>
        %dma_start3A_74 = arith.constant 0 : i32
        %dma_start3A_75 = tpu.memref_slice %arg7[%rem3A_43, %rem3A_45, %dma_start3A_74] : memref<2x16x128xi32, #tpu.memory_space<vmem>> -> memref<1x1x128xi32, #tpu.memory_space<vmem>>
        %dma_start3A_76 = tpu.memref_squeeze %dma_start3A_75 : memref<1x1x128xi32, #tpu.memory_space<vmem>> -> memref<128xi32, #tpu.memory_space<vmem>>
        %dma_start3A_77 = arith.constant 0 : i32
        %dma_start3A_78 = arith.constant 0 : i32
        %dma_start3A_79 = tpu.memref_slice %arg9[%dma_start3A_77, %dma_start3A_78] : memref<10240x16xf32, #tpu.memory_space<vmem_shared>> -> memref<10240x16xf32, #tpu.memory_space<vmem_shared>>
        tpu.enqueue_indirect_dma source(%dma_start3A_73 : memref<128x16xf32, #tpu.memory_space<vmem>>) target(%dma_start3A_79 : memref<10240x16xf32, #tpu.memory_space<vmem_shared>>) offsets(%dma_start3A_76 : memref<128xi32, #tpu.memory_space<vmem>>) semaphore(%run_scoped3A_69 : memref<!tpu.dma_semaphore, #tpu.memory_space<semaphore_mem>>) {add = true}
        %dma_wait3A_80 = arith.constant 0 : i32
        %dma_wait3A_81 = arith.constant 0 : i32
        %dma_wait3A_82 = tpu.memref_slice %arg8[%rem3A_47, %dma_wait3A_80, %dma_wait3A_81] : memref<2x128x16xf32, #tpu.memory_space<vmem>> -> memref<1x128x16xf32, #tpu.memory_space<vmem>>
        %dma_wait3A_83 = tpu.memref_squeeze %dma_wait3A_82 : memref<1x128x16xf32, #tpu.memory_space<vmem>> -> memref<128x16xf32, #tpu.memory_space<vmem>>
        %dma_wait3A_84 = arith.constant 0 : i32
        %dma_wait3A_85 = tpu.memref_slice %arg7[%rem3A_43, %rem3A_45, %dma_wait3A_84] : memref<2x16x128xi32, #tpu.memory_space<vmem>> -> memref<1x1x128xi32, #tpu.memory_space<vmem>>
        %dma_wait3A_86 = tpu.memref_squeeze %dma_wait3A_85 : memref<1x1x128xi32, #tpu.memory_space<vmem>> -> memref<128xi32, #tpu.memory_space<vmem>>
        %dma_wait3A_87 = arith.constant 0 : i32
        %dma_wait3A_88 = arith.constant 0 : i32
        %dma_wait3A_89 = tpu.memref_slice %arg9[%dma_wait3A_87, %dma_wait3A_88] : memref<10240x16xf32, #tpu.memory_space<vmem_shared>> -> memref<10240x16xf32, #tpu.memory_space<vmem_shared>>
        tpu.wait_indirect_dma semaphore(%run_scoped3A_69 : memref<!tpu.dma_semaphore, #tpu.memory_space<semaphore_mem>>) src(%dma_wait3A_83 : memref<128x16xf32, #tpu.memory_space<vmem>>) dst(%dma_wait3A_89 : memref<10240x16xf32, #tpu.memory_space<vmem_shared>>)
        tpu.yield
      }) : () -> ()
    }
    %scan3A_31 = arith.constant 80 : i32
    %barrier3A_32 = arith.constant 0 : index
    tpu.barrier barrier_id(%barrier3A_32)
    %mul3A_33 = arith.constant 640 : i32
    %mul3A_34 = arith.muli %arg1, %mul3A_33 : i32
    %mul3A_35 = arith.constant 640 : i32
    %mul3A_36 = arith.muli %arg1, %mul3A_35 : i32
    "tpu.region"() ({
      %run_scoped3A_37 = tpu.sem_alloc : memref<!tpu.dma_semaphore, #tpu.memory_space<semaphore_mem>>
      %dma_start3A_38 = arith.constant 0 : i32
      %dma_start3A_39 = tpu.memref_slice %arg5[%arg0, %mul3A_36, %dma_start3A_38] : memref<2x10240x16xf32, #tpu.memory_space<hbm>> -> memref<1x640x16xf32, #tpu.memory_space<hbm>>
      %dma_start3A_40 = tpu.memref_squeeze %dma_start3A_39 : memref<1x640x16xf32, #tpu.memory_space<hbm>> -> memref<640x16xf32, #tpu.memory_space<hbm>>
      %dma_start3A_41 = arith.constant 0 : i32
      %dma_start3A_42 = tpu.memref_slice %arg9[%mul3A_34, %dma_start3A_41] : memref<10240x16xf32, #tpu.memory_space<vmem_shared>> -> memref<640x16xf32, #tpu.memory_space<vmem_shared>>
      tpu.enqueue_dma source(%dma_start3A_42 : memref<640x16xf32, #tpu.memory_space<vmem_shared>>) target(%dma_start3A_40 : memref<640x16xf32, #tpu.memory_space<hbm>>) target_semaphore(%run_scoped3A_37 : memref<!tpu.dma_semaphore, #tpu.memory_space<semaphore_mem>>)
      %dma_wait3A = arith.constant 0 : i32
      %dma_wait3A_43 = tpu.memref_slice %arg5[%arg0, %mul3A_36, %dma_wait3A] : memref<2x10240x16xf32, #tpu.memory_space<hbm>> -> memref<1x640x16xf32, #tpu.memory_space<hbm>>
      %dma_wait3A_44 = tpu.memref_squeeze %dma_wait3A_43 : memref<1x640x16xf32, #tpu.memory_space<hbm>> -> memref<640x16xf32, #tpu.memory_space<hbm>>
      %dma_wait3A_45 = arith.constant 0 : i32
      %dma_wait3A_46 = tpu.memref_slice %arg9[%mul3A_34, %dma_wait3A_45] : memref<10240x16xf32, #tpu.memory_space<vmem_shared>> -> memref<640x16xf32, #tpu.memory_space<vmem_shared>>
      tpu.wait_dma2 semaphore(%run_scoped3A_37 : memref<!tpu.dma_semaphore, #tpu.memory_space<semaphore_mem>>) src(%dma_wait3A_46 : memref<640x16xf32, #tpu.memory_space<vmem_shared>>) dst(%dma_wait3A_44 : memref<640x16xf32, #tpu.memory_space<hbm>>)
      tpu.yield
    }) : () -> ()
    return
  }
}

#map = affine_map<(d0, d1) -> (0, 0)>
#map1 = affine_map<(d0, d1) -> (0, 0, 0)>
module attributes {stable_mosaic.version = 14 : i64} {
  func.func @prop_kernel(%arg0: i32, %arg1: i32, %arg2: memref<10240x64xf32, #tpu.memory_space<hbm>>, %arg3: memref<10240x64xf32, #tpu.memory_space<hbm>>, %arg4: memref<32x80x128xi32, #tpu.memory_space<hbm>>, %arg5: memref<32x80x128xi32, #tpu.memory_space<hbm>>, %arg6: memref<2x10240x64xf32, #tpu.memory_space<hbm>>, %arg7: memref<2x10240x64xf32, #tpu.memory_space<hbm>>, %arg8: memref<2x16x128xi32, #tpu.memory_space<vmem>>, %arg9: memref<2x16x128xi32, #tpu.memory_space<vmem>>, %arg10: memref<2x128x64xf32, #tpu.memory_space<vmem>>, %arg11: memref<10240x64xf32, #tpu.memory_space<vmem_shared>>, %arg12: memref<10240x64xf32, #tpu.memory_space<vmem_shared>>, %arg13: memref<!tpu.dma_semaphore, #tpu.memory_space<semaphore_mem>>) attributes {dimension_semantics = [#tpu.dimension_semantics<core_parallel>, #tpu.dimension_semantics<subcore_parallel>], iteration_bounds = array<i64: 2, 16>, scalar_prefetch = 0 : i64, scratch_operands = 6 : i64, tpu.core_type = #tpu.core_type<sc_vector_subcore>, window_params = [{transform_indices = #map}, {transform_indices = #map}, {transform_indices = #map1}, {transform_indices = #map1}, {transform_indices = #map1}, {transform_indices = #map1}]} {
    %mul3A = arith.constant 16 : i32
    %mul3A_0 = arith.muli %arg0, %mul3A : i32
    %add3A = arith.addi %mul3A_0, %arg1 : i32
    %scan3A = arith.constant 0 : i32
    %scan3A_1 = arith.constant 128 : i32
    %scan3A_2 = arith.addi %scan3A, %scan3A_1 : i32
    %scan3A_3 = arith.constant 1 : i32
    scf.for %scan3A_77 = %scan3A to %scan3A_2 step %scan3A_3  : i32 {
      %mul3A_78 = arith.constant 1 : i32
      %mul3A_79 = arith.muli %scan3A_77, %mul3A_78 : i32
      %add3A_80 = arith.constant 0 : i32
      %add3A_81 = arith.addi %add3A_80, %mul3A_79 : i32
      %scan3A_82 = arith.constant 0 : i32
      %scan3A_83 = arith.constant 4 : i32
      %scan3A_84 = arith.addi %scan3A_82, %scan3A_83 : i32
      %scan3A_85 = arith.constant 1 : i32
      scf.for %scan3A_87 = %scan3A_82 to %scan3A_84 step %scan3A_85  : i32 {
        %mul3A_88 = arith.constant 1 : i32
        %mul3A_89 = arith.muli %scan3A_87, %mul3A_88 : i32
        %add3A_90 = arith.constant 0 : i32
        %add3A_91 = arith.addi %add3A_90, %mul3A_89 : i32
        %broadcast_in_dim3A = arith.constant 0.000000e+00 : f32
        %broadcast_in_dim3A_92 = vector.broadcast %broadcast_in_dim3A : f32 to vector<16xf32>
        %mul3A_93 = arith.constant 16 : i32
        %mul3A_94 = arith.muli %add3A_91, %mul3A_93 : i32
        %swap3A = arith.constant 0 : i32
        %swap3A_95 = arith.index_cast %swap3A : i32 to index
        %swap3A_96 = arith.index_cast %add3A_81 : i32 to index
        %swap3A_97 = arith.index_cast %mul3A_94 : i32 to index
        %swap3A_98 = tpu.vector_load %arg10[%swap3A_95, %swap3A_96, %swap3A_97] {strides = array<i32>} : memref<2x128x64xf32, #tpu.memory_space<vmem>>, vector<1x1x16xf32>,
        %swap3A_99 = vector.shape_cast %swap3A_98 : vector<1x1x16xf32> to vector<16xf32>
        %swap3A_100 = vector.shape_cast %broadcast_in_dim3A_92 : vector<16xf32> to vector<1x1x16xf32>
        tpu.vector_store %arg10[%swap3A_95, %swap3A_96, %swap3A_97], %swap3A_100 {strides = array<i32>} : memref<2x128x64xf32, #tpu.memory_space<vmem>>, vector<1x1x16xf32>,
      }
      %scan3A_86 = arith.constant 4 : i32
    }
    %scan3A_4 = arith.constant 128 : i32
    %scan3A_5 = arith.constant 0 : i32
    %scan3A_6 = arith.constant 5 : i32
    %scan3A_7 = arith.addi %scan3A_5, %scan3A_6 : i32
    %scan3A_8 = arith.constant 1 : i32
    scf.for %scan3A_77 = %scan3A_5 to %scan3A_7 step %scan3A_8  : i32 {
      %mul3A_78 = arith.constant 1 : i32
      %mul3A_79 = arith.muli %scan3A_77, %mul3A_78 : i32
      %add3A_80 = arith.constant 0 : i32
      %add3A_81 = arith.addi %add3A_80, %mul3A_79 : i32
      %mul3A_82 = arith.constant 640 : i32
      %mul3A_83 = arith.muli %arg1, %mul3A_82 : i32
      %mul3A_84 = arith.constant 128 : i32
      %mul3A_85 = arith.muli %add3A_81, %mul3A_84 : i32
      %add3A_86 = arith.addi %mul3A_83, %mul3A_85 : i32
      %run_scoped3A_87 = arith.constant 0 : i32
      "tpu.region"() ({
        %run_scoped3A_88 = tpu.sem_alloc : memref<!tpu.dma_semaphore, #tpu.memory_space<semaphore_mem>>
        %dma_start3A_89 = arith.constant 0 : i32
        %dma_start3A_90 = arith.constant 0 : i32
        %dma_start3A_91 = tpu.memref_slice %arg10[%run_scoped3A_87, %dma_start3A_89, %dma_start3A_90] : memref<2x128x64xf32, #tpu.memory_space<vmem>> -> memref<1x128x64xf32, #tpu.memory_space<vmem>>
        %dma_start3A_92 = tpu.memref_squeeze %dma_start3A_91 : memref<1x128x64xf32, #tpu.memory_space<vmem>> -> memref<128x64xf32, #tpu.memory_space<vmem>>
        %dma_start3A_93 = arith.constant 0 : i32
        %dma_start3A_94 = tpu.memref_slice %arg11[%add3A_86, %dma_start3A_93] : memref<10240x64xf32, #tpu.memory_space<vmem_shared>> -> memref<128x64xf32, #tpu.memory_space<vmem_shared>>
        %dma_start3A_95 = arith.constant 0 : i32
        %dma_start3A_96 = tpu.memref_slice %arg11[%add3A_86, %dma_start3A_95] : memref<10240x64xf32, #tpu.memory_space<vmem_shared>> -> memref<128x64xf32, #tpu.memory_space<vmem_shared>>
        %dma_start3A_97 = arith.constant 0 : i32
        %dma_start3A_98 = arith.constant 0 : i32
        %dma_start3A_99 = tpu.memref_slice %arg10[%run_scoped3A_87, %dma_start3A_97, %dma_start3A_98] : memref<2x128x64xf32, #tpu.memory_space<vmem>> -> memref<1x128x64xf32, #tpu.memory_space<vmem>>
        %dma_start3A_100 = tpu.memref_squeeze %dma_start3A_99 : memref<1x128x64xf32, #tpu.memory_space<vmem>> -> memref<128x64xf32, #tpu.memory_space<vmem>>
        tpu.enqueue_dma source(%dma_start3A_100 : memref<128x64xf32, #tpu.memory_space<vmem>>) target(%dma_start3A_96 : memref<128x64xf32, #tpu.memory_space<vmem_shared>>) target_semaphore(%run_scoped3A_88 : memref<!tpu.dma_semaphore, #tpu.memory_space<semaphore_mem>>)
        %dma_wait3A = arith.constant 0 : i32
        %dma_wait3A_101 = arith.constant 0 : i32
        %dma_wait3A_102 = tpu.memref_slice %arg10[%run_scoped3A_87, %dma_wait3A, %dma_wait3A_101] : memref<2x128x64xf32, #tpu.memory_space<vmem>> -> memref<1x128x64xf32, #tpu.memory_space<vmem>>
        %dma_wait3A_103 = tpu.memref_squeeze %dma_wait3A_102 : memref<1x128x64xf32, #tpu.memory_space<vmem>> -> memref<128x64xf32, #tpu.memory_space<vmem>>
        %dma_wait3A_104 = arith.constant 0 : i32
        %dma_wait3A_105 = tpu.memref_slice %arg11[%add3A_86, %dma_wait3A_104] : memref<10240x64xf32, #tpu.memory_space<vmem_shared>> -> memref<128x64xf32, #tpu.memory_space<vmem_shared>>
        %dma_wait3A_106 = arith.constant 0 : i32
        %dma_wait3A_107 = tpu.memref_slice %arg11[%add3A_86, %dma_wait3A_106] : memref<10240x64xf32, #tpu.memory_space<vmem_shared>> -> memref<128x64xf32, #tpu.memory_space<vmem_shared>>
        %dma_wait3A_108 = arith.constant 0 : i32
        %dma_wait3A_109 = arith.constant 0 : i32
        %dma_wait3A_110 = tpu.memref_slice %arg10[%run_scoped3A_87, %dma_wait3A_108, %dma_wait3A_109] : memref<2x128x64xf32, #tpu.memory_space<vmem>> -> memref<1x128x64xf32, #tpu.memory_space<vmem>>
        %dma_wait3A_111 = tpu.memref_squeeze %dma_wait3A_110 : memref<1x128x64xf32, #tpu.memory_space<vmem>> -> memref<128x64xf32, #tpu.memory_space<vmem>>
        tpu.wait_dma2 semaphore(%run_scoped3A_88 : memref<!tpu.dma_semaphore, #tpu.memory_space<semaphore_mem>>) src(%dma_wait3A_111 : memref<128x64xf32, #tpu.memory_space<vmem>>) dst(%dma_wait3A_107 : memref<128x64xf32, #tpu.memory_space<vmem_shared>>)
        tpu.yield
      }) : () -> ()
    }
    %scan3A_9 = arith.constant 5 : i32
    %mul3A_10 = arith.constant 640 : i32
    %mul3A_11 = arith.muli %arg1, %mul3A_10 : i32
    %mul3A_12 = arith.constant 640 : i32
    %mul3A_13 = arith.muli %arg1, %mul3A_12 : i32
    "tpu.region"() ({
      %run_scoped3A_77 = tpu.sem_alloc : memref<!tpu.dma_semaphore, #tpu.memory_space<semaphore_mem>>
      %dma_start3A_78 = arith.constant 0 : i32
      %dma_start3A_79 = tpu.memref_slice %arg12[%mul3A_13, %dma_start3A_78] : memref<10240x64xf32, #tpu.memory_space<vmem_shared>> -> memref<640x64xf32, #tpu.memory_space<vmem_shared>>
      %dma_start3A_80 = arith.constant 0 : i32
      %dma_start3A_81 = tpu.memref_slice %arg2[%mul3A_11, %dma_start3A_80] : memref<10240x64xf32, #tpu.memory_space<hbm>> -> memref<640x64xf32, #tpu.memory_space<hbm>>
      tpu.enqueue_dma source(%dma_start3A_81 : memref<640x64xf32, #tpu.memory_space<hbm>>) target(%dma_start3A_79 : memref<640x64xf32, #tpu.memory_space<vmem_shared>>) target_semaphore(%run_scoped3A_77 : memref<!tpu.dma_semaphore, #tpu.memory_space<semaphore_mem>>)
      %dma_wait3A = arith.constant 0 : i32
      %dma_wait3A_82 = tpu.memref_slice %arg12[%mul3A_13, %dma_wait3A] : memref<10240x64xf32, #tpu.memory_space<vmem_shared>> -> memref<640x64xf32, #tpu.memory_space<vmem_shared>>
      %dma_wait3A_83 = arith.constant 0 : i32
      %dma_wait3A_84 = tpu.memref_slice %arg2[%mul3A_11, %dma_wait3A_83] : memref<10240x64xf32, #tpu.memory_space<hbm>> -> memref<640x64xf32, #tpu.memory_space<hbm>>
      tpu.wait_dma2 semaphore(%run_scoped3A_77 : memref<!tpu.dma_semaphore, #tpu.memory_space<semaphore_mem>>) src(%dma_wait3A_84 : memref<640x64xf32, #tpu.memory_space<hbm>>) dst(%dma_wait3A_82 : memref<640x64xf32, #tpu.memory_space<vmem_shared>>)
      tpu.yield
    }) : () -> ()
    %barrier3A = arith.constant 0 : index
    tpu.barrier barrier_id(%barrier3A)
    %run_scoped3A = arith.constant 0 : i32
    "tpu.region"() ({
      %run_scoped3A_77 = tpu.sem_alloc : memref<!tpu.dma_semaphore, #tpu.memory_space<semaphore_mem>>
      %dma_start3A_78 = arith.constant 0 : i32
      %dma_start3A_79 = arith.constant 0 : i32
      %dma_start3A_80 = tpu.memref_slice %arg8[%run_scoped3A, %dma_start3A_78, %dma_start3A_79] : memref<2x16x128xi32, #tpu.memory_space<vmem>> -> memref<1x16x128xi32, #tpu.memory_space<vmem>>
      %dma_start3A_81 = tpu.memref_squeeze %dma_start3A_80 : memref<1x16x128xi32, #tpu.memory_space<vmem>> -> memref<16x128xi32, #tpu.memory_space<vmem>>
      %dma_start3A_82 = arith.constant 0 : i32
      %dma_start3A_83 = arith.constant 0 : i32
      %dma_start3A_84 = tpu.memref_slice %arg4[%add3A, %dma_start3A_82, %dma_start3A_83] : memref<32x80x128xi32, #tpu.memory_space<hbm>> -> memref<1x16x128xi32, #tpu.memory_space<hbm>>
      %dma_start3A_85 = tpu.memref_squeeze %dma_start3A_84 : memref<1x16x128xi32, #tpu.memory_space<hbm>> -> memref<16x128xi32, #tpu.memory_space<hbm>>
      %dma_start3A_86 = arith.constant 0 : i32
      %dma_start3A_87 = arith.constant 0 : i32
      %dma_start3A_88 = tpu.memref_slice %arg8[%run_scoped3A, %dma_start3A_86, %dma_start3A_87] : memref<2x16x128xi32, #tpu.memory_space<vmem>> -> memref<1x16x128xi32, #tpu.memory_space<vmem>>
      %dma_start3A_89 = tpu.memref_squeeze %dma_start3A_88 : memref<1x16x128xi32, #tpu.memory_space<vmem>> -> memref<16x128xi32, #tpu.memory_space<vmem>>
      %dma_start3A_90 = arith.constant 0 : i32
      %dma_start3A_91 = arith.constant 0 : i32
      %dma_start3A_92 = tpu.memref_slice %arg4[%add3A, %dma_start3A_90, %dma_start3A_91] : memref<32x80x128xi32, #tpu.memory_space<hbm>> -> memref<1x16x128xi32, #tpu.memory_space<hbm>>
      %dma_start3A_93 = tpu.memref_squeeze %dma_start3A_92 : memref<1x16x128xi32, #tpu.memory_space<hbm>> -> memref<16x128xi32, #tpu.memory_space<hbm>>
      tpu.enqueue_dma source(%dma_start3A_93 : memref<16x128xi32, #tpu.memory_space<hbm>>) target(%dma_start3A_89 : memref<16x128xi32, #tpu.memory_space<vmem>>) target_semaphore(%run_scoped3A_77 : memref<!tpu.dma_semaphore, #tpu.memory_space<semaphore_mem>>)
      %dma_wait3A = arith.constant 0 : i32
      %dma_wait3A_94 = arith.constant 0 : i32
      %dma_wait3A_95 = tpu.memref_slice %arg8[%run_scoped3A, %dma_wait3A, %dma_wait3A_94] : memref<2x16x128xi32, #tpu.memory_space<vmem>> -> memref<1x16x128xi32, #tpu.memory_space<vmem>>
      %dma_wait3A_96 = tpu.memref_squeeze %dma_wait3A_95 : memref<1x16x128xi32, #tpu.memory_space<vmem>> -> memref<16x128xi32, #tpu.memory_space<vmem>>
      %dma_wait3A_97 = arith.constant 0 : i32
      %dma_wait3A_98 = arith.constant 0 : i32
      %dma_wait3A_99 = tpu.memref_slice %arg4[%add3A, %dma_wait3A_97, %dma_wait3A_98] : memref<32x80x128xi32, #tpu.memory_space<hbm>> -> memref<1x16x128xi32, #tpu.memory_space<hbm>>
      %dma_wait3A_100 = tpu.memref_squeeze %dma_wait3A_99 : memref<1x16x128xi32, #tpu.memory_space<hbm>> -> memref<16x128xi32, #tpu.memory_space<hbm>>
      %dma_wait3A_101 = arith.constant 0 : i32
      %dma_wait3A_102 = arith.constant 0 : i32
      %dma_wait3A_103 = tpu.memref_slice %arg8[%run_scoped3A, %dma_wait3A_101, %dma_wait3A_102] : memref<2x16x128xi32, #tpu.memory_space<vmem>> -> memref<1x16x128xi32, #tpu.memory_space<vmem>>
      %dma_wait3A_104 = tpu.memref_squeeze %dma_wait3A_103 : memref<1x16x128xi32, #tpu.memory_space<vmem>> -> memref<16x128xi32, #tpu.memory_space<vmem>>
      %dma_wait3A_105 = arith.constant 0 : i32
      %dma_wait3A_106 = arith.constant 0 : i32
      %dma_wait3A_107 = tpu.memref_slice %arg4[%add3A, %dma_wait3A_105, %dma_wait3A_106] : memref<32x80x128xi32, #tpu.memory_space<hbm>> -> memref<1x16x128xi32, #tpu.memory_space<hbm>>
      %dma_wait3A_108 = tpu.memref_squeeze %dma_wait3A_107 : memref<1x16x128xi32, #tpu.memory_space<hbm>> -> memref<16x128xi32, #tpu.memory_space<hbm>>
      tpu.wait_dma2 semaphore(%run_scoped3A_77 : memref<!tpu.dma_semaphore, #tpu.memory_space<semaphore_mem>>) src(%dma_wait3A_108 : memref<16x128xi32, #tpu.memory_space<hbm>>) dst(%dma_wait3A_104 : memref<16x128xi32, #tpu.memory_space<vmem>>)
      tpu.yield
    }) : () -> ()
    %run_scoped3A_14 = arith.constant 0 : i32
    "tpu.region"() ({
      %run_scoped3A_77 = tpu.sem_alloc : memref<!tpu.dma_semaphore, #tpu.memory_space<semaphore_mem>>
      %dma_start3A_78 = arith.constant 0 : i32
      %dma_start3A_79 = arith.constant 0 : i32
      %dma_start3A_80 = tpu.memref_slice %arg9[%run_scoped3A_14, %dma_start3A_78, %dma_start3A_79] : memref<2x16x128xi32, #tpu.memory_space<vmem>> -> memref<1x16x128xi32, #tpu.memory_space<vmem>>
      %dma_start3A_81 = tpu.memref_squeeze %dma_start3A_80 : memref<1x16x128xi32, #tpu.memory_space<vmem>> -> memref<16x128xi32, #tpu.memory_space<vmem>>
      %dma_start3A_82 = arith.constant 0 : i32
      %dma_start3A_83 = arith.constant 0 : i32
      %dma_start3A_84 = tpu.memref_slice %arg5[%add3A, %dma_start3A_82, %dma_start3A_83] : memref<32x80x128xi32, #tpu.memory_space<hbm>> -> memref<1x16x128xi32, #tpu.memory_space<hbm>>
      %dma_start3A_85 = tpu.memref_squeeze %dma_start3A_84 : memref<1x16x128xi32, #tpu.memory_space<hbm>> -> memref<16x128xi32, #tpu.memory_space<hbm>>
      %dma_start3A_86 = arith.constant 0 : i32
      %dma_start3A_87 = arith.constant 0 : i32
      %dma_start3A_88 = tpu.memref_slice %arg9[%run_scoped3A_14, %dma_start3A_86, %dma_start3A_87] : memref<2x16x128xi32, #tpu.memory_space<vmem>> -> memref<1x16x128xi32, #tpu.memory_space<vmem>>
      %dma_start3A_89 = tpu.memref_squeeze %dma_start3A_88 : memref<1x16x128xi32, #tpu.memory_space<vmem>> -> memref<16x128xi32, #tpu.memory_space<vmem>>
      %dma_start3A_90 = arith.constant 0 : i32
      %dma_start3A_91 = arith.constant 0 : i32
      %dma_start3A_92 = tpu.memref_slice %arg5[%add3A, %dma_start3A_90, %dma_start3A_91] : memref<32x80x128xi32, #tpu.memory_space<hbm>> -> memref<1x16x128xi32, #tpu.memory_space<hbm>>
      %dma_start3A_93 = tpu.memref_squeeze %dma_start3A_92 : memref<1x16x128xi32, #tpu.memory_space<hbm>> -> memref<16x128xi32, #tpu.memory_space<hbm>>
      tpu.enqueue_dma source(%dma_start3A_93 : memref<16x128xi32, #tpu.memory_space<hbm>>) target(%dma_start3A_89 : memref<16x128xi32, #tpu.memory_space<vmem>>) target_semaphore(%run_scoped3A_77 : memref<!tpu.dma_semaphore, #tpu.memory_space<semaphore_mem>>)
      %dma_wait3A = arith.constant 0 : i32
      %dma_wait3A_94 = arith.constant 0 : i32
      %dma_wait3A_95 = tpu.memref_slice %arg9[%run_scoped3A_14, %dma_wait3A, %dma_wait3A_94] : memref<2x16x128xi32, #tpu.memory_space<vmem>> -> memref<1x16x128xi32, #tpu.memory_space<vmem>>
      %dma_wait3A_96 = tpu.memref_squeeze %dma_wait3A_95 : memref<1x16x128xi32, #tpu.memory_space<vmem>> -> memref<16x128xi32, #tpu.memory_space<vmem>>
      %dma_wait3A_97 = arith.constant 0 : i32
      %dma_wait3A_98 = arith.constant 0 : i32
      %dma_wait3A_99 = tpu.memref_slice %arg5[%add3A, %dma_wait3A_97, %dma_wait3A_98] : memref<32x80x128xi32, #tpu.memory_space<hbm>> -> memref<1x16x128xi32, #tpu.memory_space<hbm>>
      %dma_wait3A_100 = tpu.memref_squeeze %dma_wait3A_99 : memref<1x16x128xi32, #tpu.memory_space<hbm>> -> memref<16x128xi32, #tpu.memory_space<hbm>>
      %dma_wait3A_101 = arith.constant 0 : i32
      %dma_wait3A_102 = arith.constant 0 : i32
      %dma_wait3A_103 = tpu.memref_slice %arg9[%run_scoped3A_14, %dma_wait3A_101, %dma_wait3A_102] : memref<2x16x128xi32, #tpu.memory_space<vmem>> -> memref<1x16x128xi32, #tpu.memory_space<vmem>>
      %dma_wait3A_104 = tpu.memref_squeeze %dma_wait3A_103 : memref<1x16x128xi32, #tpu.memory_space<vmem>> -> memref<16x128xi32, #tpu.memory_space<vmem>>
      %dma_wait3A_105 = arith.constant 0 : i32
      %dma_wait3A_106 = arith.constant 0 : i32
      %dma_wait3A_107 = tpu.memref_slice %arg5[%add3A, %dma_wait3A_105, %dma_wait3A_106] : memref<32x80x128xi32, #tpu.memory_space<hbm>> -> memref<1x16x128xi32, #tpu.memory_space<hbm>>
      %dma_wait3A_108 = tpu.memref_squeeze %dma_wait3A_107 : memref<1x16x128xi32, #tpu.memory_space<hbm>> -> memref<16x128xi32, #tpu.memory_space<hbm>>
      tpu.wait_dma2 semaphore(%run_scoped3A_77 : memref<!tpu.dma_semaphore, #tpu.memory_space<semaphore_mem>>) src(%dma_wait3A_108 : memref<16x128xi32, #tpu.memory_space<hbm>>) dst(%dma_wait3A_104 : memref<16x128xi32, #tpu.memory_space<vmem>>)
      tpu.yield
    }) : () -> ()
    %dma_start3A = arith.constant 0 : i32
    %dma_start3A_15 = arith.constant 0 : i32
    %dma_start3A_16 = arith.constant 0 : i32
    %dma_start3A_17 = arith.constant 0 : i32
    %dma_start3A_18 = arith.constant 0 : i32
    %dma_start3A_19 = tpu.memref_slice %arg10[%dma_start3A_16, %dma_start3A_17, %dma_start3A_18] : memref<2x128x64xf32, #tpu.memory_space<vmem>> -> memref<1x128x64xf32, #tpu.memory_space<vmem>>
    %dma_start3A_20 = tpu.memref_squeeze %dma_start3A_19 : memref<1x128x64xf32, #tpu.memory_space<vmem>> -> memref<128x64xf32, #tpu.memory_space<vmem>>
    %dma_start3A_21 = arith.constant 0 : i32
    %dma_start3A_22 = tpu.memref_slice %arg8[%dma_start3A, %dma_start3A_15, %dma_start3A_21] : memref<2x16x128xi32, #tpu.memory_space<vmem>> -> memref<1x1x128xi32, #tpu.memory_space<vmem>>
    %dma_start3A_23 = tpu.memref_squeeze %dma_start3A_22 : memref<1x1x128xi32, #tpu.memory_space<vmem>> -> memref<128xi32, #tpu.memory_space<vmem>>
    %dma_start3A_24 = arith.constant 0 : i32
    %dma_start3A_25 = arith.constant 0 : i32
    %dma_start3A_26 = tpu.memref_slice %arg12[%dma_start3A_24, %dma_start3A_25] : memref<10240x64xf32, #tpu.memory_space<vmem_shared>> -> memref<10240x64xf32, #tpu.memory_space<vmem_shared>>
    tpu.enqueue_indirect_dma source(%dma_start3A_26 : memref<10240x64xf32, #tpu.memory_space<vmem_shared>>) target(%dma_start3A_20 : memref<128x64xf32, #tpu.memory_space<vmem>>) offsets(%dma_start3A_23 : memref<128xi32, #tpu.memory_space<vmem>>) semaphore(%arg13 : memref<!tpu.dma_semaphore, #tpu.memory_space<semaphore_mem>>)
    %scan3A_27 = arith.constant 0 : i32
    %scan3A_28 = arith.constant 80 : i32
    %scan3A_29 = arith.addi %scan3A_27, %scan3A_28 : i32
    %scan3A_30 = arith.constant 1 : i32
    scf.for %scan3A_77 = %scan3A_27 to %scan3A_29 step %scan3A_30  : i32 {
      %mul3A_78 = arith.constant 1 : i32
      %mul3A_79 = arith.muli %scan3A_77, %mul3A_78 : i32
      %add3A_80 = arith.constant 0 : i32
      %add3A_81 = arith.addi %add3A_80, %mul3A_79 : i32
      %div3A = arith.constant 16 : i32
      %div3A_82 = arith.divsi %add3A_81, %div3A : i32
      %rem3A = arith.constant 2 : i32
      %rem3A_83 = arith.remsi %div3A_82, %rem3A : i32
      %rem3A_84 = arith.constant 16 : i32
      %rem3A_85 = arith.remsi %add3A_81, %rem3A_84 : i32
      %rem3A_86 = arith.constant 2 : i32
      %rem3A_87 = arith.remsi %add3A_81, %rem3A_86 : i32
      %dma_wait3A = arith.constant 0 : i32
      %dma_wait3A_88 = arith.constant 0 : i32
      %dma_wait3A_89 = tpu.memref_slice %arg10[%rem3A_87, %dma_wait3A, %dma_wait3A_88] : memref<2x128x64xf32, #tpu.memory_space<vmem>> -> memref<1x128x64xf32, #tpu.memory_space<vmem>>
      %dma_wait3A_90 = tpu.memref_squeeze %dma_wait3A_89 : memref<1x128x64xf32, #tpu.memory_space<vmem>> -> memref<128x64xf32, #tpu.memory_space<vmem>>
      %dma_wait3A_91 = arith.constant 0 : i32
      %dma_wait3A_92 = tpu.memref_slice %arg8[%rem3A_83, %rem3A_85, %dma_wait3A_91] : memref<2x16x128xi32, #tpu.memory_space<vmem>> -> memref<1x1x128xi32, #tpu.memory_space<vmem>>
      %dma_wait3A_93 = tpu.memref_squeeze %dma_wait3A_92 : memref<1x1x128xi32, #tpu.memory_space<vmem>> -> memref<128xi32, #tpu.memory_space<vmem>>
      %dma_wait3A_94 = arith.constant 0 : i32
      %dma_wait3A_95 = arith.constant 0 : i32
      %dma_wait3A_96 = tpu.memref_slice %arg12[%dma_wait3A_94, %dma_wait3A_95] : memref<10240x64xf32, #tpu.memory_space<vmem_shared>> -> memref<10240x64xf32, #tpu.memory_space<vmem_shared>>
      tpu.wait_indirect_dma semaphore(%arg13 : memref<!tpu.dma_semaphore, #tpu.memory_space<semaphore_mem>>) src(%dma_wait3A_96 : memref<10240x64xf32, #tpu.memory_space<vmem_shared>>) dst(%dma_wait3A_90 : memref<128x64xf32, #tpu.memory_space<vmem>>)
      %eq3A = arith.constant 15 : i32
      %eq3A_97 = arith.cmpi eq, %rem3A_85, %eq3A : i32
      %add3A_98 = arith.constant 1 : i32
      %add3A_99 = arith.addi %add3A_81, %add3A_98 : i32
      %lt3A = arith.constant 80 : i32
      %lt3A_100 = arith.cmpi slt, %add3A_99, %lt3A : i32
      %and3A = arith.andi %eq3A_97, %lt3A_100 : i1
      %convert_element_type3A = arith.extui %and3A : i1 to i32
      %cond3A = arith.constant 0 : i32
      %cond3A_101 = arith.cmpi ne, %convert_element_type3A, %cond3A : i32
      scf.if %cond3A_101 {
        %add3A_109 = arith.constant 1 : i32
        %add3A_110 = arith.addi %div3A_82, %add3A_109 : i32
        %rem3A_111 = arith.constant 2 : i32
        %rem3A_112 = arith.remsi %add3A_110, %rem3A_111 : i32
        %add3A_113 = arith.constant 1 : i32
        %add3A_114 = arith.addi %div3A_82, %add3A_113 : i32
        %mul3A_115 = arith.constant 16 : i32
        %mul3A_116 = arith.muli %add3A_114, %mul3A_115 : i32
        "tpu.region"() ({
          %run_scoped3A_121 = tpu.sem_alloc : memref<!tpu.dma_semaphore, #tpu.memory_space<semaphore_mem>>
          %dma_start3A_122 = arith.constant 0 : i32
          %dma_start3A_123 = arith.constant 0 : i32
          %dma_start3A_124 = tpu.memref_slice %arg8[%rem3A_112, %dma_start3A_122, %dma_start3A_123] : memref<2x16x128xi32, #tpu.memory_space<vmem>> -> memref<1x16x128xi32, #tpu.memory_space<vmem>>
          %dma_start3A_125 = tpu.memref_squeeze %dma_start3A_124 : memref<1x16x128xi32, #tpu.memory_space<vmem>> -> memref<16x128xi32, #tpu.memory_space<vmem>>
          %dma_start3A_126 = arith.constant 0 : i32
          %dma_start3A_127 = tpu.memref_slice %arg4[%add3A, %mul3A_116, %dma_start3A_126] : memref<32x80x128xi32, #tpu.memory_space<hbm>> -> memref<1x16x128xi32, #tpu.memory_space<hbm>>
          %dma_start3A_128 = tpu.memref_squeeze %dma_start3A_127 : memref<1x16x128xi32, #tpu.memory_space<hbm>> -> memref<16x128xi32, #tpu.memory_space<hbm>>
          %dma_start3A_129 = arith.constant 0 : i32
          %dma_start3A_130 = arith.constant 0 : i32
          %dma_start3A_131 = tpu.memref_slice %arg8[%rem3A_112, %dma_start3A_129, %dma_start3A_130] : memref<2x16x128xi32, #tpu.memory_space<vmem>> -> memref<1x16x128xi32, #tpu.memory_space<vmem>>
          %dma_start3A_132 = tpu.memref_squeeze %dma_start3A_131 : memref<1x16x128xi32, #tpu.memory_space<vmem>> -> memref<16x128xi32, #tpu.memory_space<vmem>>
          %dma_start3A_133 = arith.constant 0 : i32
          %dma_start3A_134 = tpu.memref_slice %arg4[%add3A, %mul3A_116, %dma_start3A_133] : memref<32x80x128xi32, #tpu.memory_space<hbm>> -> memref<1x16x128xi32, #tpu.memory_space<hbm>>
          %dma_start3A_135 = tpu.memref_squeeze %dma_start3A_134 : memref<1x16x128xi32, #tpu.memory_space<hbm>> -> memref<16x128xi32, #tpu.memory_space<hbm>>
          tpu.enqueue_dma source(%dma_start3A_135 : memref<16x128xi32, #tpu.memory_space<hbm>>) target(%dma_start3A_132 : memref<16x128xi32, #tpu.memory_space<vmem>>) target_semaphore(%run_scoped3A_121 : memref<!tpu.dma_semaphore, #tpu.memory_space<semaphore_mem>>)
          %dma_wait3A_136 = arith.constant 0 : i32
          %dma_wait3A_137 = arith.constant 0 : i32
          %dma_wait3A_138 = tpu.memref_slice %arg8[%rem3A_112, %dma_wait3A_136, %dma_wait3A_137] : memref<2x16x128xi32, #tpu.memory_space<vmem>> -> memref<1x16x128xi32, #tpu.memory_space<vmem>>
          %dma_wait3A_139 = tpu.memref_squeeze %dma_wait3A_138 : memref<1x16x128xi32, #tpu.memory_space<vmem>> -> memref<16x128xi32, #tpu.memory_space<vmem>>
          %dma_wait3A_140 = arith.constant 0 : i32
          %dma_wait3A_141 = tpu.memref_slice %arg4[%add3A, %mul3A_116, %dma_wait3A_140] : memref<32x80x128xi32, #tpu.memory_space<hbm>> -> memref<1x16x128xi32, #tpu.memory_space<hbm>>
          %dma_wait3A_142 = tpu.memref_squeeze %dma_wait3A_141 : memref<1x16x128xi32, #tpu.memory_space<hbm>> -> memref<16x128xi32, #tpu.memory_space<hbm>>
          %dma_wait3A_143 = arith.constant 0 : i32
          %dma_wait3A_144 = arith.constant 0 : i32
          %dma_wait3A_145 = tpu.memref_slice %arg8[%rem3A_112, %dma_wait3A_143, %dma_wait3A_144] : memref<2x16x128xi32, #tpu.memory_space<vmem>> -> memref<1x16x128xi32, #tpu.memory_space<vmem>>
          %dma_wait3A_146 = tpu.memref_squeeze %dma_wait3A_145 : memref<1x16x128xi32, #tpu.memory_space<vmem>> -> memref<16x128xi32, #tpu.memory_space<vmem>>
          %dma_wait3A_147 = arith.constant 0 : i32
          %dma_wait3A_148 = tpu.memref_slice %arg4[%add3A, %mul3A_116, %dma_wait3A_147] : memref<32x80x128xi32, #tpu.memory_space<hbm>> -> memref<1x16x128xi32, #tpu.memory_space<hbm>>
          %dma_wait3A_149 = tpu.memref_squeeze %dma_wait3A_148 : memref<1x16x128xi32, #tpu.memory_space<hbm>> -> memref<16x128xi32, #tpu.memory_space<hbm>>
          tpu.wait_dma2 semaphore(%run_scoped3A_121 : memref<!tpu.dma_semaphore, #tpu.memory_space<semaphore_mem>>) src(%dma_wait3A_149 : memref<16x128xi32, #tpu.memory_space<hbm>>) dst(%dma_wait3A_146 : memref<16x128xi32, #tpu.memory_space<vmem>>)
          tpu.yield
        }) : () -> ()
        %add3A_117 = arith.constant 1 : i32
        %add3A_118 = arith.addi %div3A_82, %add3A_117 : i32
        %mul3A_119 = arith.constant 16 : i32
        %mul3A_120 = arith.muli %add3A_118, %mul3A_119 : i32
        "tpu.region"() ({
          %run_scoped3A_121 = tpu.sem_alloc : memref<!tpu.dma_semaphore, #tpu.memory_space<semaphore_mem>>
          %dma_start3A_122 = arith.constant 0 : i32
          %dma_start3A_123 = arith.constant 0 : i32
          %dma_start3A_124 = tpu.memref_slice %arg9[%rem3A_112, %dma_start3A_122, %dma_start3A_123] : memref<2x16x128xi32, #tpu.memory_space<vmem>> -> memref<1x16x128xi32, #tpu.memory_space<vmem>>
          %dma_start3A_125 = tpu.memref_squeeze %dma_start3A_124 : memref<1x16x128xi32, #tpu.memory_space<vmem>> -> memref<16x128xi32, #tpu.memory_space<vmem>>
          %dma_start3A_126 = arith.constant 0 : i32
          %dma_start3A_127 = tpu.memref_slice %arg5[%add3A, %mul3A_120, %dma_start3A_126] : memref<32x80x128xi32, #tpu.memory_space<hbm>> -> memref<1x16x128xi32, #tpu.memory_space<hbm>>
          %dma_start3A_128 = tpu.memref_squeeze %dma_start3A_127 : memref<1x16x128xi32, #tpu.memory_space<hbm>> -> memref<16x128xi32, #tpu.memory_space<hbm>>
          %dma_start3A_129 = arith.constant 0 : i32
          %dma_start3A_130 = arith.constant 0 : i32
          %dma_start3A_131 = tpu.memref_slice %arg9[%rem3A_112, %dma_start3A_129, %dma_start3A_130] : memref<2x16x128xi32, #tpu.memory_space<vmem>> -> memref<1x16x128xi32, #tpu.memory_space<vmem>>
          %dma_start3A_132 = tpu.memref_squeeze %dma_start3A_131 : memref<1x16x128xi32, #tpu.memory_space<vmem>> -> memref<16x128xi32, #tpu.memory_space<vmem>>
          %dma_start3A_133 = arith.constant 0 : i32
          %dma_start3A_134 = tpu.memref_slice %arg5[%add3A, %mul3A_120, %dma_start3A_133] : memref<32x80x128xi32, #tpu.memory_space<hbm>> -> memref<1x16x128xi32, #tpu.memory_space<hbm>>
          %dma_start3A_135 = tpu.memref_squeeze %dma_start3A_134 : memref<1x16x128xi32, #tpu.memory_space<hbm>> -> memref<16x128xi32, #tpu.memory_space<hbm>>
          tpu.enqueue_dma source(%dma_start3A_135 : memref<16x128xi32, #tpu.memory_space<hbm>>) target(%dma_start3A_132 : memref<16x128xi32, #tpu.memory_space<vmem>>) target_semaphore(%run_scoped3A_121 : memref<!tpu.dma_semaphore, #tpu.memory_space<semaphore_mem>>)
          %dma_wait3A_136 = arith.constant 0 : i32
          %dma_wait3A_137 = arith.constant 0 : i32
          %dma_wait3A_138 = tpu.memref_slice %arg9[%rem3A_112, %dma_wait3A_136, %dma_wait3A_137] : memref<2x16x128xi32, #tpu.memory_space<vmem>> -> memref<1x16x128xi32, #tpu.memory_space<vmem>>
          %dma_wait3A_139 = tpu.memref_squeeze %dma_wait3A_138 : memref<1x16x128xi32, #tpu.memory_space<vmem>> -> memref<16x128xi32, #tpu.memory_space<vmem>>
          %dma_wait3A_140 = arith.constant 0 : i32
          %dma_wait3A_141 = tpu.memref_slice %arg5[%add3A, %mul3A_120, %dma_wait3A_140] : memref<32x80x128xi32, #tpu.memory_space<hbm>> -> memref<1x16x128xi32, #tpu.memory_space<hbm>>
          %dma_wait3A_142 = tpu.memref_squeeze %dma_wait3A_141 : memref<1x16x128xi32, #tpu.memory_space<hbm>> -> memref<16x128xi32, #tpu.memory_space<hbm>>
          %dma_wait3A_143 = arith.constant 0 : i32
          %dma_wait3A_144 = arith.constant 0 : i32
          %dma_wait3A_145 = tpu.memref_slice %arg9[%rem3A_112, %dma_wait3A_143, %dma_wait3A_144] : memref<2x16x128xi32, #tpu.memory_space<vmem>> -> memref<1x16x128xi32, #tpu.memory_space<vmem>>
          %dma_wait3A_146 = tpu.memref_squeeze %dma_wait3A_145 : memref<1x16x128xi32, #tpu.memory_space<vmem>> -> memref<16x128xi32, #tpu.memory_space<vmem>>
          %dma_wait3A_147 = arith.constant 0 : i32
          %dma_wait3A_148 = tpu.memref_slice %arg5[%add3A, %mul3A_120, %dma_wait3A_147] : memref<32x80x128xi32, #tpu.memory_space<hbm>> -> memref<1x16x128xi32, #tpu.memory_space<hbm>>
          %dma_wait3A_149 = tpu.memref_squeeze %dma_wait3A_148 : memref<1x16x128xi32, #tpu.memory_space<hbm>> -> memref<16x128xi32, #tpu.memory_space<hbm>>
          tpu.wait_dma2 semaphore(%run_scoped3A_121 : memref<!tpu.dma_semaphore, #tpu.memory_space<semaphore_mem>>) src(%dma_wait3A_149 : memref<16x128xi32, #tpu.memory_space<hbm>>) dst(%dma_wait3A_146 : memref<16x128xi32, #tpu.memory_space<vmem>>)
          tpu.yield
        }) : () -> ()
      } else {
      }
      %add3A_102 = arith.constant 1 : i32
      %add3A_103 = arith.addi %add3A_81, %add3A_102 : i32
      %lt3A_104 = arith.constant 80 : i32
      %lt3A_105 = arith.cmpi slt, %add3A_103, %lt3A_104 : i32
      %convert_element_type3A_106 = arith.extui %lt3A_105 : i1 to i32
      %cond3A_107 = arith.constant 0 : i32
      %cond3A_108 = arith.cmpi ne, %convert_element_type3A_106, %cond3A_107 : i32
      scf.if %cond3A_108 {
        %add3A_109 = arith.constant 1 : i32
        %add3A_110 = arith.addi %add3A_81, %add3A_109 : i32
        %div3A_111 = arith.constant 16 : i32
        %div3A_112 = arith.divsi %add3A_110, %div3A_111 : i32
        %rem3A_113 = arith.constant 2 : i32
        %rem3A_114 = arith.remsi %div3A_112, %rem3A_113 : i32
        %rem3A_115 = arith.constant 16 : i32
        %rem3A_116 = arith.remsi %add3A_110, %rem3A_115 : i32
        %rem3A_117 = arith.constant 2 : i32
        %rem3A_118 = arith.remsi %add3A_110, %rem3A_117 : i32
        %dma_start3A_119 = arith.constant 0 : i32
        %dma_start3A_120 = arith.constant 0 : i32
        %dma_start3A_121 = tpu.memref_slice %arg10[%rem3A_118, %dma_start3A_119, %dma_start3A_120] : memref<2x128x64xf32, #tpu.memory_space<vmem>> -> memref<1x128x64xf32, #tpu.memory_space<vmem>>
        %dma_start3A_122 = tpu.memref_squeeze %dma_start3A_121 : memref<1x128x64xf32, #tpu.memory_space<vmem>> -> memref<128x64xf32, #tpu.memory_space<vmem>>
        %dma_start3A_123 = arith.constant 0 : i32
        %dma_start3A_124 = tpu.memref_slice %arg8[%rem3A_114, %rem3A_116, %dma_start3A_123] : memref<2x16x128xi32, #tpu.memory_space<vmem>> -> memref<1x1x128xi32, #tpu.memory_space<vmem>>
        %dma_start3A_125 = tpu.memref_squeeze %dma_start3A_124 : memref<1x1x128xi32, #tpu.memory_space<vmem>> -> memref<128xi32, #tpu.memory_space<vmem>>
        %dma_start3A_126 = arith.constant 0 : i32
        %dma_start3A_127 = arith.constant 0 : i32
        %dma_start3A_128 = tpu.memref_slice %arg12[%dma_start3A_126, %dma_start3A_127] : memref<10240x64xf32, #tpu.memory_space<vmem_shared>> -> memref<10240x64xf32, #tpu.memory_space<vmem_shared>>
        tpu.enqueue_indirect_dma source(%dma_start3A_128 : memref<10240x64xf32, #tpu.memory_space<vmem_shared>>) target(%dma_start3A_122 : memref<128x64xf32, #tpu.memory_space<vmem>>) offsets(%dma_start3A_125 : memref<128xi32, #tpu.memory_space<vmem>>) semaphore(%arg13 : memref<!tpu.dma_semaphore, #tpu.memory_space<semaphore_mem>>)
      } else {
      }
      "tpu.region"() ({
        %run_scoped3A_109 = tpu.sem_alloc : memref<!tpu.dma_semaphore, #tpu.memory_space<semaphore_mem>>
        %dma_start3A_110 = arith.constant 0 : i32
        %dma_start3A_111 = arith.constant 0 : i32
        %dma_start3A_112 = tpu.memref_slice %arg10[%rem3A_87, %dma_start3A_110, %dma_start3A_111] : memref<2x128x64xf32, #tpu.memory_space<vmem>> -> memref<1x128x64xf32, #tpu.memory_space<vmem>>
        %dma_start3A_113 = tpu.memref_squeeze %dma_start3A_112 : memref<1x128x64xf32, #tpu.memory_space<vmem>> -> memref<128x64xf32, #tpu.memory_space<vmem>>
        %dma_start3A_114 = arith.constant 0 : i32
        %dma_start3A_115 = tpu.memref_slice %arg9[%rem3A_83, %rem3A_85, %dma_start3A_114] : memref<2x16x128xi32, #tpu.memory_space<vmem>> -> memref<1x1x128xi32, #tpu.memory_space<vmem>>
        %dma_start3A_116 = tpu.memref_squeeze %dma_start3A_115 : memref<1x1x128xi32, #tpu.memory_space<vmem>> -> memref<128xi32, #tpu.memory_space<vmem>>
        %dma_start3A_117 = arith.constant 0 : i32
        %dma_start3A_118 = arith.constant 0 : i32
        %dma_start3A_119 = tpu.memref_slice %arg11[%dma_start3A_117, %dma_start3A_118] : memref<10240x64xf32, #tpu.memory_space<vmem_shared>> -> memref<10240x64xf32, #tpu.memory_space<vmem_shared>>
        tpu.enqueue_indirect_dma source(%dma_start3A_113 : memref<128x64xf32, #tpu.memory_space<vmem>>) target(%dma_start3A_119 : memref<10240x64xf32, #tpu.memory_space<vmem_shared>>) offsets(%dma_start3A_116 : memref<128xi32, #tpu.memory_space<vmem>>) semaphore(%run_scoped3A_109 : memref<!tpu.dma_semaphore, #tpu.memory_space<semaphore_mem>>) {add = true}
        %dma_wait3A_120 = arith.constant 0 : i32
        %dma_wait3A_121 = arith.constant 0 : i32
        %dma_wait3A_122 = tpu.memref_slice %arg10[%rem3A_87, %dma_wait3A_120, %dma_wait3A_121] : memref<2x128x64xf32, #tpu.memory_space<vmem>> -> memref<1x128x64xf32, #tpu.memory_space<vmem>>
        %dma_wait3A_123 = tpu.memref_squeeze %dma_wait3A_122 : memref<1x128x64xf32, #tpu.memory_space<vmem>> -> memref<128x64xf32, #tpu.memory_space<vmem>>
        %dma_wait3A_124 = arith.constant 0 : i32
        %dma_wait3A_125 = tpu.memref_slice %arg9[%rem3A_83, %rem3A_85, %dma_wait3A_124] : memref<2x16x128xi32, #tpu.memory_space<vmem>> -> memref<1x1x128xi32, #tpu.memory_space<vmem>>
        %dma_wait3A_126 = tpu.memref_squeeze %dma_wait3A_125 : memref<1x1x128xi32, #tpu.memory_space<vmem>> -> memref<128xi32, #tpu.memory_space<vmem>>
        %dma_wait3A_127 = arith.constant 0 : i32
        %dma_wait3A_128 = arith.constant 0 : i32
        %dma_wait3A_129 = tpu.memref_slice %arg11[%dma_wait3A_127, %dma_wait3A_128] : memref<10240x64xf32, #tpu.memory_space<vmem_shared>> -> memref<10240x64xf32, #tpu.memory_space<vmem_shared>>
        tpu.wait_indirect_dma semaphore(%run_scoped3A_109 : memref<!tpu.dma_semaphore, #tpu.memory_space<semaphore_mem>>) src(%dma_wait3A_123 : memref<128x64xf32, #tpu.memory_space<vmem>>) dst(%dma_wait3A_129 : memref<10240x64xf32, #tpu.memory_space<vmem_shared>>)
        tpu.yield
      }) : () -> ()
    }
    %scan3A_31 = arith.constant 80 : i32
    %barrier3A_32 = arith.constant 0 : index
    tpu.barrier barrier_id(%barrier3A_32)
    %mul3A_33 = arith.constant 640 : i32
    %mul3A_34 = arith.muli %arg1, %mul3A_33 : i32
    %mul3A_35 = arith.constant 640 : i32
    %mul3A_36 = arith.muli %arg1, %mul3A_35 : i32
    "tpu.region"() ({
      %run_scoped3A_77 = tpu.sem_alloc : memref<!tpu.dma_semaphore, #tpu.memory_space<semaphore_mem>>
      %dma_start3A_78 = arith.constant 0 : i32
      %dma_start3A_79 = tpu.memref_slice %arg6[%arg0, %mul3A_36, %dma_start3A_78] : memref<2x10240x64xf32, #tpu.memory_space<hbm>> -> memref<1x640x64xf32, #tpu.memory_space<hbm>>
      %dma_start3A_80 = tpu.memref_squeeze %dma_start3A_79 : memref<1x640x64xf32, #tpu.memory_space<hbm>> -> memref<640x64xf32, #tpu.memory_space<hbm>>
      %dma_start3A_81 = arith.constant 0 : i32
      %dma_start3A_82 = tpu.memref_slice %arg11[%mul3A_34, %dma_start3A_81] : memref<10240x64xf32, #tpu.memory_space<vmem_shared>> -> memref<640x64xf32, #tpu.memory_space<vmem_shared>>
      tpu.enqueue_dma source(%dma_start3A_82 : memref<640x64xf32, #tpu.memory_space<vmem_shared>>) target(%dma_start3A_80 : memref<640x64xf32, #tpu.memory_space<hbm>>) target_semaphore(%run_scoped3A_77 : memref<!tpu.dma_semaphore, #tpu.memory_space<semaphore_mem>>)
      %dma_wait3A = arith.constant 0 : i32
      %dma_wait3A_83 = tpu.memref_slice %arg6[%arg0, %mul3A_36, %dma_wait3A] : memref<2x10240x64xf32, #tpu.memory_space<hbm>> -> memref<1x640x64xf32, #tpu.memory_space<hbm>>
      %dma_wait3A_84 = tpu.memref_squeeze %dma_wait3A_83 : memref<1x640x64xf32, #tpu.memory_space<hbm>> -> memref<640x64xf32, #tpu.memory_space<hbm>>
      %dma_wait3A_85 = arith.constant 0 : i32
      %dma_wait3A_86 = tpu.memref_slice %arg11[%mul3A_34, %dma_wait3A_85] : memref<10240x64xf32, #tpu.memory_space<vmem_shared>> -> memref<640x64xf32, #tpu.memory_space<vmem_shared>>
      tpu.wait_dma2 semaphore(%run_scoped3A_77 : memref<!tpu.dma_semaphore, #tpu.memory_space<semaphore_mem>>) src(%dma_wait3A_86 : memref<640x64xf32, #tpu.memory_space<vmem_shared>>) dst(%dma_wait3A_84 : memref<640x64xf32, #tpu.memory_space<hbm>>)
      tpu.yield
    }) : () -> ()
    %scan3A_37 = arith.constant 0 : i32
    %scan3A_38 = arith.constant 128 : i32
    %scan3A_39 = arith.addi %scan3A_37, %scan3A_38 : i32
    %scan3A_40 = arith.constant 1 : i32
    scf.for %scan3A_77 = %scan3A_37 to %scan3A_39 step %scan3A_40  : i32 {
      %mul3A_78 = arith.constant 1 : i32
      %mul3A_79 = arith.muli %scan3A_77, %mul3A_78 : i32
      %add3A_80 = arith.constant 0 : i32
      %add3A_81 = arith.addi %add3A_80, %mul3A_79 : i32
      %scan3A_82 = arith.constant 0 : i32
      %scan3A_83 = arith.constant 4 : i32
      %scan3A_84 = arith.addi %scan3A_82, %scan3A_83 : i32
      %scan3A_85 = arith.constant 1 : i32
      scf.for %scan3A_87 = %scan3A_82 to %scan3A_84 step %scan3A_85  : i32 {
        %mul3A_88 = arith.constant 1 : i32
        %mul3A_89 = arith.muli %scan3A_87, %mul3A_88 : i32
        %add3A_90 = arith.constant 0 : i32
        %add3A_91 = arith.addi %add3A_90, %mul3A_89 : i32
        %broadcast_in_dim3A = arith.constant 0.000000e+00 : f32
        %broadcast_in_dim3A_92 = vector.broadcast %broadcast_in_dim3A : f32 to vector<16xf32>
        %mul3A_93 = arith.constant 16 : i32
        %mul3A_94 = arith.muli %add3A_91, %mul3A_93 : i32
        %swap3A = arith.constant 0 : i32
        %swap3A_95 = arith.index_cast %swap3A : i32 to index
        %swap3A_96 = arith.index_cast %add3A_81 : i32 to index
        %swap3A_97 = arith.index_cast %mul3A_94 : i32 to index
        %swap3A_98 = tpu.vector_load %arg10[%swap3A_95, %swap3A_96, %swap3A_97] {strides = array<i32>} : memref<2x128x64xf32, #tpu.memory_space<vmem>>, vector<1x1x16xf32>,
        %swap3A_99 = vector.shape_cast %swap3A_98 : vector<1x1x16xf32> to vector<16xf32>
        %swap3A_100 = vector.shape_cast %broadcast_in_dim3A_92 : vector<16xf32> to vector<1x1x16xf32>
        tpu.vector_store %arg10[%swap3A_95, %swap3A_96, %swap3A_97], %swap3A_100 {strides = array<i32>} : memref<2x128x64xf32, #tpu.memory_space<vmem>>, vector<1x1x16xf32>,
      }
      %scan3A_86 = arith.constant 4 : i32
    }
    %scan3A_41 = arith.constant 128 : i32
    %scan3A_42 = arith.constant 0 : i32
    %scan3A_43 = arith.constant 5 : i32
    %scan3A_44 = arith.addi %scan3A_42, %scan3A_43 : i32
    %scan3A_45 = arith.constant 1 : i32
    scf.for %scan3A_77 = %scan3A_42 to %scan3A_44 step %scan3A_45  : i32 {
      %mul3A_78 = arith.constant 1 : i32
      %mul3A_79 = arith.muli %scan3A_77, %mul3A_78 : i32
      %add3A_80 = arith.constant 0 : i32
      %add3A_81 = arith.addi %add3A_80, %mul3A_79 : i32
      %mul3A_82 = arith.constant 640 : i32
      %mul3A_83 = arith.muli %arg1, %mul3A_82 : i32
      %mul3A_84 = arith.constant 128 : i32
      %mul3A_85 = arith.muli %add3A_81, %mul3A_84 : i32
      %add3A_86 = arith.addi %mul3A_83, %mul3A_85 : i32
      %run_scoped3A_87 = arith.constant 0 : i32
      "tpu.region"() ({
        %run_scoped3A_88 = tpu.sem_alloc : memref<!tpu.dma_semaphore, #tpu.memory_space<semaphore_mem>>
        %dma_start3A_89 = arith.constant 0 : i32
        %dma_start3A_90 = arith.constant 0 : i32
        %dma_start3A_91 = tpu.memref_slice %arg10[%run_scoped3A_87, %dma_start3A_89, %dma_start3A_90] : memref<2x128x64xf32, #tpu.memory_space<vmem>> -> memref<1x128x64xf32, #tpu.memory_space<vmem>>
        %dma_start3A_92 = tpu.memref_squeeze %dma_start3A_91 : memref<1x128x64xf32, #tpu.memory_space<vmem>> -> memref<128x64xf32, #tpu.memory_space<vmem>>
        %dma_start3A_93 = arith.constant 0 : i32
        %dma_start3A_94 = tpu.memref_slice %arg11[%add3A_86, %dma_start3A_93] : memref<10240x64xf32, #tpu.memory_space<vmem_shared>> -> memref<128x64xf32, #tpu.memory_space<vmem_shared>>
        %dma_start3A_95 = arith.constant 0 : i32
        %dma_start3A_96 = tpu.memref_slice %arg11[%add3A_86, %dma_start3A_95] : memref<10240x64xf32, #tpu.memory_space<vmem_shared>> -> memref<128x64xf32, #tpu.memory_space<vmem_shared>>
        %dma_start3A_97 = arith.constant 0 : i32
        %dma_start3A_98 = arith.constant 0 : i32
        %dma_start3A_99 = tpu.memref_slice %arg10[%run_scoped3A_87, %dma_start3A_97, %dma_start3A_98] : memref<2x128x64xf32, #tpu.memory_space<vmem>> -> memref<1x128x64xf32, #tpu.memory_space<vmem>>
        %dma_start3A_100 = tpu.memref_squeeze %dma_start3A_99 : memref<1x128x64xf32, #tpu.memory_space<vmem>> -> memref<128x64xf32, #tpu.memory_space<vmem>>
        tpu.enqueue_dma source(%dma_start3A_100 : memref<128x64xf32, #tpu.memory_space<vmem>>) target(%dma_start3A_96 : memref<128x64xf32, #tpu.memory_space<vmem_shared>>) target_semaphore(%run_scoped3A_88 : memref<!tpu.dma_semaphore, #tpu.memory_space<semaphore_mem>>)
        %dma_wait3A = arith.constant 0 : i32
        %dma_wait3A_101 = arith.constant 0 : i32
        %dma_wait3A_102 = tpu.memref_slice %arg10[%run_scoped3A_87, %dma_wait3A, %dma_wait3A_101] : memref<2x128x64xf32, #tpu.memory_space<vmem>> -> memref<1x128x64xf32, #tpu.memory_space<vmem>>
        %dma_wait3A_103 = tpu.memref_squeeze %dma_wait3A_102 : memref<1x128x64xf32, #tpu.memory_space<vmem>> -> memref<128x64xf32, #tpu.memory_space<vmem>>
        %dma_wait3A_104 = arith.constant 0 : i32
        %dma_wait3A_105 = tpu.memref_slice %arg11[%add3A_86, %dma_wait3A_104] : memref<10240x64xf32, #tpu.memory_space<vmem_shared>> -> memref<128x64xf32, #tpu.memory_space<vmem_shared>>
        %dma_wait3A_106 = arith.constant 0 : i32
        %dma_wait3A_107 = tpu.memref_slice %arg11[%add3A_86, %dma_wait3A_106] : memref<10240x64xf32, #tpu.memory_space<vmem_shared>> -> memref<128x64xf32, #tpu.memory_space<vmem_shared>>
        %dma_wait3A_108 = arith.constant 0 : i32
        %dma_wait3A_109 = arith.constant 0 : i32
        %dma_wait3A_110 = tpu.memref_slice %arg10[%run_scoped3A_87, %dma_wait3A_108, %dma_wait3A_109] : memref<2x128x64xf32, #tpu.memory_space<vmem>> -> memref<1x128x64xf32, #tpu.memory_space<vmem>>
        %dma_wait3A_111 = tpu.memref_squeeze %dma_wait3A_110 : memref<1x128x64xf32, #tpu.memory_space<vmem>> -> memref<128x64xf32, #tpu.memory_space<vmem>>
        tpu.wait_dma2 semaphore(%run_scoped3A_88 : memref<!tpu.dma_semaphore, #tpu.memory_space<semaphore_mem>>) src(%dma_wait3A_111 : memref<128x64xf32, #tpu.memory_space<vmem>>) dst(%dma_wait3A_107 : memref<128x64xf32, #tpu.memory_space<vmem_shared>>)
        tpu.yield
      }) : () -> ()
    }
    %scan3A_46 = arith.constant 5 : i32
    %mul3A_47 = arith.constant 640 : i32
    %mul3A_48 = arith.muli %arg1, %mul3A_47 : i32
    %mul3A_49 = arith.constant 640 : i32
    %mul3A_50 = arith.muli %arg1, %mul3A_49 : i32
    "tpu.region"() ({
      %run_scoped3A_77 = tpu.sem_alloc : memref<!tpu.dma_semaphore, #tpu.memory_space<semaphore_mem>>
      %dma_start3A_78 = arith.constant 0 : i32
      %dma_start3A_79 = tpu.memref_slice %arg12[%mul3A_50, %dma_start3A_78] : memref<10240x64xf32, #tpu.memory_space<vmem_shared>> -> memref<640x64xf32, #tpu.memory_space<vmem_shared>>
      %dma_start3A_80 = arith.constant 0 : i32
      %dma_start3A_81 = tpu.memref_slice %arg3[%mul3A_48, %dma_start3A_80] : memref<10240x64xf32, #tpu.memory_space<hbm>> -> memref<640x64xf32, #tpu.memory_space<hbm>>
      tpu.enqueue_dma source(%dma_start3A_81 : memref<640x64xf32, #tpu.memory_space<hbm>>) target(%dma_start3A_79 : memref<640x64xf32, #tpu.memory_space<vmem_shared>>) target_semaphore(%run_scoped3A_77 : memref<!tpu.dma_semaphore, #tpu.memory_space<semaphore_mem>>)
      %dma_wait3A = arith.constant 0 : i32
      %dma_wait3A_82 = tpu.memref_slice %arg12[%mul3A_50, %dma_wait3A] : memref<10240x64xf32, #tpu.memory_space<vmem_shared>> -> memref<640x64xf32, #tpu.memory_space<vmem_shared>>
      %dma_wait3A_83 = arith.constant 0 : i32
      %dma_wait3A_84 = tpu.memref_slice %arg3[%mul3A_48, %dma_wait3A_83] : memref<10240x64xf32, #tpu.memory_space<hbm>> -> memref<640x64xf32, #tpu.memory_space<hbm>>
      tpu.wait_dma2 semaphore(%run_scoped3A_77 : memref<!tpu.dma_semaphore, #tpu.memory_space<semaphore_mem>>) src(%dma_wait3A_84 : memref<640x64xf32, #tpu.memory_space<hbm>>) dst(%dma_wait3A_82 : memref<640x64xf32, #tpu.memory_space<vmem_shared>>)
      tpu.yield
    }) : () -> ()
    %barrier3A_51 = arith.constant 0 : index
    tpu.barrier barrier_id(%barrier3A_51)
    %run_scoped3A_52 = arith.constant 0 : i32
    "tpu.region"() ({
      %run_scoped3A_77 = tpu.sem_alloc : memref<!tpu.dma_semaphore, #tpu.memory_space<semaphore_mem>>
      %dma_start3A_78 = arith.constant 0 : i32
      %dma_start3A_79 = arith.constant 0 : i32
      %dma_start3A_80 = tpu.memref_slice %arg8[%run_scoped3A_52, %dma_start3A_78, %dma_start3A_79] : memref<2x16x128xi32, #tpu.memory_space<vmem>> -> memref<1x16x128xi32, #tpu.memory_space<vmem>>
      %dma_start3A_81 = tpu.memref_squeeze %dma_start3A_80 : memref<1x16x128xi32, #tpu.memory_space<vmem>> -> memref<16x128xi32, #tpu.memory_space<vmem>>
      %dma_start3A_82 = arith.constant 0 : i32
      %dma_start3A_83 = arith.constant 0 : i32
      %dma_start3A_84 = tpu.memref_slice %arg4[%add3A, %dma_start3A_82, %dma_start3A_83] : memref<32x80x128xi32, #tpu.memory_space<hbm>> -> memref<1x16x128xi32, #tpu.memory_space<hbm>>
      %dma_start3A_85 = tpu.memref_squeeze %dma_start3A_84 : memref<1x16x128xi32, #tpu.memory_space<hbm>> -> memref<16x128xi32, #tpu.memory_space<hbm>>
      %dma_start3A_86 = arith.constant 0 : i32
      %dma_start3A_87 = arith.constant 0 : i32
      %dma_start3A_88 = tpu.memref_slice %arg8[%run_scoped3A_52, %dma_start3A_86, %dma_start3A_87] : memref<2x16x128xi32, #tpu.memory_space<vmem>> -> memref<1x16x128xi32, #tpu.memory_space<vmem>>
      %dma_start3A_89 = tpu.memref_squeeze %dma_start3A_88 : memref<1x16x128xi32, #tpu.memory_space<vmem>> -> memref<16x128xi32, #tpu.memory_space<vmem>>
      %dma_start3A_90 = arith.constant 0 : i32
      %dma_start3A_91 = arith.constant 0 : i32
      %dma_start3A_92 = tpu.memref_slice %arg4[%add3A, %dma_start3A_90, %dma_start3A_91] : memref<32x80x128xi32, #tpu.memory_space<hbm>> -> memref<1x16x128xi32, #tpu.memory_space<hbm>>
      %dma_start3A_93 = tpu.memref_squeeze %dma_start3A_92 : memref<1x16x128xi32, #tpu.memory_space<hbm>> -> memref<16x128xi32, #tpu.memory_space<hbm>>
      tpu.enqueue_dma source(%dma_start3A_93 : memref<16x128xi32, #tpu.memory_space<hbm>>) target(%dma_start3A_89 : memref<16x128xi32, #tpu.memory_space<vmem>>) target_semaphore(%run_scoped3A_77 : memref<!tpu.dma_semaphore, #tpu.memory_space<semaphore_mem>>)
      %dma_wait3A = arith.constant 0 : i32
      %dma_wait3A_94 = arith.constant 0 : i32
      %dma_wait3A_95 = tpu.memref_slice %arg8[%run_scoped3A_52, %dma_wait3A, %dma_wait3A_94] : memref<2x16x128xi32, #tpu.memory_space<vmem>> -> memref<1x16x128xi32, #tpu.memory_space<vmem>>
      %dma_wait3A_96 = tpu.memref_squeeze %dma_wait3A_95 : memref<1x16x128xi32, #tpu.memory_space<vmem>> -> memref<16x128xi32, #tpu.memory_space<vmem>>
      %dma_wait3A_97 = arith.constant 0 : i32
      %dma_wait3A_98 = arith.constant 0 : i32
      %dma_wait3A_99 = tpu.memref_slice %arg4[%add3A, %dma_wait3A_97, %dma_wait3A_98] : memref<32x80x128xi32, #tpu.memory_space<hbm>> -> memref<1x16x128xi32, #tpu.memory_space<hbm>>
      %dma_wait3A_100 = tpu.memref_squeeze %dma_wait3A_99 : memref<1x16x128xi32, #tpu.memory_space<hbm>> -> memref<16x128xi32, #tpu.memory_space<hbm>>
      %dma_wait3A_101 = arith.constant 0 : i32
      %dma_wait3A_102 = arith.constant 0 : i32
      %dma_wait3A_103 = tpu.memref_slice %arg8[%run_scoped3A_52, %dma_wait3A_101, %dma_wait3A_102] : memref<2x16x128xi32, #tpu.memory_space<vmem>> -> memref<1x16x128xi32, #tpu.memory_space<vmem>>
      %dma_wait3A_104 = tpu.memref_squeeze %dma_wait3A_103 : memref<1x16x128xi32, #tpu.memory_space<vmem>> -> memref<16x128xi32, #tpu.memory_space<vmem>>
      %dma_wait3A_105 = arith.constant 0 : i32
      %dma_wait3A_106 = arith.constant 0 : i32
      %dma_wait3A_107 = tpu.memref_slice %arg4[%add3A, %dma_wait3A_105, %dma_wait3A_106] : memref<32x80x128xi32, #tpu.memory_space<hbm>> -> memref<1x16x128xi32, #tpu.memory_space<hbm>>
      %dma_wait3A_108 = tpu.memref_squeeze %dma_wait3A_107 : memref<1x16x128xi32, #tpu.memory_space<hbm>> -> memref<16x128xi32, #tpu.memory_space<hbm>>
      tpu.wait_dma2 semaphore(%run_scoped3A_77 : memref<!tpu.dma_semaphore, #tpu.memory_space<semaphore_mem>>) src(%dma_wait3A_108 : memref<16x128xi32, #tpu.memory_space<hbm>>) dst(%dma_wait3A_104 : memref<16x128xi32, #tpu.memory_space<vmem>>)
      tpu.yield
    }) : () -> ()
    %run_scoped3A_53 = arith.constant 0 : i32
    "tpu.region"() ({
      %run_scoped3A_77 = tpu.sem_alloc : memref<!tpu.dma_semaphore, #tpu.memory_space<semaphore_mem>>
      %dma_start3A_78 = arith.constant 0 : i32
      %dma_start3A_79 = arith.constant 0 : i32
      %dma_start3A_80 = tpu.memref_slice %arg9[%run_scoped3A_53, %dma_start3A_78, %dma_start3A_79] : memref<2x16x128xi32, #tpu.memory_space<vmem>> -> memref<1x16x128xi32, #tpu.memory_space<vmem>>
      %dma_start3A_81 = tpu.memref_squeeze %dma_start3A_80 : memref<1x16x128xi32, #tpu.memory_space<vmem>> -> memref<16x128xi32, #tpu.memory_space<vmem>>
      %dma_start3A_82 = arith.constant 0 : i32
      %dma_start3A_83 = arith.constant 0 : i32
      %dma_start3A_84 = tpu.memref_slice %arg5[%add3A, %dma_start3A_82, %dma_start3A_83] : memref<32x80x128xi32, #tpu.memory_space<hbm>> -> memref<1x16x128xi32, #tpu.memory_space<hbm>>
      %dma_start3A_85 = tpu.memref_squeeze %dma_start3A_84 : memref<1x16x128xi32, #tpu.memory_space<hbm>> -> memref<16x128xi32, #tpu.memory_space<hbm>>
      %dma_start3A_86 = arith.constant 0 : i32
      %dma_start3A_87 = arith.constant 0 : i32
      %dma_start3A_88 = tpu.memref_slice %arg9[%run_scoped3A_53, %dma_start3A_86, %dma_start3A_87] : memref<2x16x128xi32, #tpu.memory_space<vmem>> -> memref<1x16x128xi32, #tpu.memory_space<vmem>>
      %dma_start3A_89 = tpu.memref_squeeze %dma_start3A_88 : memref<1x16x128xi32, #tpu.memory_space<vmem>> -> memref<16x128xi32, #tpu.memory_space<vmem>>
      %dma_start3A_90 = arith.constant 0 : i32
      %dma_start3A_91 = arith.constant 0 : i32
      %dma_start3A_92 = tpu.memref_slice %arg5[%add3A, %dma_start3A_90, %dma_start3A_91] : memref<32x80x128xi32, #tpu.memory_space<hbm>> -> memref<1x16x128xi32, #tpu.memory_space<hbm>>
      %dma_start3A_93 = tpu.memref_squeeze %dma_start3A_92 : memref<1x16x128xi32, #tpu.memory_space<hbm>> -> memref<16x128xi32, #tpu.memory_space<hbm>>
      tpu.enqueue_dma source(%dma_start3A_93 : memref<16x128xi32, #tpu.memory_space<hbm>>) target(%dma_start3A_89 : memref<16x128xi32, #tpu.memory_space<vmem>>) target_semaphore(%run_scoped3A_77 : memref<!tpu.dma_semaphore, #tpu.memory_space<semaphore_mem>>)
      %dma_wait3A = arith.constant 0 : i32
      %dma_wait3A_94 = arith.constant 0 : i32
      %dma_wait3A_95 = tpu.memref_slice %arg9[%run_scoped3A_53, %dma_wait3A, %dma_wait3A_94] : memref<2x16x128xi32, #tpu.memory_space<vmem>> -> memref<1x16x128xi32, #tpu.memory_space<vmem>>
      %dma_wait3A_96 = tpu.memref_squeeze %dma_wait3A_95 : memref<1x16x128xi32, #tpu.memory_space<vmem>> -> memref<16x128xi32, #tpu.memory_space<vmem>>
      %dma_wait3A_97 = arith.constant 0 : i32
      %dma_wait3A_98 = arith.constant 0 : i32
      %dma_wait3A_99 = tpu.memref_slice %arg5[%add3A, %dma_wait3A_97, %dma_wait3A_98] : memref<32x80x128xi32, #tpu.memory_space<hbm>> -> memref<1x16x128xi32, #tpu.memory_space<hbm>>
      %dma_wait3A_100 = tpu.memref_squeeze %dma_wait3A_99 : memref<1x16x128xi32, #tpu.memory_space<hbm>> -> memref<16x128xi32, #tpu.memory_space<hbm>>
      %dma_wait3A_101 = arith.constant 0 : i32
      %dma_wait3A_102 = arith.constant 0 : i32
      %dma_wait3A_103 = tpu.memref_slice %arg9[%run_scoped3A_53, %dma_wait3A_101, %dma_wait3A_102] : memref<2x16x128xi32, #tpu.memory_space<vmem>> -> memref<1x16x128xi32, #tpu.memory_space<vmem>>
      %dma_wait3A_104 = tpu.memref_squeeze %dma_wait3A_103 : memref<1x16x128xi32, #tpu.memory_space<vmem>> -> memref<16x128xi32, #tpu.memory_space<vmem>>
      %dma_wait3A_105 = arith.constant 0 : i32
      %dma_wait3A_106 = arith.constant 0 : i32
      %dma_wait3A_107 = tpu.memref_slice %arg5[%add3A, %dma_wait3A_105, %dma_wait3A_106] : memref<32x80x128xi32, #tpu.memory_space<hbm>> -> memref<1x16x128xi32, #tpu.memory_space<hbm>>
      %dma_wait3A_108 = tpu.memref_squeeze %dma_wait3A_107 : memref<1x16x128xi32, #tpu.memory_space<hbm>> -> memref<16x128xi32, #tpu.memory_space<hbm>>
      tpu.wait_dma2 semaphore(%run_scoped3A_77 : memref<!tpu.dma_semaphore, #tpu.memory_space<semaphore_mem>>) src(%dma_wait3A_108 : memref<16x128xi32, #tpu.memory_space<hbm>>) dst(%dma_wait3A_104 : memref<16x128xi32, #tpu.memory_space<vmem>>)
      tpu.yield
    }) : () -> ()
    %dma_start3A_54 = arith.constant 0 : i32
    %dma_start3A_55 = arith.constant 0 : i32
    %dma_start3A_56 = arith.constant 0 : i32
    %dma_start3A_57 = arith.constant 0 : i32
    %dma_start3A_58 = arith.constant 0 : i32
    %dma_start3A_59 = tpu.memref_slice %arg10[%dma_start3A_56, %dma_start3A_57, %dma_start3A_58] : memref<2x128x64xf32, #tpu.memory_space<vmem>> -> memref<1x128x64xf32, #tpu.memory_space<vmem>>
    %dma_start3A_60 = tpu.memref_squeeze %dma_start3A_59 : memref<1x128x64xf32, #tpu.memory_space<vmem>> -> memref<128x64xf32, #tpu.memory_space<vmem>>
    %dma_start3A_61 = arith.constant 0 : i32
    %dma_start3A_62 = tpu.memref_slice %arg8[%dma_start3A_54, %dma_start3A_55, %dma_start3A_61] : memref<2x16x128xi32, #tpu.memory_space<vmem>> -> memref<1x1x128xi32, #tpu.memory_space<vmem>>
    %dma_start3A_63 = tpu.memref_squeeze %dma_start3A_62 : memref<1x1x128xi32, #tpu.memory_space<vmem>> -> memref<128xi32, #tpu.memory_space<vmem>>
    %dma_start3A_64 = arith.constant 0 : i32
    %dma_start3A_65 = arith.constant 0 : i32
    %dma_start3A_66 = tpu.memref_slice %arg12[%dma_start3A_64, %dma_start3A_65] : memref<10240x64xf32, #tpu.memory_space<vmem_shared>> -> memref<10240x64xf32, #tpu.memory_space<vmem_shared>>
    tpu.enqueue_indirect_dma source(%dma_start3A_66 : memref<10240x64xf32, #tpu.memory_space<vmem_shared>>) target(%dma_start3A_60 : memref<128x64xf32, #tpu.memory_space<vmem>>) offsets(%dma_start3A_63 : memref<128xi32, #tpu.memory_space<vmem>>) semaphore(%arg13 : memref<!tpu.dma_semaphore, #tpu.memory_space<semaphore_mem>>)
    %scan3A_67 = arith.constant 0 : i32
    %scan3A_68 = arith.constant 80 : i32
    %scan3A_69 = arith.addi %scan3A_67, %scan3A_68 : i32
    %scan3A_70 = arith.constant 1 : i32
    scf.for %scan3A_77 = %scan3A_67 to %scan3A_69 step %scan3A_70  : i32 {
      %mul3A_78 = arith.constant 1 : i32
      %mul3A_79 = arith.muli %scan3A_77, %mul3A_78 : i32
      %add3A_80 = arith.constant 0 : i32
      %add3A_81 = arith.addi %add3A_80, %mul3A_79 : i32
      %div3A = arith.constant 16 : i32
      %div3A_82 = arith.divsi %add3A_81, %div3A : i32
      %rem3A = arith.constant 2 : i32
      %rem3A_83 = arith.remsi %div3A_82, %rem3A : i32
      %rem3A_84 = arith.constant 16 : i32
      %rem3A_85 = arith.remsi %add3A_81, %rem3A_84 : i32
      %rem3A_86 = arith.constant 2 : i32
      %rem3A_87 = arith.remsi %add3A_81, %rem3A_86 : i32
      %dma_wait3A = arith.constant 0 : i32
      %dma_wait3A_88 = arith.constant 0 : i32
      %dma_wait3A_89 = tpu.memref_slice %arg10[%rem3A_87, %dma_wait3A, %dma_wait3A_88] : memref<2x128x64xf32, #tpu.memory_space<vmem>> -> memref<1x128x64xf32, #tpu.memory_space<vmem>>
      %dma_wait3A_90 = tpu.memref_squeeze %dma_wait3A_89 : memref<1x128x64xf32, #tpu.memory_space<vmem>> -> memref<128x64xf32, #tpu.memory_space<vmem>>
      %dma_wait3A_91 = arith.constant 0 : i32
      %dma_wait3A_92 = tpu.memref_slice %arg8[%rem3A_83, %rem3A_85, %dma_wait3A_91] : memref<2x16x128xi32, #tpu.memory_space<vmem>> -> memref<1x1x128xi32, #tpu.memory_space<vmem>>
      %dma_wait3A_93 = tpu.memref_squeeze %dma_wait3A_92 : memref<1x1x128xi32, #tpu.memory_space<vmem>> -> memref<128xi32, #tpu.memory_space<vmem>>
      %dma_wait3A_94 = arith.constant 0 : i32
      %dma_wait3A_95 = arith.constant 0 : i32
      %dma_wait3A_96 = tpu.memref_slice %arg12[%dma_wait3A_94, %dma_wait3A_95] : memref<10240x64xf32, #tpu.memory_space<vmem_shared>> -> memref<10240x64xf32, #tpu.memory_space<vmem_shared>>
      tpu.wait_indirect_dma semaphore(%arg13 : memref<!tpu.dma_semaphore, #tpu.memory_space<semaphore_mem>>) src(%dma_wait3A_96 : memref<10240x64xf32, #tpu.memory_space<vmem_shared>>) dst(%dma_wait3A_90 : memref<128x64xf32, #tpu.memory_space<vmem>>)
      %eq3A = arith.constant 15 : i32
      %eq3A_97 = arith.cmpi eq, %rem3A_85, %eq3A : i32
      %add3A_98 = arith.constant 1 : i32
      %add3A_99 = arith.addi %add3A_81, %add3A_98 : i32
      %lt3A = arith.constant 80 : i32
      %lt3A_100 = arith.cmpi slt, %add3A_99, %lt3A : i32
      %and3A = arith.andi %eq3A_97, %lt3A_100 : i1
      %convert_element_type3A = arith.extui %and3A : i1 to i32
      %cond3A = arith.constant 0 : i32
      %cond3A_101 = arith.cmpi ne, %convert_element_type3A, %cond3A : i32
      scf.if %cond3A_101 {
        %add3A_109 = arith.constant 1 : i32
        %add3A_110 = arith.addi %div3A_82, %add3A_109 : i32
        %rem3A_111 = arith.constant 2 : i32
        %rem3A_112 = arith.remsi %add3A_110, %rem3A_111 : i32
        %add3A_113 = arith.constant 1 : i32
        %add3A_114 = arith.addi %div3A_82, %add3A_113 : i32
        %mul3A_115 = arith.constant 16 : i32
        %mul3A_116 = arith.muli %add3A_114, %mul3A_115 : i32
        "tpu.region"() ({
          %run_scoped3A_121 = tpu.sem_alloc : memref<!tpu.dma_semaphore, #tpu.memory_space<semaphore_mem>>
          %dma_start3A_122 = arith.constant 0 : i32
          %dma_start3A_123 = arith.constant 0 : i32
          %dma_start3A_124 = tpu.memref_slice %arg8[%rem3A_112, %dma_start3A_122, %dma_start3A_123] : memref<2x16x128xi32, #tpu.memory_space<vmem>> -> memref<1x16x128xi32, #tpu.memory_space<vmem>>
          %dma_start3A_125 = tpu.memref_squeeze %dma_start3A_124 : memref<1x16x128xi32, #tpu.memory_space<vmem>> -> memref<16x128xi32, #tpu.memory_space<vmem>>
          %dma_start3A_126 = arith.constant 0 : i32
          %dma_start3A_127 = tpu.memref_slice %arg4[%add3A, %mul3A_116, %dma_start3A_126] : memref<32x80x128xi32, #tpu.memory_space<hbm>> -> memref<1x16x128xi32, #tpu.memory_space<hbm>>
          %dma_start3A_128 = tpu.memref_squeeze %dma_start3A_127 : memref<1x16x128xi32, #tpu.memory_space<hbm>> -> memref<16x128xi32, #tpu.memory_space<hbm>>
          %dma_start3A_129 = arith.constant 0 : i32
          %dma_start3A_130 = arith.constant 0 : i32
          %dma_start3A_131 = tpu.memref_slice %arg8[%rem3A_112, %dma_start3A_129, %dma_start3A_130] : memref<2x16x128xi32, #tpu.memory_space<vmem>> -> memref<1x16x128xi32, #tpu.memory_space<vmem>>
          %dma_start3A_132 = tpu.memref_squeeze %dma_start3A_131 : memref<1x16x128xi32, #tpu.memory_space<vmem>> -> memref<16x128xi32, #tpu.memory_space<vmem>>
          %dma_start3A_133 = arith.constant 0 : i32
          %dma_start3A_134 = tpu.memref_slice %arg4[%add3A, %mul3A_116, %dma_start3A_133] : memref<32x80x128xi32, #tpu.memory_space<hbm>> -> memref<1x16x128xi32, #tpu.memory_space<hbm>>
          %dma_start3A_135 = tpu.memref_squeeze %dma_start3A_134 : memref<1x16x128xi32, #tpu.memory_space<hbm>> -> memref<16x128xi32, #tpu.memory_space<hbm>>
          tpu.enqueue_dma source(%dma_start3A_135 : memref<16x128xi32, #tpu.memory_space<hbm>>) target(%dma_start3A_132 : memref<16x128xi32, #tpu.memory_space<vmem>>) target_semaphore(%run_scoped3A_121 : memref<!tpu.dma_semaphore, #tpu.memory_space<semaphore_mem>>)
          %dma_wait3A_136 = arith.constant 0 : i32
          %dma_wait3A_137 = arith.constant 0 : i32
          %dma_wait3A_138 = tpu.memref_slice %arg8[%rem3A_112, %dma_wait3A_136, %dma_wait3A_137] : memref<2x16x128xi32, #tpu.memory_space<vmem>> -> memref<1x16x128xi32, #tpu.memory_space<vmem>>
          %dma_wait3A_139 = tpu.memref_squeeze %dma_wait3A_138 : memref<1x16x128xi32, #tpu.memory_space<vmem>> -> memref<16x128xi32, #tpu.memory_space<vmem>>
          %dma_wait3A_140 = arith.constant 0 : i32
          %dma_wait3A_141 = tpu.memref_slice %arg4[%add3A, %mul3A_116, %dma_wait3A_140] : memref<32x80x128xi32, #tpu.memory_space<hbm>> -> memref<1x16x128xi32, #tpu.memory_space<hbm>>
          %dma_wait3A_142 = tpu.memref_squeeze %dma_wait3A_141 : memref<1x16x128xi32, #tpu.memory_space<hbm>> -> memref<16x128xi32, #tpu.memory_space<hbm>>
          %dma_wait3A_143 = arith.constant 0 : i32
          %dma_wait3A_144 = arith.constant 0 : i32
          %dma_wait3A_145 = tpu.memref_slice %arg8[%rem3A_112, %dma_wait3A_143, %dma_wait3A_144] : memref<2x16x128xi32, #tpu.memory_space<vmem>> -> memref<1x16x128xi32, #tpu.memory_space<vmem>>
          %dma_wait3A_146 = tpu.memref_squeeze %dma_wait3A_145 : memref<1x16x128xi32, #tpu.memory_space<vmem>> -> memref<16x128xi32, #tpu.memory_space<vmem>>
          %dma_wait3A_147 = arith.constant 0 : i32
          %dma_wait3A_148 = tpu.memref_slice %arg4[%add3A, %mul3A_116, %dma_wait3A_147] : memref<32x80x128xi32, #tpu.memory_space<hbm>> -> memref<1x16x128xi32, #tpu.memory_space<hbm>>
          %dma_wait3A_149 = tpu.memref_squeeze %dma_wait3A_148 : memref<1x16x128xi32, #tpu.memory_space<hbm>> -> memref<16x128xi32, #tpu.memory_space<hbm>>
          tpu.wait_dma2 semaphore(%run_scoped3A_121 : memref<!tpu.dma_semaphore, #tpu.memory_space<semaphore_mem>>) src(%dma_wait3A_149 : memref<16x128xi32, #tpu.memory_space<hbm>>) dst(%dma_wait3A_146 : memref<16x128xi32, #tpu.memory_space<vmem>>)
          tpu.yield
        }) : () -> ()
        %add3A_117 = arith.constant 1 : i32
        %add3A_118 = arith.addi %div3A_82, %add3A_117 : i32
        %mul3A_119 = arith.constant 16 : i32
        %mul3A_120 = arith.muli %add3A_118, %mul3A_119 : i32
        "tpu.region"() ({
          %run_scoped3A_121 = tpu.sem_alloc : memref<!tpu.dma_semaphore, #tpu.memory_space<semaphore_mem>>
          %dma_start3A_122 = arith.constant 0 : i32
          %dma_start3A_123 = arith.constant 0 : i32
          %dma_start3A_124 = tpu.memref_slice %arg9[%rem3A_112, %dma_start3A_122, %dma_start3A_123] : memref<2x16x128xi32, #tpu.memory_space<vmem>> -> memref<1x16x128xi32, #tpu.memory_space<vmem>>
          %dma_start3A_125 = tpu.memref_squeeze %dma_start3A_124 : memref<1x16x128xi32, #tpu.memory_space<vmem>> -> memref<16x128xi32, #tpu.memory_space<vmem>>
          %dma_start3A_126 = arith.constant 0 : i32
          %dma_start3A_127 = tpu.memref_slice %arg5[%add3A, %mul3A_120, %dma_start3A_126] : memref<32x80x128xi32, #tpu.memory_space<hbm>> -> memref<1x16x128xi32, #tpu.memory_space<hbm>>
          %dma_start3A_128 = tpu.memref_squeeze %dma_start3A_127 : memref<1x16x128xi32, #tpu.memory_space<hbm>> -> memref<16x128xi32, #tpu.memory_space<hbm>>
          %dma_start3A_129 = arith.constant 0 : i32
          %dma_start3A_130 = arith.constant 0 : i32
          %dma_start3A_131 = tpu.memref_slice %arg9[%rem3A_112, %dma_start3A_129, %dma_start3A_130] : memref<2x16x128xi32, #tpu.memory_space<vmem>> -> memref<1x16x128xi32, #tpu.memory_space<vmem>>
          %dma_start3A_132 = tpu.memref_squeeze %dma_start3A_131 : memref<1x16x128xi32, #tpu.memory_space<vmem>> -> memref<16x128xi32, #tpu.memory_space<vmem>>
          %dma_start3A_133 = arith.constant 0 : i32
          %dma_start3A_134 = tpu.memref_slice %arg5[%add3A, %mul3A_120, %dma_start3A_133] : memref<32x80x128xi32, #tpu.memory_space<hbm>> -> memref<1x16x128xi32, #tpu.memory_space<hbm>>
          %dma_start3A_135 = tpu.memref_squeeze %dma_start3A_134 : memref<1x16x128xi32, #tpu.memory_space<hbm>> -> memref<16x128xi32, #tpu.memory_space<hbm>>
          tpu.enqueue_dma source(%dma_start3A_135 : memref<16x128xi32, #tpu.memory_space<hbm>>) target(%dma_start3A_132 : memref<16x128xi32, #tpu.memory_space<vmem>>) target_semaphore(%run_scoped3A_121 : memref<!tpu.dma_semaphore, #tpu.memory_space<semaphore_mem>>)
          %dma_wait3A_136 = arith.constant 0 : i32
          %dma_wait3A_137 = arith.constant 0 : i32
          %dma_wait3A_138 = tpu.memref_slice %arg9[%rem3A_112, %dma_wait3A_136, %dma_wait3A_137] : memref<2x16x128xi32, #tpu.memory_space<vmem>> -> memref<1x16x128xi32, #tpu.memory_space<vmem>>
          %dma_wait3A_139 = tpu.memref_squeeze %dma_wait3A_138 : memref<1x16x128xi32, #tpu.memory_space<vmem>> -> memref<16x128xi32, #tpu.memory_space<vmem>>
          %dma_wait3A_140 = arith.constant 0 : i32
          %dma_wait3A_141 = tpu.memref_slice %arg5[%add3A, %mul3A_120, %dma_wait3A_140] : memref<32x80x128xi32, #tpu.memory_space<hbm>> -> memref<1x16x128xi32, #tpu.memory_space<hbm>>
          %dma_wait3A_142 = tpu.memref_squeeze %dma_wait3A_141 : memref<1x16x128xi32, #tpu.memory_space<hbm>> -> memref<16x128xi32, #tpu.memory_space<hbm>>
          %dma_wait3A_143 = arith.constant 0 : i32
          %dma_wait3A_144 = arith.constant 0 : i32
          %dma_wait3A_145 = tpu.memref_slice %arg9[%rem3A_112, %dma_wait3A_143, %dma_wait3A_144] : memref<2x16x128xi32, #tpu.memory_space<vmem>> -> memref<1x16x128xi32, #tpu.memory_space<vmem>>
          %dma_wait3A_146 = tpu.memref_squeeze %dma_wait3A_145 : memref<1x16x128xi32, #tpu.memory_space<vmem>> -> memref<16x128xi32, #tpu.memory_space<vmem>>
          %dma_wait3A_147 = arith.constant 0 : i32
          %dma_wait3A_148 = tpu.memref_slice %arg5[%add3A, %mul3A_120, %dma_wait3A_147] : memref<32x80x128xi32, #tpu.memory_space<hbm>> -> memref<1x16x128xi32, #tpu.memory_space<hbm>>
          %dma_wait3A_149 = tpu.memref_squeeze %dma_wait3A_148 : memref<1x16x128xi32, #tpu.memory_space<hbm>> -> memref<16x128xi32, #tpu.memory_space<hbm>>
          tpu.wait_dma2 semaphore(%run_scoped3A_121 : memref<!tpu.dma_semaphore, #tpu.memory_space<semaphore_mem>>) src(%dma_wait3A_149 : memref<16x128xi32, #tpu.memory_space<hbm>>) dst(%dma_wait3A_146 : memref<16x128xi32, #tpu.memory_space<vmem>>)
          tpu.yield
        }) : () -> ()
      } else {
      }
      %add3A_102 = arith.constant 1 : i32
      %add3A_103 = arith.addi %add3A_81, %add3A_102 : i32
      %lt3A_104 = arith.constant 80 : i32
      %lt3A_105 = arith.cmpi slt, %add3A_103, %lt3A_104 : i32
      %convert_element_type3A_106 = arith.extui %lt3A_105 : i1 to i32
      %cond3A_107 = arith.constant 0 : i32
      %cond3A_108 = arith.cmpi ne, %convert_element_type3A_106, %cond3A_107 : i32
      scf.if %cond3A_108 {
        %add3A_109 = arith.constant 1 : i32
        %add3A_110 = arith.addi %add3A_81, %add3A_109 : i32
        %div3A_111 = arith.constant 16 : i32
        %div3A_112 = arith.divsi %add3A_110, %div3A_111 : i32
        %rem3A_113 = arith.constant 2 : i32
        %rem3A_114 = arith.remsi %div3A_112, %rem3A_113 : i32
        %rem3A_115 = arith.constant 16 : i32
        %rem3A_116 = arith.remsi %add3A_110, %rem3A_115 : i32
        %rem3A_117 = arith.constant 2 : i32
        %rem3A_118 = arith.remsi %add3A_110, %rem3A_117 : i32
        %dma_start3A_119 = arith.constant 0 : i32
        %dma_start3A_120 = arith.constant 0 : i32
        %dma_start3A_121 = tpu.memref_slice %arg10[%rem3A_118, %dma_start3A_119, %dma_start3A_120] : memref<2x128x64xf32, #tpu.memory_space<vmem>> -> memref<1x128x64xf32, #tpu.memory_space<vmem>>
        %dma_start3A_122 = tpu.memref_squeeze %dma_start3A_121 : memref<1x128x64xf32, #tpu.memory_space<vmem>> -> memref<128x64xf32, #tpu.memory_space<vmem>>
        %dma_start3A_123 = arith.constant 0 : i32
        %dma_start3A_124 = tpu.memref_slice %arg8[%rem3A_114, %rem3A_116, %dma_start3A_123] : memref<2x16x128xi32, #tpu.memory_space<vmem>> -> memref<1x1x128xi32, #tpu.memory_space<vmem>>
        %dma_start3A_125 = tpu.memref_squeeze %dma_start3A_124 : memref<1x1x128xi32, #tpu.memory_space<vmem>> -> memref<128xi32, #tpu.memory_space<vmem>>
        %dma_start3A_126 = arith.constant 0 : i32
        %dma_start3A_127 = arith.constant 0 : i32
        %dma_start3A_128 = tpu.memref_slice %arg12[%dma_start3A_126, %dma_start3A_127] : memref<10240x64xf32, #tpu.memory_space<vmem_shared>> -> memref<10240x64xf32, #tpu.memory_space<vmem_shared>>
        tpu.enqueue_indirect_dma source(%dma_start3A_128 : memref<10240x64xf32, #tpu.memory_space<vmem_shared>>) target(%dma_start3A_122 : memref<128x64xf32, #tpu.memory_space<vmem>>) offsets(%dma_start3A_125 : memref<128xi32, #tpu.memory_space<vmem>>) semaphore(%arg13 : memref<!tpu.dma_semaphore, #tpu.memory_space<semaphore_mem>>)
      } else {
      }
      "tpu.region"() ({
        %run_scoped3A_109 = tpu.sem_alloc : memref<!tpu.dma_semaphore, #tpu.memory_space<semaphore_mem>>
        %dma_start3A_110 = arith.constant 0 : i32
        %dma_start3A_111 = arith.constant 0 : i32
        %dma_start3A_112 = tpu.memref_slice %arg10[%rem3A_87, %dma_start3A_110, %dma_start3A_111] : memref<2x128x64xf32, #tpu.memory_space<vmem>> -> memref<1x128x64xf32, #tpu.memory_space<vmem>>
        %dma_start3A_113 = tpu.memref_squeeze %dma_start3A_112 : memref<1x128x64xf32, #tpu.memory_space<vmem>> -> memref<128x64xf32, #tpu.memory_space<vmem>>
        %dma_start3A_114 = arith.constant 0 : i32
        %dma_start3A_115 = tpu.memref_slice %arg9[%rem3A_83, %rem3A_85, %dma_start3A_114] : memref<2x16x128xi32, #tpu.memory_space<vmem>> -> memref<1x1x128xi32, #tpu.memory_space<vmem>>
        %dma_start3A_116 = tpu.memref_squeeze %dma_start3A_115 : memref<1x1x128xi32, #tpu.memory_space<vmem>> -> memref<128xi32, #tpu.memory_space<vmem>>
        %dma_start3A_117 = arith.constant 0 : i32
        %dma_start3A_118 = arith.constant 0 : i32
        %dma_start3A_119 = tpu.memref_slice %arg11[%dma_start3A_117, %dma_start3A_118] : memref<10240x64xf32, #tpu.memory_space<vmem_shared>> -> memref<10240x64xf32, #tpu.memory_space<vmem_shared>>
        tpu.enqueue_indirect_dma source(%dma_start3A_113 : memref<128x64xf32, #tpu.memory_space<vmem>>) target(%dma_start3A_119 : memref<10240x64xf32, #tpu.memory_space<vmem_shared>>) offsets(%dma_start3A_116 : memref<128xi32, #tpu.memory_space<vmem>>) semaphore(%run_scoped3A_109 : memref<!tpu.dma_semaphore, #tpu.memory_space<semaphore_mem>>) {add = true}
        %dma_wait3A_120 = arith.constant 0 : i32
        %dma_wait3A_121 = arith.constant 0 : i32
        %dma_wait3A_122 = tpu.memref_slice %arg10[%rem3A_87, %dma_wait3A_120, %dma_wait3A_121] : memref<2x128x64xf32, #tpu.memory_space<vmem>> -> memref<1x128x64xf32, #tpu.memory_space<vmem>>
        %dma_wait3A_123 = tpu.memref_squeeze %dma_wait3A_122 : memref<1x128x64xf32, #tpu.memory_space<vmem>> -> memref<128x64xf32, #tpu.memory_space<vmem>>
        %dma_wait3A_124 = arith.constant 0 : i32
        %dma_wait3A_125 = tpu.memref_slice %arg9[%rem3A_83, %rem3A_85, %dma_wait3A_124] : memref<2x16x128xi32, #tpu.memory_space<vmem>> -> memref<1x1x128xi32, #tpu.memory_space<vmem>>
        %dma_wait3A_126 = tpu.memref_squeeze %dma_wait3A_125 : memref<1x1x128xi32, #tpu.memory_space<vmem>> -> memref<128xi32, #tpu.memory_space<vmem>>
        %dma_wait3A_127 = arith.constant 0 : i32
        %dma_wait3A_128 = arith.constant 0 : i32
        %dma_wait3A_129 = tpu.memref_slice %arg11[%dma_wait3A_127, %dma_wait3A_128] : memref<10240x64xf32, #tpu.memory_space<vmem_shared>> -> memref<10240x64xf32, #tpu.memory_space<vmem_shared>>
        tpu.wait_indirect_dma semaphore(%run_scoped3A_109 : memref<!tpu.dma_semaphore, #tpu.memory_space<semaphore_mem>>) src(%dma_wait3A_123 : memref<128x64xf32, #tpu.memory_space<vmem>>) dst(%dma_wait3A_129 : memref<10240x64xf32, #tpu.memory_space<vmem_shared>>)
        tpu.yield
      }) : () -> ()
    }
    %scan3A_71 = arith.constant 80 : i32
    %barrier3A_72 = arith.constant 0 : index
    tpu.barrier barrier_id(%barrier3A_72)
    %mul3A_73 = arith.constant 640 : i32
    %mul3A_74 = arith.muli %arg1, %mul3A_73 : i32
    %mul3A_75 = arith.constant 640 : i32
    %mul3A_76 = arith.muli %arg1, %mul3A_75 : i32
    "tpu.region"() ({
      %run_scoped3A_77 = tpu.sem_alloc : memref<!tpu.dma_semaphore, #tpu.memory_space<semaphore_mem>>
      %dma_start3A_78 = arith.constant 0 : i32
      %dma_start3A_79 = tpu.memref_slice %arg7[%arg0, %mul3A_76, %dma_start3A_78] : memref<2x10240x64xf32, #tpu.memory_space<hbm>> -> memref<1x640x64xf32, #tpu.memory_space<hbm>>
      %dma_start3A_80 = tpu.memref_squeeze %dma_start3A_79 : memref<1x640x64xf32, #tpu.memory_space<hbm>> -> memref<640x64xf32, #tpu.memory_space<hbm>>
      %dma_start3A_81 = arith.constant 0 : i32
      %dma_start3A_82 = tpu.memref_slice %arg11[%mul3A_74, %dma_start3A_81] : memref<10240x64xf32, #tpu.memory_space<vmem_shared>> -> memref<640x64xf32, #tpu.memory_space<vmem_shared>>
      tpu.enqueue_dma source(%dma_start3A_82 : memref<640x64xf32, #tpu.memory_space<vmem_shared>>) target(%dma_start3A_80 : memref<640x64xf32, #tpu.memory_space<hbm>>) target_semaphore(%run_scoped3A_77 : memref<!tpu.dma_semaphore, #tpu.memory_space<semaphore_mem>>)
      %dma_wait3A = arith.constant 0 : i32
      %dma_wait3A_83 = tpu.memref_slice %arg7[%arg0, %mul3A_76, %dma_wait3A] : memref<2x10240x64xf32, #tpu.memory_space<hbm>> -> memref<1x640x64xf32, #tpu.memory_space<hbm>>
      %dma_wait3A_84 = tpu.memref_squeeze %dma_wait3A_83 : memref<1x640x64xf32, #tpu.memory_space<hbm>> -> memref<640x64xf32, #tpu.memory_space<hbm>>
      %dma_wait3A_85 = arith.constant 0 : i32
      %dma_wait3A_86 = tpu.memref_slice %arg11[%mul3A_74, %dma_wait3A_85] : memref<10240x64xf32, #tpu.memory_space<vmem_shared>> -> memref<640x64xf32, #tpu.memory_space<vmem_shared>>
      tpu.wait_dma2 semaphore(%run_scoped3A_77 : memref<!tpu.dma_semaphore, #tpu.memory_space<semaphore_mem>>) src(%dma_wait3A_86 : memref<640x64xf32, #tpu.memory_space<vmem_shared>>) dst(%dma_wait3A_84 : memref<640x64xf32, #tpu.memory_space<hbm>>)
      tpu.yield
    }) : () -> ()
    return
  }
}

#map = affine_map<(d0, d1) -> (0, 0, 0)>
#map1 = affine_map<(d0, d1) -> (0, 0)>
module attributes {stable_mosaic.version = 14 : i64} {
  func.func @deg_kernel(%arg0: i32, %arg1: i32, %arg2: memref<32x80x128xi32, #tpu.memory_space<hbm>>, %arg3: memref<2x10240xf32, #tpu.memory_space<hbm>>, %arg4: memref<80x128xi32, #tpu.memory_space<vmem>>, %arg5: memref<128xf32, #tpu.memory_space<vmem>>, %arg6: memref<640xf32, #tpu.memory_space<vmem>>, %arg7: memref<10240xf32, #tpu.memory_space<vmem_shared>>) attributes {dimension_semantics = [#tpu.dimension_semantics<core_parallel>, #tpu.dimension_semantics<subcore_parallel>], iteration_bounds = array<i64: 2, 16>, scalar_prefetch = 0 : i64, scratch_operands = 4 : i64, tpu.core_type = #tpu.core_type<sc_vector_subcore>, window_params = [{transform_indices = #map}, {transform_indices = #map1}]} {
    %mul3A = arith.constant 16 : i32
    %mul3A_0 = arith.muli %arg0, %mul3A : i32
    %add3A = arith.addi %mul3A_0, %arg1 : i32
    %scan3A = arith.constant 0 : i32
    %scan3A_1 = arith.constant 8 : i32
    %scan3A_2 = arith.addi %scan3A, %scan3A_1 : i32
    %scan3A_3 = arith.constant 1 : i32
    scf.for %scan3A_22 = %scan3A to %scan3A_2 step %scan3A_3  : i32 {
      %mul3A_23 = arith.constant 1 : i32
      %mul3A_24 = arith.muli %scan3A_22, %mul3A_23 : i32
      %add3A_25 = arith.constant 0 : i32
      %add3A_26 = arith.addi %add3A_25, %mul3A_24 : i32
      %broadcast_in_dim3A = arith.constant 1.000000e+00 : f32
      %broadcast_in_dim3A_27 = vector.broadcast %broadcast_in_dim3A : f32 to vector<16xf32>
      %mul3A_28 = arith.constant 16 : i32
      %mul3A_29 = arith.muli %add3A_26, %mul3A_28 : i32
      %swap3A = arith.index_cast %mul3A_29 : i32 to index
      %swap3A_30 = tpu.vector_load %arg5[%swap3A] {strides = array<i32>} : memref<128xf32, #tpu.memory_space<vmem>>, vector<16xf32>,
      %swap3A_31 = vector.shape_cast %swap3A_30 : vector<16xf32> to vector<16xf32>
      %swap3A_32 = vector.shape_cast %broadcast_in_dim3A_27 : vector<16xf32> to vector<16xf32>
      tpu.vector_store %arg5[%swap3A], %swap3A_32 {strides = array<i32>} : memref<128xf32, #tpu.memory_space<vmem>>, vector<16xf32>,
    }
    %scan3A_4 = arith.constant 8 : i32
    %scan3A_5 = arith.constant 0 : i32
    %scan3A_6 = arith.constant 40 : i32
    %scan3A_7 = arith.addi %scan3A_5, %scan3A_6 : i32
    %scan3A_8 = arith.constant 1 : i32
    scf.for %scan3A_22 = %scan3A_5 to %scan3A_7 step %scan3A_8  : i32 {
      %mul3A_23 = arith.constant 1 : i32
      %mul3A_24 = arith.muli %scan3A_22, %mul3A_23 : i32
      %add3A_25 = arith.constant 0 : i32
      %add3A_26 = arith.addi %add3A_25, %mul3A_24 : i32
      %broadcast_in_dim3A = arith.constant 0.000000e+00 : f32
      %broadcast_in_dim3A_27 = vector.broadcast %broadcast_in_dim3A : f32 to vector<16xf32>
      %mul3A_28 = arith.constant 16 : i32
      %mul3A_29 = arith.muli %add3A_26, %mul3A_28 : i32
      %swap3A = arith.index_cast %mul3A_29 : i32 to index
      %swap3A_30 = tpu.vector_load %arg6[%swap3A] {strides = array<i32>} : memref<640xf32, #tpu.memory_space<vmem>>, vector<16xf32>,
      %swap3A_31 = vector.shape_cast %swap3A_30 : vector<16xf32> to vector<16xf32>
      %swap3A_32 = vector.shape_cast %broadcast_in_dim3A_27 : vector<16xf32> to vector<16xf32>
      tpu.vector_store %arg6[%swap3A], %swap3A_32 {strides = array<i32>} : memref<640xf32, #tpu.memory_space<vmem>>, vector<16xf32>,
    }
    %scan3A_9 = arith.constant 40 : i32
    %mul3A_10 = arith.constant 640 : i32
    %mul3A_11 = arith.muli %arg1, %mul3A_10 : i32
    "tpu.region"() ({
      %run_scoped3A = tpu.sem_alloc : memref<!tpu.dma_semaphore, #tpu.memory_space<semaphore_mem>>
      %dma_start3A = tpu.memref_slice %arg7[%mul3A_11] : memref<10240xf32, #tpu.memory_space<vmem_shared>> -> memref<640xf32, #tpu.memory_space<vmem_shared>>
      %dma_start3A_22 = tpu.memref_slice %arg7[%mul3A_11] : memref<10240xf32, #tpu.memory_space<vmem_shared>> -> memref<640xf32, #tpu.memory_space<vmem_shared>>
      tpu.enqueue_dma source(%arg6 : memref<640xf32, #tpu.memory_space<vmem>>) target(%dma_start3A_22 : memref<640xf32, #tpu.memory_space<vmem_shared>>) target_semaphore(%run_scoped3A : memref<!tpu.dma_semaphore, #tpu.memory_space<semaphore_mem>>)
      %dma_wait3A = tpu.memref_slice %arg7[%mul3A_11] : memref<10240xf32, #tpu.memory_space<vmem_shared>> -> memref<640xf32, #tpu.memory_space<vmem_shared>>
      %dma_wait3A_23 = tpu.memref_slice %arg7[%mul3A_11] : memref<10240xf32, #tpu.memory_space<vmem_shared>> -> memref<640xf32, #tpu.memory_space<vmem_shared>>
      tpu.wait_dma2 semaphore(%run_scoped3A : memref<!tpu.dma_semaphore, #tpu.memory_space<semaphore_mem>>) src(%arg6 : memref<640xf32, #tpu.memory_space<vmem>>) dst(%dma_wait3A_23 : memref<640xf32, #tpu.memory_space<vmem_shared>>)
      tpu.yield
    }) : () -> ()
    %barrier3A = arith.constant 0 : index
    tpu.barrier barrier_id(%barrier3A)
    "tpu.region"() ({
      %run_scoped3A = tpu.sem_alloc : memref<!tpu.dma_semaphore, #tpu.memory_space<semaphore_mem>>
      %dma_start3A = arith.constant 0 : i32
      %dma_start3A_22 = arith.constant 0 : i32
      %dma_start3A_23 = tpu.memref_slice %arg2[%add3A, %dma_start3A, %dma_start3A_22] : memref<32x80x128xi32, #tpu.memory_space<hbm>> -> memref<1x80x128xi32, #tpu.memory_space<hbm>>
      %dma_start3A_24 = tpu.memref_squeeze %dma_start3A_23 : memref<1x80x128xi32, #tpu.memory_space<hbm>> -> memref<80x128xi32, #tpu.memory_space<hbm>>
      %dma_start3A_25 = arith.constant 0 : i32
      %dma_start3A_26 = arith.constant 0 : i32
      %dma_start3A_27 = tpu.memref_slice %arg2[%add3A, %dma_start3A_25, %dma_start3A_26] : memref<32x80x128xi32, #tpu.memory_space<hbm>> -> memref<1x80x128xi32, #tpu.memory_space<hbm>>
      %dma_start3A_28 = tpu.memref_squeeze %dma_start3A_27 : memref<1x80x128xi32, #tpu.memory_space<hbm>> -> memref<80x128xi32, #tpu.memory_space<hbm>>
      tpu.enqueue_dma source(%dma_start3A_28 : memref<80x128xi32, #tpu.memory_space<hbm>>) target(%arg4 : memref<80x128xi32, #tpu.memory_space<vmem>>) target_semaphore(%run_scoped3A : memref<!tpu.dma_semaphore, #tpu.memory_space<semaphore_mem>>)
      %dma_wait3A = arith.constant 0 : i32
      %dma_wait3A_29 = arith.constant 0 : i32
      %dma_wait3A_30 = tpu.memref_slice %arg2[%add3A, %dma_wait3A, %dma_wait3A_29] : memref<32x80x128xi32, #tpu.memory_space<hbm>> -> memref<1x80x128xi32, #tpu.memory_space<hbm>>
      %dma_wait3A_31 = tpu.memref_squeeze %dma_wait3A_30 : memref<1x80x128xi32, #tpu.memory_space<hbm>> -> memref<80x128xi32, #tpu.memory_space<hbm>>
      %dma_wait3A_32 = arith.constant 0 : i32
      %dma_wait3A_33 = arith.constant 0 : i32
      %dma_wait3A_34 = tpu.memref_slice %arg2[%add3A, %dma_wait3A_32, %dma_wait3A_33] : memref<32x80x128xi32, #tpu.memory_space<hbm>> -> memref<1x80x128xi32, #tpu.memory_space<hbm>>
      %dma_wait3A_35 = tpu.memref_squeeze %dma_wait3A_34 : memref<1x80x128xi32, #tpu.memory_space<hbm>> -> memref<80x128xi32, #tpu.memory_space<hbm>>
      tpu.wait_dma2 semaphore(%run_scoped3A : memref<!tpu.dma_semaphore, #tpu.memory_space<semaphore_mem>>) src(%dma_wait3A_35 : memref<80x128xi32, #tpu.memory_space<hbm>>) dst(%arg4 : memref<80x128xi32, #tpu.memory_space<vmem>>)
      tpu.yield
    }) : () -> ()
    %scan3A_12 = arith.constant 0 : i32
    %scan3A_13 = arith.constant 80 : i32
    %scan3A_14 = arith.addi %scan3A_12, %scan3A_13 : i32
    %scan3A_15 = arith.constant 1 : i32
    scf.for %scan3A_22 = %scan3A_12 to %scan3A_14 step %scan3A_15  : i32 {
      %mul3A_23 = arith.constant 1 : i32
      %mul3A_24 = arith.muli %scan3A_22, %mul3A_23 : i32
      %add3A_25 = arith.constant 0 : i32
      %add3A_26 = arith.addi %add3A_25, %mul3A_24 : i32
      "tpu.region"() ({
        %run_scoped3A = tpu.sem_alloc : memref<!tpu.dma_semaphore, #tpu.memory_space<semaphore_mem>>
        %dma_start3A = arith.constant 0 : i32
        %dma_start3A_27 = tpu.memref_slice %arg4[%add3A_26, %dma_start3A] : memref<80x128xi32, #tpu.memory_space<vmem>> -> memref<1x128xi32, #tpu.memory_space<vmem>>
        %dma_start3A_28 = tpu.memref_squeeze %dma_start3A_27 : memref<1x128xi32, #tpu.memory_space<vmem>> -> memref<128xi32, #tpu.memory_space<vmem>>
        %dma_start3A_29 = arith.constant 0 : i32
        %dma_start3A_30 = tpu.memref_slice %arg7[%dma_start3A_29] : memref<10240xf32, #tpu.memory_space<vmem_shared>> -> memref<10240xf32, #tpu.memory_space<vmem_shared>>
        tpu.enqueue_indirect_dma source(%arg5 : memref<128xf32, #tpu.memory_space<vmem>>) target(%dma_start3A_30 : memref<10240xf32, #tpu.memory_space<vmem_shared>>) offsets(%dma_start3A_28 : memref<128xi32, #tpu.memory_space<vmem>>) semaphore(%run_scoped3A : memref<!tpu.dma_semaphore, #tpu.memory_space<semaphore_mem>>) {add = true}
        %dma_wait3A = arith.constant 0 : i32
        %dma_wait3A_31 = tpu.memref_slice %arg4[%add3A_26, %dma_wait3A] : memref<80x128xi32, #tpu.memory_space<vmem>> -> memref<1x128xi32, #tpu.memory_space<vmem>>
        %dma_wait3A_32 = tpu.memref_squeeze %dma_wait3A_31 : memref<1x128xi32, #tpu.memory_space<vmem>> -> memref<128xi32, #tpu.memory_space<vmem>>
        %dma_wait3A_33 = arith.constant 0 : i32
        %dma_wait3A_34 = tpu.memref_slice %arg7[%dma_wait3A_33] : memref<10240xf32, #tpu.memory_space<vmem_shared>> -> memref<10240xf32, #tpu.memory_space<vmem_shared>>
        tpu.wait_indirect_dma semaphore(%run_scoped3A : memref<!tpu.dma_semaphore, #tpu.memory_space<semaphore_mem>>) src(%arg5 : memref<128xf32, #tpu.memory_space<vmem>>) dst(%dma_wait3A_34 : memref<10240xf32, #tpu.memory_space<vmem_shared>>)
        tpu.yield
      }) : () -> ()
    }
    %scan3A_16 = arith.constant 80 : i32
    %barrier3A_17 = arith.constant 0 : index
    tpu.barrier barrier_id(%barrier3A_17)
    %mul3A_18 = arith.constant 640 : i32
    %mul3A_19 = arith.muli %arg1, %mul3A_18 : i32
    %mul3A_20 = arith.constant 640 : i32
    %mul3A_21 = arith.muli %arg1, %mul3A_20 : i32
    "tpu.region"() ({
      %run_scoped3A = tpu.sem_alloc : memref<!tpu.dma_semaphore, #tpu.memory_space<semaphore_mem>>
      %dma_start3A = tpu.memref_slice %arg3[%arg0, %mul3A_21] : memref<2x10240xf32, #tpu.memory_space<hbm>> -> memref<1x640xf32, #tpu.memory_space<hbm>>
      %dma_start3A_22 = tpu.memref_squeeze %dma_start3A : memref<1x640xf32, #tpu.memory_space<hbm>> -> memref<640xf32, #tpu.memory_space<hbm>>
      %dma_start3A_23 = tpu.memref_slice %arg7[%mul3A_19] : memref<10240xf32, #tpu.memory_space<vmem_shared>> -> memref<640xf32, #tpu.memory_space<vmem_shared>>
      tpu.enqueue_dma source(%dma_start3A_23 : memref<640xf32, #tpu.memory_space<vmem_shared>>) target(%dma_start3A_22 : memref<640xf32, #tpu.memory_space<hbm>>) target_semaphore(%run_scoped3A : memref<!tpu.dma_semaphore, #tpu.memory_space<semaphore_mem>>)
      %dma_wait3A = tpu.memref_slice %arg3[%arg0, %mul3A_21] : memref<2x10240xf32, #tpu.memory_space<hbm>> -> memref<1x640xf32, #tpu.memory_space<hbm>>
      %dma_wait3A_24 = tpu.memref_squeeze %dma_wait3A : memref<1x640xf32, #tpu.memory_space<hbm>> -> memref<640xf32, #tpu.memory_space<hbm>>
      %dma_wait3A_25 = tpu.memref_slice %arg7[%mul3A_19] : memref<10240xf32, #tpu.memory_space<vmem_shared>> -> memref<640xf32, #tpu.memory_space<vmem_shared>>
      tpu.wait_dma2 semaphore(%run_scoped3A : memref<!tpu.dma_semaphore, #tpu.memory_space<semaphore_mem>>) src(%dma_wait3A_25 : memref<640xf32, #tpu.memory_space<vmem_shared>>) dst(%dma_wait3A_24 : memref<640xf32, #tpu.memory_space<hbm>>)
      tpu.yield
    }) : () -> ()
    return
  }
}

module attributes {stable_mosaic.version = 14 : i64} {
  func.func @body(%arg0: i32, %arg1: memref<2x512xf32, #tpu.memory_space<vmem>>, %arg2: memref<512x128xf32, #tpu.memory_space<vmem>>, %arg3: memref<128x128xf32, #tpu.memory_space<vmem>>, %arg4: memref<512x64xf32, #tpu.memory_space<vmem>>, %arg5: memref<512x64xf32, #tpu.memory_space<vmem>>) attributes {dimension_semantics = [#tpu.dimension_semantics<arbitrary>], iteration_bounds = array<i64: 20>, scalar_prefetch = 0 : i64, scratch_operands = 0 : i64, tpu.core_type = #tpu.core_type<tc>, window_params = [{transform_indices = @transform_0, window_bounds = array<i64: 2, 512>}, {transform_indices = @transform_1, window_bounds = array<i64: 512, 128>}, {pipeline_mode = #tpu.pipeline_mode<synchronous>, transform_indices = @transform_2, window_bounds = array<i64: 128, 128>}, {transform_indices = @transform_3, window_bounds = array<i64: 512, 64>}, {transform_indices = @transform_4, window_bounds = array<i64: 512, 64>}]} {
    %get3A = arith.constant 0 : index
    %get3A_0 = arith.constant 0 : index
    %get3A_1 = vector.load %arg1[%get3A, %get3A_0] : memref<2x512xf32, #tpu.memory_space<vmem>>, vector<1x512xf32>
    %get3A_2 = vector.shape_cast %get3A_1 : vector<1x512xf32> to vector<512xf32>
    %get3A_3 = arith.constant 1 : index
    %get3A_4 = arith.constant 0 : index
    %get3A_5 = vector.load %arg1[%get3A_3, %get3A_4] : memref<2x512xf32, #tpu.memory_space<vmem>>, vector<1x512xf32>
    %get3A_6 = vector.shape_cast %get3A_5 : vector<1x512xf32> to vector<512xf32>
    %add3A = arith.addf %get3A_2, %get3A_6 : vector<512xf32>
    %add3A_7 = arith.constant 1.000000e+00 : f32
    %add3A_8 = vector.broadcast %add3A_7 : f32 to vector<512xf32>
    %add3A_9 = arith.addf %add3A, %add3A_8 : vector<512xf32>
    %rsqrt3A = math.rsqrt %add3A_9 : vector<512xf32>
    %broadcast_in_dim3A = vector.shape_cast %rsqrt3A : vector<512xf32> to vector<512x1xf32>
    %get3A_10 = arith.constant 0 : index
    %get3A_11 = arith.constant 0 : index
    %get3A_12 = vector.load %arg2[%get3A_10, %get3A_11] : memref<512x128xf32, #tpu.memory_space<vmem>>, vector<512x128xf32>
    %get3A_13 = arith.constant 0 : index
    %get3A_14 = arith.constant 0 : index
    %get3A_15 = vector.load %arg3[%get3A_13, %get3A_14] : memref<128x128xf32, #tpu.memory_space<vmem>>, vector<128x128xf32>
    %dot_general3A = arith.constant dense<0.000000e+00> : vector<512x128xf32>
    %dot_general3A_16 = tpu.matmul %get3A_12, %get3A_15, %dot_general3A {dimension_numbers = #tpu.dot_dimension_numbers<[1], [0], [0], [1], [0, 0, 1, 1], [], []>, transpose_lhs_hint = false} : vector<512x128xf32>, vector<128x128xf32>, vector<512x128xf32> -> vector<512x128xf32>
    %mul3A = vector.broadcast %broadcast_in_dim3A : vector<512x1xf32> to vector<512x128xf32>
    %mul3A_17 = arith.mulf %mul3A, %dot_general3A_16 : vector<512x128xf32>
    %slice3A = vector.extract_strided_slice %mul3A_17 {offsets = [0, 0], sizes = [512, 64], strides = [1, 1]} : vector<512x128xf32> to vector<512x64xf32>
    %swap3A = arith.constant 0 : index
    %swap3A_18 = arith.constant 0 : index
    %swap3A_19 = vector.load %arg4[%swap3A, %swap3A_18] : memref<512x64xf32, #tpu.memory_space<vmem>>, vector<512x64xf32>
    tpu.vector_store %arg4[%swap3A, %swap3A_18], %slice3A {strides = array<i32>} : memref<512x64xf32, #tpu.memory_space<vmem>>, vector<512x64xf32>,
    %slice3A_20 = vector.extract_strided_slice %mul3A_17 {offsets = [0, 64], sizes = [512, 64], strides = [1, 1]} : vector<512x128xf32> to vector<512x64xf32>
    %swap3A_21 = arith.constant 0 : index
    %swap3A_22 = arith.constant 0 : index
    %swap3A_23 = vector.load %arg5[%swap3A_21, %swap3A_22] : memref<512x64xf32, #tpu.memory_space<vmem>>, vector<512x64xf32>
    tpu.vector_store %arg5[%swap3A_21, %swap3A_22], %slice3A_20 {strides = array<i32>} : memref<512x64xf32, #tpu.memory_space<vmem>>, vector<512x64xf32>,
    return
  }
  func.func @transform_0(%arg0: i32) -> (i32, i32) {
    %c0_i32 = arith.constant 0 : i32
    %c0_i32_0 = arith.constant 0 : i32
    return %c0_i32, %arg0 : i32, i32
  }
  func.func @transform_1(%arg0: i32) -> (i32, i32) {
    %c0_i32 = arith.constant 0 : i32
    %c0_i32_0 = arith.constant 0 : i32
    return %arg0, %c0_i32 : i32, i32
  }
  func.func @transform_2(%arg0: i32) -> (i32, i32) {
    %c0_i32 = arith.constant 0 : i32
    %c0_i32_0 = arith.constant 0 : i32
    %c0_i32_1 = arith.constant 0 : i32
    return %c0_i32, %c0_i32_0 : i32, i32
  }
  func.func @transform_3(%arg0: i32) -> (i32, i32) {
    %c0_i32 = arith.constant 0 : i32
    %c0_i32_0 = arith.constant 0 : i32
    return %arg0, %c0_i32 : i32, i32
  }
  func.func @transform_4(%arg0: i32) -> (i32, i32) {
    %c0_i32 = arith.constant 0 : i32
    %c0_i32_0 = arith.constant 0 : i32
    return %arg0, %c0_i32 : i32, i32
  }
}

module attributes {stable_mosaic.version = 14 : i64} {
  func.func @body(%arg0: i32, %arg1: memref<2x512xf32, #tpu.memory_space<vmem>>, %arg2: memref<2x512x64xf32, #tpu.memory_space<vmem>>, %arg3: memref<2x512x64xf32, #tpu.memory_space<vmem>>, %arg4: memref<512x64xf32, #tpu.memory_space<vmem>>, %arg5: memref<512x64xf32, #tpu.memory_space<vmem>>, %arg6: memref<128xf32, #tpu.memory_space<vmem>>, %arg7: memref<128x16xf32, #tpu.memory_space<vmem>>, %arg8: memref<512x16xf32, #tpu.memory_space<vmem>>) attributes {dimension_semantics = [#tpu.dimension_semantics<arbitrary>], iteration_bounds = array<i64: 20>, scalar_prefetch = 0 : i64, scratch_operands = 0 : i64, tpu.core_type = #tpu.core_type<tc>, window_params = [{transform_indices = @transform_0, window_bounds = array<i64: 2, 512>}, {transform_indices = @transform_1, window_bounds = array<i64: 2, 512, 64>}, {transform_indices = @transform_2, window_bounds = array<i64: 2, 512, 64>}, {transform_indices = @transform_3, window_bounds = array<i64: 512, 64>}, {transform_indices = @transform_4, window_bounds = array<i64: 512, 64>}, {pipeline_mode = #tpu.pipeline_mode<synchronous>, transform_indices = @transform_5, window_bounds = array<i64: 128>}, {pipeline_mode = #tpu.pipeline_mode<synchronous>, transform_indices = @transform_6, window_bounds = array<i64: 128, 16>}, {transform_indices = @transform_7, window_bounds = array<i64: 512, 16>}]} {
    %get3A = arith.constant 0 : index
    %get3A_0 = arith.constant 0 : index
    %get3A_1 = vector.load %arg1[%get3A, %get3A_0] : memref<2x512xf32, #tpu.memory_space<vmem>>, vector<1x512xf32>
    %get3A_2 = vector.shape_cast %get3A_1 : vector<1x512xf32> to vector<512xf32>
    %get3A_3 = arith.constant 1 : index
    %get3A_4 = arith.constant 0 : index
    %get3A_5 = vector.load %arg1[%get3A_3, %get3A_4] : memref<2x512xf32, #tpu.memory_space<vmem>>, vector<1x512xf32>
    %get3A_6 = vector.shape_cast %get3A_5 : vector<1x512xf32> to vector<512xf32>
    %add3A = arith.addf %get3A_2, %get3A_6 : vector<512xf32>
    %add3A_7 = arith.constant 1.000000e+00 : f32
    %add3A_8 = vector.broadcast %add3A_7 : f32 to vector<512xf32>
    %add3A_9 = arith.addf %add3A, %add3A_8 : vector<512xf32>
    %rsqrt3A = math.rsqrt %add3A_9 : vector<512xf32>
    %get3A_10 = arith.constant 0 : index
    %get3A_11 = arith.constant 0 : index
    %get3A_12 = arith.constant 0 : index
    %get3A_13 = vector.load %arg2[%get3A_10, %get3A_11, %get3A_12] : memref<2x512x64xf32, #tpu.memory_space<vmem>>, vector<1x512x64xf32>
    %get3A_14 = vector.shape_cast %get3A_13 : vector<1x512x64xf32> to vector<512x64xf32>
    %get3A_15 = arith.constant 1 : index
    %get3A_16 = arith.constant 0 : index
    %get3A_17 = arith.constant 0 : index
    %get3A_18 = vector.load %arg2[%get3A_15, %get3A_16, %get3A_17] : memref<2x512x64xf32, #tpu.memory_space<vmem>>, vector<1x512x64xf32>
    %get3A_19 = vector.shape_cast %get3A_18 : vector<1x512x64xf32> to vector<512x64xf32>
    %add3A_20 = arith.addf %get3A_14, %get3A_19 : vector<512x64xf32>
    %get3A_21 = arith.constant 0 : index
    %get3A_22 = arith.constant 0 : index
    %get3A_23 = vector.load %arg4[%get3A_21, %get3A_22] : memref<512x64xf32, #tpu.memory_space<vmem>>, vector<512x64xf32>
    %add3A_24 = arith.addf %add3A_20, %get3A_23 : vector<512x64xf32>
    %get3A_25 = arith.constant 0 : index
    %get3A_26 = arith.constant 0 : index
    %get3A_27 = arith.constant 0 : index
    %get3A_28 = vector.load %arg3[%get3A_25, %get3A_26, %get3A_27] : memref<2x512x64xf32, #tpu.memory_space<vmem>>, vector<1x512x64xf32>
    %get3A_29 = vector.shape_cast %get3A_28 : vector<1x512x64xf32> to vector<512x64xf32>
    %get3A_30 = arith.constant 1 : index
    %get3A_31 = arith.constant 0 : index
    %get3A_32 = arith.constant 0 : index
    %get3A_33 = vector.load %arg3[%get3A_30, %get3A_31, %get3A_32] : memref<2x512x64xf32, #tpu.memory_space<vmem>>, vector<1x512x64xf32>
    %get3A_34 = vector.shape_cast %get3A_33 : vector<1x512x64xf32> to vector<512x64xf32>
    %add3A_35 = arith.addf %get3A_29, %get3A_34 : vector<512x64xf32>
    %get3A_36 = arith.constant 0 : index
    %get3A_37 = arith.constant 0 : index
    %get3A_38 = vector.load %arg5[%get3A_36, %get3A_37] : memref<512x64xf32, #tpu.memory_space<vmem>>, vector<512x64xf32>
    %add3A_39 = arith.addf %add3A_35, %get3A_38 : vector<512x64xf32>
    %concatenate3A = tpu.concatenate %add3A_24, %add3A_39 in 1 : vector<512x64xf32>, vector<512x64xf32> -> vector<512x128xf32>
    %broadcast_in_dim3A = vector.shape_cast %rsqrt3A : vector<512xf32> to vector<512x1xf32>
    %mul3A = vector.broadcast %broadcast_in_dim3A : vector<512x1xf32> to vector<512x128xf32>
    %mul3A_40 = arith.mulf %mul3A, %concatenate3A : vector<512x128xf32>
    %get3A_41 = arith.constant 0 : index
    %get3A_42 = vector.load %arg6[%get3A_41] : memref<128xf32, #tpu.memory_space<vmem>>, vector<128xf32>
    %broadcast_in_dim3A_43 = vector.shape_cast %get3A_42 : vector<128xf32> to vector<1x128xf32>
    %add3A_44 = vector.broadcast %broadcast_in_dim3A_43 : vector<1x128xf32> to vector<512x128xf32>
    %add3A_45 = arith.addf %mul3A_40, %add3A_44 : vector<512x128xf32>
    %max3A = arith.constant 0.000000e+00 : f32
    %max3A_46 = vector.broadcast %max3A : f32 to vector<512x128xf32>
    %max3A_47 = arith.maximumf %add3A_45, %max3A_46 : vector<512x128xf32>
    %broadcast_in_dim3A_48 = vector.shape_cast %rsqrt3A : vector<512xf32> to vector<512x1xf32>
    %get3A_49 = arith.constant 0 : index
    %get3A_50 = arith.constant 0 : index
    %get3A_51 = vector.load %arg7[%get3A_49, %get3A_50] : memref<128x16xf32, #tpu.memory_space<vmem>>, vector<128x16xf32>
    %dot_general3A = arith.constant dense<0.000000e+00> : vector<512x16xf32>
    %dot_general3A_52 = tpu.matmul %max3A_47, %get3A_51, %dot_general3A {dimension_numbers = #tpu.dot_dimension_numbers<[1], [0], [0], [1], [0, 0, 1, 1], [], []>, transpose_lhs_hint = false} : vector<512x128xf32>, vector<128x16xf32>, vector<512x16xf32> -> vector<512x16xf32>
    %mul3A_53 = vector.broadcast %broadcast_in_dim3A_48 : vector<512x1xf32> to vector<512x16xf32>
    %mul3A_54 = arith.mulf %mul3A_53, %dot_general3A_52 : vector<512x16xf32>
    %swap3A = arith.constant 0 : index
    %swap3A_55 = arith.constant 0 : index
    %swap3A_56 = vector.load %arg8[%swap3A, %swap3A_55] : memref<512x16xf32, #tpu.memory_space<vmem>>, vector<512x16xf32>
    tpu.vector_store %arg8[%swap3A, %swap3A_55], %mul3A_54 {strides = array<i32>} : memref<512x16xf32, #tpu.memory_space<vmem>>, vector<512x16xf32>,
    return
  }
  func.func @transform_0(%arg0: i32) -> (i32, i32) {
    %c0_i32 = arith.constant 0 : i32
    %c0_i32_0 = arith.constant 0 : i32
    return %c0_i32, %arg0 : i32, i32
  }
  func.func @transform_1(%arg0: i32) -> (i32, i32, i32) {
    %c0_i32 = arith.constant 0 : i32
    %c0_i32_0 = arith.constant 0 : i32
    %c0_i32_1 = arith.constant 0 : i32
    return %c0_i32, %arg0, %c0_i32_0 : i32, i32, i32
  }
  func.func @transform_2(%arg0: i32) -> (i32, i32, i32) {
    %c0_i32 = arith.constant 0 : i32
    %c0_i32_0 = arith.constant 0 : i32
    %c0_i32_1 = arith.constant 0 : i32
    return %c0_i32, %arg0, %c0_i32_0 : i32, i32, i32
  }
  func.func @transform_3(%arg0: i32) -> (i32, i32) {
    %c0_i32 = arith.constant 0 : i32
    %c0_i32_0 = arith.constant 0 : i32
    return %arg0, %c0_i32 : i32, i32
  }
  func.func @transform_4(%arg0: i32) -> (i32, i32) {
    %c0_i32 = arith.constant 0 : i32
    %c0_i32_0 = arith.constant 0 : i32
    return %arg0, %c0_i32 : i32, i32
  }
  func.func @transform_5(%arg0: i32) -> i32 {
    %c0_i32 = arith.constant 0 : i32
    %c0_i32_0 = arith.constant 0 : i32
    return %c0_i32 : i32
  }
  func.func @transform_6(%arg0: i32) -> (i32, i32) {
    %c0_i32 = arith.constant 0 : i32
    %c0_i32_0 = arith.constant 0 : i32
    %c0_i32_1 = arith.constant 0 : i32
    return %c0_i32, %c0_i32_0 : i32, i32
  }
  func.func @transform_7(%arg0: i32) -> (i32, i32) {
    %c0_i32 = arith.constant 0 : i32
    %c0_i32_0 = arith.constant 0 : i32
    return %arg0, %c0_i32 : i32, i32
  }
}

module attributes {stable_mosaic.version = 14 : i64} {
  func.func @body(%arg0: i32, %arg1: memref<2x512xf32, #tpu.memory_space<vmem>>, %arg2: memref<2x512x16xf32, #tpu.memory_space<vmem>>, %arg3: memref<512x16xf32, #tpu.memory_space<vmem>>, %arg4: memref<16xf32, #tpu.memory_space<vmem>>, %arg5: memref<512x16xf32, #tpu.memory_space<vmem>>) attributes {dimension_semantics = [#tpu.dimension_semantics<arbitrary>], iteration_bounds = array<i64: 20>, scalar_prefetch = 0 : i64, scratch_operands = 0 : i64, tpu.core_type = #tpu.core_type<tc>, window_params = [{transform_indices = @transform_0, window_bounds = array<i64: 2, 512>}, {transform_indices = @transform_1, window_bounds = array<i64: 2, 512, 16>}, {transform_indices = @transform_2, window_bounds = array<i64: 512, 16>}, {pipeline_mode = #tpu.pipeline_mode<synchronous>, transform_indices = @transform_3, window_bounds = array<i64: 16>}, {transform_indices = @transform_4, window_bounds = array<i64: 512, 16>}]} {
    %get3A = arith.constant 0 : index
    %get3A_0 = arith.constant 0 : index
    %get3A_1 = vector.load %arg1[%get3A, %get3A_0] : memref<2x512xf32, #tpu.memory_space<vmem>>, vector<1x512xf32>
    %get3A_2 = vector.shape_cast %get3A_1 : vector<1x512xf32> to vector<512xf32>
    %get3A_3 = arith.constant 1 : index
    %get3A_4 = arith.constant 0 : index
    %get3A_5 = vector.load %arg1[%get3A_3, %get3A_4] : memref<2x512xf32, #tpu.memory_space<vmem>>, vector<1x512xf32>
    %get3A_6 = vector.shape_cast %get3A_5 : vector<1x512xf32> to vector<512xf32>
    %add3A = arith.addf %get3A_2, %get3A_6 : vector<512xf32>
    %add3A_7 = arith.constant 1.000000e+00 : f32
    %add3A_8 = vector.broadcast %add3A_7 : f32 to vector<512xf32>
    %add3A_9 = arith.addf %add3A, %add3A_8 : vector<512xf32>
    %rsqrt3A = math.rsqrt %add3A_9 : vector<512xf32>
    %broadcast_in_dim3A = vector.shape_cast %rsqrt3A : vector<512xf32> to vector<512x1xf32>
    %get3A_10 = arith.constant 0 : index
    %get3A_11 = arith.constant 0 : index
    %get3A_12 = arith.constant 0 : index
    %get3A_13 = vector.load %arg2[%get3A_10, %get3A_11, %get3A_12] : memref<2x512x16xf32, #tpu.memory_space<vmem>>, vector<1x512x16xf32>
    %get3A_14 = vector.shape_cast %get3A_13 : vector<1x512x16xf32> to vector<512x16xf32>
    %get3A_15 = arith.constant 1 : index
    %get3A_16 = arith.constant 0 : index
    %get3A_17 = arith.constant 0 : index
    %get3A_18 = vector.load %arg2[%get3A_15, %get3A_16, %get3A_17] : memref<2x512x16xf32, #tpu.memory_space<vmem>>, vector<1x512x16xf32>
    %get3A_19 = vector.shape_cast %get3A_18 : vector<1x512x16xf32> to vector<512x16xf32>
    %add3A_20 = arith.addf %get3A_14, %get3A_19 : vector<512x16xf32>
    %get3A_21 = arith.constant 0 : index
    %get3A_22 = arith.constant 0 : index
    %get3A_23 = vector.load %arg3[%get3A_21, %get3A_22] : memref<512x16xf32, #tpu.memory_space<vmem>>, vector<512x16xf32>
    %add3A_24 = arith.addf %add3A_20, %get3A_23 : vector<512x16xf32>
    %mul3A = vector.broadcast %broadcast_in_dim3A : vector<512x1xf32> to vector<512x16xf32>
    %mul3A_25 = arith.mulf %mul3A, %add3A_24 : vector<512x16xf32>
    %get3A_26 = arith.constant 0 : index
    %get3A_27 = vector.load %arg4[%get3A_26] : memref<16xf32, #tpu.memory_space<vmem>>, vector<16xf32>
    %broadcast_in_dim3A_28 = vector.shape_cast %get3A_27 : vector<16xf32> to vector<1x16xf32>
    %add3A_29 = vector.broadcast %broadcast_in_dim3A_28 : vector<1x16xf32> to vector<512x16xf32>
    %add3A_30 = arith.addf %mul3A_25, %add3A_29 : vector<512x16xf32>
    %reduce_max3A = arith.constant dense<0xFF800000> : vector<512xf32>
    %reduce_max3A_31 = vector.multi_reduction <maximumf>, %add3A_30, %reduce_max3A [1] : vector<512x16xf32> to vector<512xf32>
    %broadcast_in_dim3A_32 = vector.shape_cast %reduce_max3A_31 : vector<512xf32> to vector<512x1xf32>
    %sub3A = vector.broadcast %broadcast_in_dim3A_32 : vector<512x1xf32> to vector<512x16xf32>
    %sub3A_33 = arith.subf %add3A_30, %sub3A : vector<512x16xf32>
    %exp3A = math.exp %sub3A_33 : vector<512x16xf32>
    %reduce_sum3A = arith.constant dense<0.000000e+00> : vector<512xf32>
    %reduce_sum3A_34 = vector.multi_reduction <add>, %exp3A, %reduce_sum3A [1] : vector<512x16xf32> to vector<512xf32>
    %broadcast_in_dim3A_35 = vector.shape_cast %reduce_sum3A_34 : vector<512xf32> to vector<512x1xf32>
    %log3A = math.log %broadcast_in_dim3A_35 : vector<512x1xf32>
    %add3A_36 = arith.addf %log3A, %broadcast_in_dim3A_32 : vector<512x1xf32>
    %sub3A_37 = vector.broadcast %add3A_36 : vector<512x1xf32> to vector<512x16xf32>
    %sub3A_38 = arith.subf %add3A_30, %sub3A_37 : vector<512x16xf32>
    %swap3A = arith.constant 0 : index
    %swap3A_39 = arith.constant 0 : index
    %swap3A_40 = vector.load %arg5[%swap3A, %swap3A_39] : memref<512x16xf32, #tpu.memory_space<vmem>>, vector<512x16xf32>
    tpu.vector_store %arg5[%swap3A, %swap3A_39], %sub3A_38 {strides = array<i32>} : memref<512x16xf32, #tpu.memory_space<vmem>>, vector<512x16xf32>,
    return
  }
  func.func @transform_0(%arg0: i32) -> (i32, i32) {
    %c0_i32 = arith.constant 0 : i32
    %c0_i32_0 = arith.constant 0 : i32
    return %c0_i32, %arg0 : i32, i32
  }
  func.func @transform_1(%arg0: i32) -> (i32, i32, i32) {
    %c0_i32 = arith.constant 0 : i32
    %c0_i32_0 = arith.constant 0 : i32
    %c0_i32_1 = arith.constant 0 : i32
    return %c0_i32, %arg0, %c0_i32_0 : i32, i32, i32
  }
  func.func @transform_2(%arg0: i32) -> (i32, i32) {
    %c0_i32 = arith.constant 0 : i32
    %c0_i32_0 = arith.constant 0 : i32
    return %arg0, %c0_i32 : i32, i32
  }
  func.func @transform_3(%arg0: i32) -> i32 {
    %c0_i32 = arith.constant 0 : i32
    %c0_i32_0 = arith.constant 0 : i32
    return %c0_i32 : i32
  }
  func.func @transform_4(%arg0: i32) -> (i32, i32) {
    %c0_i32 = arith.constant 0 : i32
    %c0_i32_0 = arith.constant 0 : i32
    return %arg0, %c0_i32 : i32, i32
  }
}

</mosaic_0001>

<sc_bundles>
// kernel: kernel.11.cloned.1.call-start
scs
__scs_entry_jumppad:
0x0: {  	(pc) =	sbr.rel $0x88, $3  }
0x1: {  	(tag) =	ssettag $0x0;
	lr =	simm.s32 $0x1  }
0x2: {  	[smem:$0x3F9B] =	sst lr;
	_ =	strace $0xD0000000  }
0x3: {  	_ = 	snop  }
0x4: {  	_ = 	snop  }
0x5: {  	_ = 	snop  }
0x6: {  	_ = 	snop  }
0x7: {  	_ = 	snop  }
__scs_overlays_trampoline_lowered:
0x8: {  	[smem:$0x3FAA] =	sst s0  }
0x9: {  	[smem:$0x3FAB] =	sst s1  }
0xa: {  	[smem:$0x3FAC] =	sst s2  }
0xb: {  	[smem:$0x3FAD] =	sst s3  }
0xc: {  	[smem:$0x3FAE] =	sst s4  }
0xd: {  	[smem:$0x3FAF] =	sst s5  }
0xe: {  	[smem:$0x3FB0] =	sst s6  }
0xf: {  	[smem:$0x3FB1] =	sst s7  }
0x10: {  	[smem:$0x3FB2] =	sst s8  }
0x11: {  	[smem:$0x3FB3] =	sst s9;
	s0 =	simm.s32 @!p0 $0x0  }
0x12: {  	s1 =	sld [smem:$0x3F99];
	s0 =	simm.s32 @p0 $0x1  }
0x13: {  	[smem:$0x3FB4] =	sst s0;
	s0 =	simm.s32 @!p1 $0x0  }
0x14: {  	s2 =	sld [smem:$0x3F98];
	s0 =	simm.s32 @p1 $0x1  }
0x15: {  	[smem:$0x3FB5] =	sst s0;
	s0 =	simm.s32 @!p2 $0x0  }
0x16: {  	s3 =	sld [smem:$0x3FDB];
	s0 =	simm.s32 @p2 $0x1  }
0x17: {  	s4 =	simm.s32 $0x1BF5;
	[smem:$0x3FB7] =	sst s0  }
0x18: {  	s0 =	sld [smem:$0x3F9A];
	_ =	swait.ge [sflag:s4], $0x0  }
0x19: {  	s7 =	sld [smem:$0x3F9B]  }
0x1a: {  	s8 =	sadd.s32 $0xFFFFE003, lr  }
0x1b: {  	s9 =	sadd.s32 $0xFFFFFEF7, lr;
	s5 =	simm.s32 $0xFFFFFFFF;
	p2 =	slt.u32 s8, $0xFFFFF086  }
0x1c: {  	p1 =	slt.u32 s9, $0xF7A;
	s5 =	simm.s32 @!p2 $0x0  }
0x1d: {  	s5 =	simm.s32 @p1 $0x1;
	p0 =	seq.s32 s7, s2  }
0x1e: {  	s7 =	smul.u32 @!p0 $0xF7A, s2;
	p2 =	seq.s32 @!p0 s5, $0x0  }
0x1f: {  	s9 =	smul.u32 $0xF7A, s1;
	s8 =	simm.s32 @!p0 $0x1BF5;
	p2 =	por !p2, p0  }
0x20: {  	[sflag:s8] =	ssyncset.s32 @!p0 $0xFFFFF086;
	s6 =	sadd.s32 @!p0 s3, s7;
	s7 =	simm.s32 @!p0 $0x108  }
0x21: {  	s3 =	sadd.s32 s3, s9;
	s6 =	sadd.s32 @!p0 $0x88, s6;
	s7 =	simm.s32 @p2 $0x1082  }
0x22: {  	[simem:s7], [sflag:s8] =	dma.local @!p0 [hbm:s6], $0xF7A  }
0x23: {  	s9 =	sor.u32 $0xD0000000, s2;
	s6 =	simm.s32 $0x108;
	_ =	swait.ge @!p0 [sflag:s8], $0x0  }
0x24: {  	s3 =	sadd.s32 $0x88, s3;
	s6 =	simm.s32 @!p1 $0x1082;
	[sflag:s4] =	ssyncset.s32 $0xFFFFF086  }
0x25: {  	[simem:s6], [sflag:s4] =	dma.local [hbm:s3], $0xF7A  }
0x26: {  	[smem:$0x3F9B] =	sst s1;
	(tag) =	ssettag s2;
	_ =	strace s9  }
0x27: {  	s1 =	sld [smem:$0x3FAB]  }
0x28: {  	s2 =	sld [smem:$0x3FAC]  }
0x29: {  	s4 =	sld [smem:$0x3FAE]  }
0x2a: {  	p0 =	seq.s32 s5, $0x0;
	s5 =	sld [smem:$0x3FAF]  }
0x2b: {  	s6 =	sld [smem:$0x3FB0]  }
0x2c: {  	s7 =	sld [smem:$0x3FB1]  }
0x2d: {  	s3 =	simm.s32 $0x108;
	s8 =	sld [smem:$0x3FB2]  }
0x2e: {  	s3 =	simm.s32 @!p0 $0x1082;
	s9 =	sld [smem:$0x3FB3]  }
0x2f: {  	lr =	sadd.s32 s0, s3;
	s0 =	sld [smem:$0x3FAA]  }
0x30: {  	s3 =	sld [smem:$0x3FAD]  }
0x31: {  	[smem:$0x3FB6] =	sst s10  }
0x32: {  	s10 =	sld [smem:$0x3FB4];
	_ =	sdelay $0x3  }
0x33: {  	p0 =	seq.s32 s10, $0x1;
	s10 =	sld [smem:$0x3FB6];
	_ =	sdelay $0x3  }
0x34: {  	[smem:$0x3FB6] =	sst s10  }
0x35: {  	s10 =	sld [smem:$0x3FB5];
	_ =	sdelay $0x3  }
0x36: {  	p1 =	seq.s32 s10, $0x1;
	s10 =	sld [smem:$0x3FB6];
	_ =	sdelay $0x3  }
0x37: {  	[smem:$0x3FB6] =	sst s10  }
0x38: {  	s10 =	sld [smem:$0x3FB7]  }
0x39: {  	_ = 	snop;
	(pc) =	sbr.ind lr, $3  }
0x3a: {  	_ = 	snop  }
0x3b: {  	_ = 	snop  }
0x3c: {  	p2 =	seq.s32 s10, $0x1;
	s10 =	sld [smem:$0x3FB6]  }
0x3d: {  	_ =	shalt  }
0x3e: {  	_ =	shalt  }
0x3f: {  	_ =	shalt  }
0x40: {  	_ =	shalt  }
0x41: {  	_ =	shalt  }
0x42: {  	_ =	shalt  }
0x43: {  	_ =	shalt  }
0x44: {  	_ =	shalt  }
0x45: {  	_ =	shalt  }
0x46: {  	_ =	shalt  }
0x47: {  	_ =	shalt  }
0x48: {  	_ =	shalt  }
0x49: {  	_ =	shalt  }
0x4a: {  	_ =	shalt  }
0x4b: {  	_ =	shalt  }
0x4c: {  	_ =	shalt  }
0x4d: {  	_ =	shalt  }
0x4e: {  	_ =	shalt  }
0x4f: {  	_ =	shalt  }
0x50: {  	_ =	shalt  }
0x51: {  	_ =	shalt  }
0x52: {  	_ =	shalt  }
0x53: {  	_ =	shalt  }
0x54: {  	_ =	shalt  }
0x55: {  	_ =	shalt  }
0x56: {  	_ =	shalt  }
0x57: {  	_ =	shalt  }
0x58: {  	_ =	shalt  }
0x59: {  	_ =	shalt  }
0x5a: {  	_ =	shalt  }
0x5b: {  	_ =	shalt  }
0x5c: {  	_ =	shalt  }
0x5d: {  	_ =	shalt  }
0x5e: {  	_ =	shalt  }
0x5f: {  	_ =	shalt  }
0x60: {  	_ =	shalt  }
0x61: {  	_ =	shalt  }
0x62: {  	_ =	shalt  }
0x63: {  	_ =	shalt  }
0x64: {  	_ =	shalt  }
0x65: {  	_ =	shalt  }
0x66: {  	_ =	shalt  }
0x67: {  	_ =	shalt  }
0x68: {  	_ =	shalt  }
0x69: {  	_ =	shalt  }
0x6a: {  	_ =	shalt  }
0x6b: {  	_ =	shalt  }
0x6c: {  	_ =	shalt  }
0x6d: {  	_ =	shalt  }
0x6e: {  	_ =	shalt  }
0x6f: {  	_ =	shalt  }
0x70: {  	_ =	shalt  }
0x71: {  	_ =	shalt  }
0x72: {  	_ =	shalt  }
0x73: {  	_ =	shalt  }
0x74: {  	_ =	shalt  }
0x75: {  	_ =	shalt  }
0x76: {  	_ =	shalt  }
0x77: {  	_ =	shalt  }
0x78: {  	_ =	shalt  }
0x79: {  	_ =	shalt  }
0x7a: {  	_ =	shalt  }
0x7b: {  	_ =	shalt  }
0x7c: {  	_ =	shalt  }
0x7d: {  	_ =	shalt  }
0x7e: {  	_ =	shalt  }
0x7f: {  	_ =	shalt  }
0x80: {  	_ =	shalt  }
0x81: {  	_ =	shalt  }
0x82: {  	_ =	shalt  }
0x83: {  	_ =	shalt  }
0x84: {  	_ =	shalt  }
0x85: {  	_ =	shalt  }
0x86: {  	_ =	shalt  }
0x87: {  	_ =	shalt  }
.Lfunc_end0:
.L_simem_size_0:
called_computation.1_lowered:
.L_overlay_start_0:
0x88: {  	s2 =	sld [smem:$0x3FD9]  }
0x89: {  	s3 =	sld [smem:$0x3FFE];
	_ =	sdelay $0x1  }
0x8a: {  	s1 =	srdreg.scid  }
0x8b: {  	s0 =	sand.u32 $0x1, s1  }
0x8c: {  	s16 =	sshll.u32 s0, $0xA;
	s2 =	sadd.s32 s3, s2  }
0x8d: {  	s2 =	sadd.s32 s2, s16  }
0x8e: {  	[smem:$0x3FC2] =	sst s2  }
0x8f: {  	_ = 	snop  }
0x90: {  	(tm) =	ssettm $0x1  }
0x91: {  	s17 =	sld [smem:$0x3FFB];
	_ =	sdelay $0x3  }
0x92: {  	_ =	strace s17  }
0x93: {  	s2 =	sld [smem:$0x3FFC];
	_ =	sdelay $0x3  }
0x94: {  	_ =	strace s2  }
0x95: {  	s2 =	sld [smem:$0x3FFD];
	_ =	sdelay $0x3  }
0x96: {  	_ =	strace s2  }
0x97: {  	_ =	strace $0x8FFFFFFF  }
0x98: {  	s18 =	sld [smem:$0x3FDB];
	_ =	sdelay $0x1  }
0x99: {  	s19 =	simm.s32 $_scs_section_size  }
0x9a: {  	s4 =	simm.s32 $_size__tile_overlayer_lowered;
	s5 =	simm.s32 $_tile_overlayer_lowered  }
0x9b: {  	s22 =	simm.s32 $0x1BFF;
	s21 =	sshll.u32 s5, $0x1;
	s2 =	sadd.s32 s19, s18  }
0x9c: {  	s6 =	simm.s32 $0x0;
	s20 =	sshll.u32 s4, $0x1;
	s4 =	sadd.s32 s21, s2  }
0x9d: {  	[timem:s6], [sflag:s22] =	dma.local [hbm:s4], s20  }
0x9e: {  	_ =	swait.ge [sflag:s22], s20  }
0x9f: {  	s3 =	ssub.s32 $0x0, s20;
	[sflag:s22] =	ssyncset.done $0x0  }
0xa0: {  	[sflag:s22] =	ssyncadd.s32 s3;
	_ =	sdelay $0x1  }
0xa1: {  	s23 =	simm.s32 $0x1B8B  }
0xa2: {  	_ =	swait.ge [sflag:s23], $0x1  }
0xa3: {  	[sflag:s23] =	ssyncset.done $0x0  }
0xa4: {  	s25 =	simm.s32 $0x1B8E;
	s24 =	sld [smem:$0x3FFE];
	[sflag:s23] =	ssyncadd.s32 $0xFFFFFFFF  }
0xa5: {  	s26 =	simm.s32 $execute0_lowered;
	[smem:$0x3FD2] =	sst s25  }
0xa6: {  	s4 =	sshll.u32 s26, $0x1;
	_ =	strace $0x80000049;
	[dreg:$0x1] =	wrdreg $0xFFFFFFFF  }
0xa7: {  	s28 =	simm.s32 $_size_execute0_lowered;
	s2 =	sadd.s32 s2, s4;
	[dreg:$0x0] =	wrdreg $0x0  }
0xa8: {  	s4 =	sshll.u32 s28, $0x1;
	[dreg:$0x2] =	wrdreg s2  }
0xa9: {  	[dreg:$0x3] =	wrdreg s4  }
0xaa: {  	[dreg:$0x4] =	wrdreg $0xC0  }
0xab: {  	_ =	task [dreg:s6], $0x5FFFF  }
0xac: {  	[dreg:$0x1] =	wrdreg $0xFFFFFFFF  }
0xad: {  	[dreg:$0x0] =	wrdreg $0x60  }
0xae: {  	[dreg:$0x2] =	wrdreg s24  }
0xaf: {  	[dreg:$0x3] =	wrdreg $0x60000  }
0xb0: {  	[dreg:$0x4] =	wrdreg $0x100000  }
0xb1: {  	[dreg:$0x5] =	wrdreg $0x9  }
0xb2: {  	_ =	task.clear_ibuf [dreg:s6], $0x6FFFF;
	_ =	strace $0x90000049  }
0xb3: {  	s29 =	simm.s32 $0x9;
	_ =	strace $0x8000004B  }
0xb4: {  	_ =	swait.ge [sflag:s29], $0x1  }
0xb5: {  	[sflag:s29] =	ssyncadd.s32 $0xFFFFFFFF  }
0xb6: {  	_ =	strace $0x9000004B  }
0xb7: {  	_ =	sfence  }
0xb8: {  	s30 =	sld [smem:$0x0];
	_ =	sdelay $0x2  }
0xb9: {  	s31 =	sshll.u32 s1, $0xD;
	s1 =	sshrl.u32 s1, $0x2  }
0xba: {  	s3 =	sand.u32 $0x4000, s31;
	s1 =	sadd.s32 s1, s30  }
0xbb: {  	s0 =	sor.u32 s3, s0;
	s1 =	sshll.u32 s1, $0x11  }
0xbc: {  	s0 =	sor.u32 s1, s0  }
0xbd: {  	s0 =	sadd.s32 $0x8F2B, s0  }
0xbe: {  	[sflag:s0] =	ssyncadd.remote.s32 $0x1  }
0xbf: {  	_ =	sfence.sel $0xFFFF  }
0xc0: {  	[dreg:$0x0] =	wrdreg $0xFFFFFFFF;
	(pc) =	sbr.abs _section_cstart, $3  }
0xc1: {  	[dreg:$0x1] =	wrdreg $0xFFFFFFFF  }
0xc2: {  	_ =	task.clear_ibuf [dreg:s6], $0x2FFFF;
	_ =	strace $0x9FFFFFFF  }
0xc3: {  	(tm) =	ssettm $0x7FFFFFFF  }
tec
execute0_lowered:
.L_overlay_start_1:
0x0: {  	(tag) =	ssettag $0x1  }
0x1: {  	s0 =	rddreg [dreg:$0x0]  }
0x2: {  	s2 =	rddreg [dreg:$0x1]  }
0x3: {  	s3 =	rddreg [dreg:$0x2]  }
0x4: {  	s13 =	stileid.u32;
	s4 =	simm.s32 $0x0;
	s5 =	srdreg.scid  }
0x5: {  	s1 =	smul.u32 $0xA000, s13;
	[smem:$0x7FF] =	sst s4  }
0x6: {  	s7 =	sand.u32 $0x1, s5;
	s5 =	sadd.s32 $0xBC00, s0;
	s11 =	smul.u32 $0x28000, s13  }
0x7: {  	s6 =	sadd.s32 $0x1C00, s0;
	_ =	strace $0x8000004A;
	s8 =	smul.u32 $0xA0000, s7  }
0x8: {  	s10 =	sshll.u32 s7, $0x4;
	s12 =	ssub.s32 $0x2, s7;
	s21 =	sshrl.u32 s1, $0x3  }
0x9: {  	s22 =	sor.u32 s13, s10;
	s23 =	sshrl.u32 s12, $0x1;
	s11 =	sshrl.u32 s11, $0x2  }
0xa: {  	s24 =	sadd.s32 s1, s3;
	s9 =	sadd.s32 s21, s0;
	s8 =	sadd.s32 s1, s8  }
0xb: {  	s7 =	smul.u32 $0x2800, s22;
	s10 =	ssub.s32 s12, s23;
	[dreg:$0x4] =	wrdreg s24  }
0xc: {  	s1 =	sadd.s32 s1, s2;
	s22 =	simm.s32 $0x2000;
	s23 =	simm.s32 $0x2  }
0xd: {  	s8 =	sshrl.u32 s8, $0x3;
	s25 =	sadd.s32 $0x15C00, s9;
	[dreg:$0x8] =	wrdreg s1  }
0xe: {  	s30 =	sadd.s32 $0x29C00, s9;
	s31 =	smax.u32 s10, $0x1;
	[dreg:$0x5] =	wrdreg s25  }
0xf: {  	s0 =	sadd.s32 s8, s0;
	s8 =	sadd.s32 s11, s2;
	[dreg:$0x9] =	wrdreg s30  }
0x10: {  	s26 =	sshrl.u32 s7, $0x3;
	[dreg:$0xb] =	wrdreg s31;
	s25 =	simm.s32 $0x80  }
0x11: {  	s28 =	sadd.s32 s5, s26;
	s12 =	sadd.s32 s6, s26;
	s29 =	sadd.s32 $0x65C00, s0  }
0x12: {  	s0 =	sadd.s32 $0x3DC00, s0;
	s18 =	sadd.s32 $0x2000, s8;
	[dreg:$0x6] =	wrdreg s28  }
0x13: {  	s19 =	sadd.s32 $0x4000, s8;
	s20 =	sadd.s32 $0x6000, s8;
	[dreg:$0x7] =	wrdreg s29  }
0x14: {  	v0 =	vimm.f32 $0.0e+00;
	s21 =	sadd.s32 $0x8000, s8;
	s26 =	simm.s32 $0x1;
	[dreg:$0xa] =	wrdreg s0  }
.LBB2_1:
0x15: {  	s1 =	simm.s32 $0x100;
	s0 =	simm.s32 $0x0  }
.LBB2_2:
0x16: {  	p0 =	sne.s32 s1, $0x7F00;
	[tilespmem:s0+$0x2030] =	vst v0;
	s9 =	smov.u32 s1;
	s1 =	sadd.s32 $0x100, s1  }
.Ltmp0:
0x17: {  	[tilespmem:s0+$0x2020] =	vst v0;
	(pc) =	sbr.rel @p0 .LBB2_2-.Ltmp0, $3  }
0x18: {  	[tilespmem:s0+$0x2000] =	vst v0  }
0x19: {  	[tilespmem:s0+$0x2010] =	vst v0;
	_ =	sdelay $0x1  }
0x1a: {  	s0 =	sshra.s32 s9, $0x2  }
0x1b: {  	[tilespmem:s0+$0x2030] =	vst v0  }
0x1c: {  	[tilespmem:s0+$0x2020] =	vst v0  }
0x1d: {  	[tilespmem:s0+$0x2000] =	vst v0  }
0x1e: {  	[tilespmem:s0+$0x2010] =	vst v0  }
0x1f: {  	[spmem:s8] =	stream.linear.scatter [tilespmem:s22], [sflag:$0x2], $0x2000, $0x38;
	[tilespmem:$0x1A000] =	vst v63  }
0x20: {  	_ =	swait.ge [sflag:s23], $0x2000  }
0x21: {  	[sflag:s23] =	ssyncset.done $0x0  }
0x22: {  	[sflag:s23] =	ssyncadd.s32 $0xFFFFE000  }
0x23: {  	[spmem:s18] =	stream.linear.scatter [tilespmem:s22], [sflag:$0x2], $0x2000, $0x38;
	[tilespmem:$0x1A000] =	vst v63  }
0x24: {  	_ =	swait.ge [sflag:s23], $0x2000  }
0x25: {  	[sflag:s23] =	ssyncset.done $0x0  }
0x26: {  	[sflag:s23] =	ssyncadd.s32 $0xFFFFE000  }
0x27: {  	[spmem:s19] =	stream.linear.scatter [tilespmem:s22], [sflag:$0x2], $0x2000, $0x38;
	[tilespmem:$0x1A000] =	vst v63  }
0x28: {  	_ =	swait.ge [sflag:s23], $0x2000  }
0x29: {  	[sflag:s23] =	ssyncset.done $0x0  }
0x2a: {  	[sflag:s23] =	ssyncadd.s32 $0xFFFFE000  }
0x2b: {  	[spmem:s20] =	stream.linear.scatter [tilespmem:s22], [sflag:$0x2], $0x2000, $0x38;
	[tilespmem:$0x1A000] =	vst v63  }
0x2c: {  	_ =	swait.ge [sflag:s23], $0x2000  }
0x2d: {  	[sflag:s23] =	ssyncset.done $0x0  }
0x2e: {  	s15 =	stileid.u32;
	[sflag:s23] =	ssyncadd.s32 $0xFFFFE000  }
0x2f: {  	[spmem:s21] =	stream.linear.scatter [tilespmem:s22], [sflag:$0x2], $0x2000, $0x38;
	[tilespmem:$0x1A000] =	vst v63  }
0x30: {  	s0 =	sshll.u32 s15, $0x6;
	_ =	swait.ge [sflag:s23], $0x2000  }
0x31: {  	s30 =	sor.u32 $0x1C02, s0;
	[sflag:s23] =	ssyncset.done $0x0;
	s16 =	rddreg [dreg:$0x4]  }
0x32: {  	s17 =	rddreg [dreg:$0x5];
	[sflag:s23] =	ssyncadd.s32 $0xFFFFE000;
	s31 =	sshrl.u32 s16, $0x3  }
0x33: {  	[spmem:s31], [sflag:s30] =	dma.local [hbm:s17], $0x1400  }
0x34: {  	_ =	swait.ge [sflag:s23], $0x1400  }
0x35: {  	[sflag:s23] =	ssyncset.done $0x0  }
0x36: {  	[sflag:s23] =	ssyncadd.s32 $0xFFFFEC00  }
0x37: {  	[bflag:$0x0] =	sbarrier.arrive $0xFFFF  }
0x38: {  	s24 =	simm.s32 $0x0;
	s1 =	rddreg [dreg:$0x6]  }
0x39: {  	[tilespmem:s24], [sflag:$0x2] =	stream.linear.gather [hbm4b:s1+s24], $0x800, $0x38;
	[tilespmem:$0x1A000] =	vst v63  }
0x3a: {  	_ =	swait.ge [sflag:s23], $0x800  }
0x3b: {  	[sflag:s23] =	ssyncset.done $0x0  }
0x3c: {  	s28 =	simm.s32 $0x1000;
	[sflag:s23] =	ssyncadd.s32 $0xFFFFF800  }
0x3d: {  	[tilespmem:s28], [sflag:$0x2] =	stream.linear.gather [hbm4b:s12+s24], $0x800, $0x38;
	[tilespmem:$0x1A000] =	vst v63  }
0x3e: {  	_ =	swait.ge [sflag:s23], $0x800  }
0x3f: {  	s29 =	sand.u32 $0xF, s24;
	[sflag:s23] =	ssyncset.done $0x0  }
0x40: {  	p0 =	sne.s32 s29, $0xF;
	s0 =	sand.u32 $0x8000, s24;
	[sflag:s23] =	ssyncadd.s32 $0xFFFFF800  }
0x41: {  	[tilespmem:s22], [sflag:$0x1] =	stream.indirect.gather [spmem:s3], $0x40, s24, s25, $0xb8;
	[tilespmem:$0x1A000] =	vst v63  }
0x42: {  	s9 =	sadd.s32 @!p0 $0x800, s7;
	s10 =	simm.s32 @!p0 $0x800;
	_ =	swait.ge [sflag:s26], $0x2000  }
0x43: {  	s14 =	simm.s32 @!p0 $0x0;
	s9 =	sshrl.u32 @!p0 s9, $0x3;
	[sflag:s26] =	ssyncset.done $0x0  }
0x44: {  	s10 =	sand.u32 @!p0 $0x800, s10;
	s13 =	sadd.s32 @!p0 s5, s9;
	[sflag:s26] =	ssyncadd.s32 $0xFFFFE000  }
0x45: {  	[tilespmem:s10], [sflag:$0x2] =	stream.linear.gather @!p0 [hbm4b:s13+s14], $0x800, $0x38;
	[tilespmem:$0x1A000] =	vst v63  }
0x46: {  	s15 =	simm.s32 $0x0;
	s11 =	sshrl.u32 s0, $0x2;
	s13 =	simm.s32 @!p0 $0x2  }
0x47: {  	s0 =	simm.s32 $0x8000;
	s9 =	sadd.s32 @!p0 s6, s9;
	_ =	swait.ge @!p0 [sflag:s13], $0x800  }
0x48: {  	s16 =	sand.u32 $0x800, s15;
	s17 =	sand.u32 $0x8000, s0;
	[sflag:s13] =	ssyncset.done @!p0 $0x0  }
0x49: {  	s1 =	sshll.u32 s29, $0x7;
	s10 =	sor.u32 @!p0 $0x1000, s10;
	[sflag:s13] =	ssyncadd.s32 @!p0 $0xFFFFF800  }
0x4a: {  	[tilespmem:s10], [sflag:$0x2] =	stream.linear.gather @!p0 [hbm4b:s9+s14], $0x800, $0x38;
	[tilespmem:$0x1A000] =	vst v63  }
0x4b: {  	s10 =	simm.s32 $0x200;
	s14 =	sor.u32 s1, s16;
	_ =	swait.ge @!p0 [sflag:s13], $0x800  }
0x4c: {  	s1 =	sshrl.u32 s17, $0x2;
	s9 =	sand.u32 $0x3E00, s10;
	[sflag:s13] =	ssyncset.done @!p0 $0x0  }
0x4d: {  	s24 =	sadd.s32 $0x2000, s1;
	s9 =	sshrl.u32 s9, $0x2;
	[sflag:s13] =	ssyncadd.s32 @!p0 $0xFFFFF800  }
0x4e: {  	[tilespmem:s24], [sflag:$0x1] =	stream.indirect.gather [spmem:s3], $0x40, s9, s25, $0xb8;
	[tilespmem:$0x1A000] =	vst v63  }
0x4f: {  	s28 =	sadd.s32 $0x2000, s11;
	s29 =	sor.u32 $0x1000, s14  }
0x50: {  	[spmem:s2] =	stream.indirect.scatter.add.f32 [tilespmem:s28], [sflag:$0x2], $0x40, s29, s25, $0xb8;
	[tilespmem:$0x1A000] =	vst v63  }
0x51: {  	s10 =	simm.s32 $0x600;
	s14 =	simm.s32 $0x0;
	_ =	swait.ge [sflag:s23], $0x2000  }
0x52: {  	s13 =	simm.s32 $0x1;
	s9 =	simm.s32 $0x400;
	[sflag:s23] =	ssyncset.done $0x0  }
.LBB2_4:
0x53: {  	s15 =	sand.u32 $0xF, s13  }
0x54: {  	s16 =	sshll.u32 s14, $0xB;
	[sflag:s23] =	ssyncadd.s32 $0xFFFFE000;
	s24 =	smov.u32 s10  }
0x55: {  	_ =	swait.ge [sflag:s26], $0x2000;
	p0 =	sne.s32 s15, $0xF;
	s15 =	sshll.u32 s15, $0x7  }
0x56: {  	s16 =	sand.u32 $0x800, s16;
	[sflag:s26] =	ssyncset.done $0x0;
	s14 =	sshll.u32 @!p0 s14, $0xB  }
0x57: {  	s15 =	sor.u32 s15, s16;
	[sflag:s26] =	ssyncadd.s32 $0xFFFFE000;
	s14 =	sadd.s32 @!p0 $0x800, s14  }
0x58: {  	s10 =	sadd.s32 $0x200, s10;
	s16 =	sadd.s32 @!p0 s7, s14;
	s14 =	sand.u32 @!p0 $0x800, s14  }
0x59: {  	s17 =	simm.s32 @!p0 $0x2;
	s16 =	sshrl.u32 @!p0 s16, $0x3;
	s28 =	sor.u32 @!p0 $0x1000, s14  }
0x5a: {  	s11 =	simm.s32 @!p0 $0x0;
	s29 =	sadd.s32 @!p0 s5, s16;
	s16 =	sadd.s32 @!p0 s6, s16  }
0x5b: {  	[tilespmem:s14], [sflag:$0x2] =	stream.linear.gather @!p0 [hbm4b:s29+s11], $0x800, $0x38;
	[tilespmem:$0x1A000] =	vst v63  }
0x5c: {  	p1 =	sne.s32 s10, $0xA000;
	_ =	swait.ge @!p0 [sflag:s17], $0x800  }
0x5d: {  	[sflag:s17] =	ssyncset.done @!p0 $0x0  }
0x5e: {  	s0 =	sadd.s32 $0x8000, s0;
	s9 =	sand.u32 $0x3E00, s9;
	[sflag:s17] =	ssyncadd.s32 @!p0 $0xFFFFF800  }
0x5f: {  	[tilespmem:s28], [sflag:$0x2] =	stream.linear.gather @!p0 [hbm4b:s16+s11], $0x800, $0x38;
	[tilespmem:$0x1A000] =	vst v63  }
0x60: {  	s11 =	sand.u32 $0x8000, s0;
	_ =	swait.ge @!p0 [sflag:s17], $0x800  }
0x61: {  	s11 =	sshrl.u32 s11, $0x2;
	[sflag:s17] =	ssyncset.done @!p0 $0x0  }
0x62: {  	s9 =	sshrl.u32 s9, $0x2;
	s14 =	sadd.s32 $0x2000, s11;
	[sflag:s17] =	ssyncadd.s32 @!p0 $0xFFFFF800  }
0x63: {  	[tilespmem:s14], [sflag:$0x1] =	stream.indirect.gather [spmem:s3], $0x40, s9, s25, $0xb8;
	[tilespmem:$0x1A000] =	vst v63  }
.Ltmp1:
0x64: {  	_ = 	snop;
	(pc) =	sbr.rel @p1 .LBB2_4-.Ltmp1, $4  }
0x65: {  	s1 =	sadd.s32 $0x2000, s1;
	s14 =	sor.u32 $0x1000, s15;
	s9 =	smov.u32 s24  }
0x66: {  	[spmem:s2] =	stream.indirect.scatter.add.f32 [tilespmem:s1], [sflag:$0x2], $0x40, s14, s25, $0xb8;
	[tilespmem:$0x1A000] =	vst v63  }
0x67: {  	s13 =	sadd.s32 $0x1, s13;
	s1 =	smov.u32 s11;
	_ =	swait.ge [sflag:s23], $0x2000  }
0x68: {  	s14 =	sshrl.u32 s13, $0x4;
	[sflag:s23] =	ssyncset.done $0x0  }
0x69: {  	s10 =	sand.u32 $0xF, s13  }
0x6a: {  	p0 =	sne.s32 s10, $0xF  }
0x6b: {  	[sflag:s23] =	ssyncadd.s32 $0xFFFFE000;
	s11 =	sshll.u32 @!p0 s14, $0xB  }
0x6c: {  	_ =	swait.ge [sflag:s26], $0x2000;
	s11 =	sadd.s32 @!p0 $0x800, s11  }
0x6d: {  	[sflag:s26] =	ssyncset.done $0x0;
	s13 =	sadd.s32 @!p0 s7, s11  }
0x6e: {  	s15 =	simm.s32 @!p0 $0x2;
	s17 =	simm.s32 @!p0 $0x0;
	s13 =	sshrl.u32 @!p0 s13, $0x3  }
0x6f: {  	[sflag:s26] =	ssyncadd.s32 $0xFFFFE000;
	s11 =	sand.u32 @!p0 $0x800, s11;
	s16 =	sadd.s32 @!p0 s5, s13  }
0x70: {  	[tilespmem:s11], [sflag:$0x2] =	stream.linear.gather @!p0 [hbm4b:s16+s17], $0x800, $0x38;
	[tilespmem:$0x1A000] =	vst v63  }
0x71: {  	s29 =	sshll.u32 s14, $0xB;
	s0 =	sadd.s32 $0x8000, s0;
	_ =	swait.ge @!p0 [sflag:s15], $0x800  }
0x72: {  	s9 =	sand.u32 $0x3E00, s9;
	s10 =	sshll.u32 s10, $0x7;
	[sflag:s15] =	ssyncset.done @!p0 $0x0  }
0x73: {  	s13 =	sadd.s32 @!p0 s6, s13;
	s11 =	sor.u32 @!p0 $0x1000, s11;
	[sflag:s15] =	ssyncadd.s32 @!p0 $0xFFFFF800  }
0x74: {  	[tilespmem:s11], [sflag:$0x2] =	stream.linear.gather @!p0 [hbm4b:s13+s17], $0x800, $0x38;
	[tilespmem:$0x1A000] =	vst v63  }
0x75: {  	s0 =	sand.u32 $0x8000, s0;
	s9 =	sshrl.u32 s9, $0x2;
	_ =	swait.ge @!p0 [sflag:s15], $0x800  }
0x76: {  	s14 =	sand.u32 $0x800, s29;
	s0 =	sshrl.u32 s0, $0x2;
	[sflag:s15] =	ssyncset.done @!p0 $0x0  }
0x77: {  	s10 =	sor.u32 s10, s14;
	s0 =	sadd.s32 $0x2000, s0;
	[sflag:s15] =	ssyncadd.s32 @!p0 $0xFFFFF800  }
0x78: {  	[tilespmem:s0], [sflag:$0x1] =	stream.indirect.gather [spmem:s3], $0x40, s9, s25, $0xb8;
	[tilespmem:$0x1A000] =	vst v63  }
0x79: {  	s16 =	sor.u32 $0x1000, s10;
	s15 =	sadd.s32 $0x2000, s1  }
0x7a: {  	[spmem:s2] =	stream.indirect.scatter.add.f32 [tilespmem:s15], [sflag:$0x2], $0x40, s16, s25, $0xb8;
	[tilespmem:$0x1A000] =	vst v63  }
0x7b: {  	_ =	swait.ge [sflag:s23], $0x2000  }
0x7c: {  	[sflag:s23] =	ssyncset.done $0x0  }
0x7d: {  	[sflag:s23] =	ssyncadd.s32 $0xFFFFE000  }
0x7e: {  	_ =	swait.ge [sflag:s26], $0x2000  }
0x7f: {  	[sflag:s26] =	ssyncset.done $0x0  }
0x80: {  	s24 =	simm.s32 $0x4000;
	s17 =	simm.s32 $0x1780;
	[sflag:s26] =	ssyncadd.s32 $0xFFFFE000  }
0x81: {  	[spmem:s2] =	stream.indirect.scatter.add.f32 [tilespmem:s24], [sflag:$0x2], $0x40, s17, s25, $0xb8;
	[tilespmem:$0x1A000] =	vst v63  }
0x82: {  	_ =	swait.ge [sflag:s23], $0x2000  }
0x83: {  	[sflag:s23] =	ssyncset.done $0x0  }
0x84: {  	[sflag:s23] =	ssyncadd.s32 $0xFFFFE000  }
0x85: {  	[bflag:$0x0] =	sbarrier.arrive $0xFFFF  }
0x86: {  	s28 =	rddreg [dreg:$0x8]  }
0x87: {  	s29 =	rddreg [dreg:$0x7];
	s0 =	sshrl.u32 s28, $0x3  }
0x88: {  	[hbm:s29], [sflag:s30] =	dma.local [spmem:s0], $0x1400  }
0x89: {  	_ =	swait.ge [sflag:s23], $0x1400  }
0x8a: {  	[sflag:s23] =	ssyncset.done $0x0  }
0x8b: {  	s1 =	simm.s32 $0x0;
	s9 =	simm.s32 $0x100;
	[sflag:s23] =	ssyncadd.s32 $0xFFFFEC00  }
.LBB2_6:
0x8c: {  	p0 =	sne.s32 s9, $0x7F00;
	[tilespmem:s1+$0x2030] =	vst v0;
	s10 =	smov.u32 s9;
	s9 =	sadd.s32 $0x100, s9  }
.Ltmp2:
0x8d: {  	[tilespmem:s1+$0x2020] =	vst v0;
	(pc) =	sbr.rel @p0 .LBB2_6-.Ltmp2, $3  }
0x8e: {  	[tilespmem:s1+$0x2000] =	vst v0  }
0x8f: {  	[tilespmem:s1+$0x2010] =	vst v0;
	_ =	sdelay $0x1  }
0x90: {  	s1 =	sshra.s32 s10, $0x2  }
0x91: {  	[tilespmem:s1+$0x2030] =	vst v0  }
0x92: {  	[tilespmem:s1+$0x2020] =	vst v0  }
0x93: {  	[tilespmem:s1+$0x2000] =	vst v0  }
0x94: {  	[tilespmem:s1+$0x2010] =	vst v0  }
0x95: {  	[spmem:s8] =	stream.linear.scatter [tilespmem:s22], [sflag:$0x2], $0x2000, $0x38;
	[tilespmem:$0x1A000] =	vst v63  }
0x96: {  	_ =	swait.ge [sflag:s23], $0x2000  }
0x97: {  	[sflag:s23] =	ssyncset.done $0x0  }
0x98: {  	[sflag:s23] =	ssyncadd.s32 $0xFFFFE000  }
0x99: {  	[spmem:s18] =	stream.linear.scatter [tilespmem:s22], [sflag:$0x2], $0x2000, $0x38;
	[tilespmem:$0x1A000] =	vst v63  }
0x9a: {  	_ =	swait.ge [sflag:s23], $0x2000  }
0x9b: {  	[sflag:s23] =	ssyncset.done $0x0  }
0x9c: {  	[sflag:s23] =	ssyncadd.s32 $0xFFFFE000  }
0x9d: {  	[spmem:s19] =	stream.linear.scatter [tilespmem:s22], [sflag:$0x2], $0x2000, $0x38;
	[tilespmem:$0x1A000] =	vst v63  }
0x9e: {  	_ =	swait.ge [sflag:s23], $0x2000  }
0x9f: {  	[sflag:s23] =	ssyncset.done $0x0  }
0xa0: {  	[sflag:s23] =	ssyncadd.s32 $0xFFFFE000  }
0xa1: {  	[spmem:s20] =	stream.linear.scatter [tilespmem:s22], [sflag:$0x2], $0x2000, $0x38;
	[tilespmem:$0x1A000] =	vst v63  }
0xa2: {  	_ =	swait.ge [sflag:s23], $0x2000  }
0xa3: {  	[sflag:s23] =	ssyncset.done $0x0  }
0xa4: {  	[sflag:s23] =	ssyncadd.s32 $0xFFFFE000  }
0xa5: {  	[spmem:s21] =	stream.linear.scatter [tilespmem:s22], [sflag:$0x2], $0x2000, $0x38;
	[tilespmem:$0x1A000] =	vst v63  }
0xa6: {  	_ =	swait.ge [sflag:s23], $0x2000  }
0xa7: {  	[sflag:s23] =	ssyncset.done $0x0  }
0xa8: {  	s17 =	rddreg [dreg:$0x9];
	[sflag:s23] =	ssyncadd.s32 $0xFFFFE000  }
0xa9: {  	[spmem:s31], [sflag:s30] =	dma.local [hbm:s17], $0x1400  }
0xaa: {  	_ =	swait.ge [sflag:s23], $0x1400  }
0xab: {  	[sflag:s23] =	ssyncset.done $0x0  }
0xac: {  	[sflag:s23] =	ssyncadd.s32 $0xFFFFEC00  }
0xad: {  	[bflag:$0x0] =	sbarrier.arrive $0xFFFF  }
0xae: {  	s24 =	simm.s32 $0x0;
	s9 =	rddreg [dreg:$0x6]  }
0xaf: {  	[tilespmem:s24], [sflag:$0x2] =	stream.linear.gather [hbm4b:s9+s24], $0x800, $0x38;
	[tilespmem:$0x1A000] =	vst v63  }
0xb0: {  	_ =	swait.ge [sflag:s23], $0x800  }
0xb1: {  	[sflag:s23] =	ssyncset.done $0x0  }
0xb2: {  	s28 =	simm.s32 $0x1000;
	[sflag:s23] =	ssyncadd.s32 $0xFFFFF800  }
0xb3: {  	[tilespmem:s28], [sflag:$0x2] =	stream.linear.gather [hbm4b:s12+s24], $0x800, $0x38;
	[tilespmem:$0x1A000] =	vst v63  }
0xb4: {  	_ =	swait.ge [sflag:s23], $0x800  }
0xb5: {  	s29 =	sand.u32 $0xF, s24;
	[sflag:s23] =	ssyncset.done $0x0  }
0xb6: {  	s1 =	sand.u32 $0x8000, s24;
	p0 =	sne.s32 s29, $0xF;
	[sflag:s23] =	ssyncadd.s32 $0xFFFFF800  }
0xb7: {  	[tilespmem:s22], [sflag:$0x1] =	stream.indirect.gather [spmem:s3], $0x40, s24, s25, $0xb8;
	[tilespmem:$0x1A000] =	vst v63  }
0xb8: {  	s10 =	sadd.s32 @!p0 $0x800, s7;
	s11 =	simm.s32 @!p0 $0x800;
	_ =	swait.ge [sflag:s26], $0x2000  }
0xb9: {  	s14 =	simm.s32 @!p0 $0x0;
	s10 =	sshrl.u32 @!p0 s10, $0x3;
	[sflag:s26] =	ssyncset.done $0x0  }
0xba: {  	s11 =	sand.u32 @!p0 $0x800, s11;
	s13 =	sadd.s32 @!p0 s5, s10;
	[sflag:s26] =	ssyncadd.s32 $0xFFFFE000  }
0xbb: {  	[tilespmem:s11], [sflag:$0x2] =	stream.linear.gather @!p0 [hbm4b:s13+s14], $0x800, $0x38;
	[tilespmem:$0x1A000] =	vst v63  }
0xbc: {  	s15 =	simm.s32 $0x200;
	s16 =	sshrl.u32 s1, $0x2;
	s13 =	simm.s32 @!p0 $0x2  }
0xbd: {  	s10 =	sadd.s32 @!p0 s6, s10;
	s17 =	simm.s32 $0x0;
	_ =	swait.ge @!p0 [sflag:s13], $0x800  }
0xbe: {  	s31 =	simm.s32 $0x8000;
	s1 =	sand.u32 $0x800, s17;
	[sflag:s13] =	ssyncset.done @!p0 $0x0  }
0xbf: {  	s9 =	sshll.u32 s29, $0x7;
	s11 =	sor.u32 @!p0 $0x1000, s11;
	[sflag:s13] =	ssyncadd.s32 @!p0 $0xFFFFF800  }
0xc0: {  	[tilespmem:s11], [sflag:$0x2] =	stream.linear.gather @!p0 [hbm4b:s10+s14], $0x800, $0x38;
	[tilespmem:$0x1A000] =	vst v63  }
0xc1: {  	s9 =	sor.u32 s9, s1;
	s24 =	sand.u32 $0x8000, s31;
	_ =	swait.ge @!p0 [sflag:s13], $0x800  }
0xc2: {  	s1 =	sshrl.u32 s24, $0x2;
	s10 =	sand.u32 $0x3E00, s15;
	[sflag:s13] =	ssyncset.done @!p0 $0x0  }
0xc3: {  	s28 =	sadd.s32 $0x2000, s1;
	s10 =	sshrl.u32 s10, $0x2;
	[sflag:s13] =	ssyncadd.s32 @!p0 $0xFFFFF800  }
0xc4: {  	[tilespmem:s28], [sflag:$0x1] =	stream.indirect.gather [spmem:s3], $0x40, s10, s25, $0xb8;
	[tilespmem:$0x1A000] =	vst v63  }
0xc5: {  	s29 =	sadd.s32 $0x2000, s16;
	s9 =	sor.u32 $0x1000, s9  }
0xc6: {  	[spmem:s2] =	stream.indirect.scatter.add.f32 [tilespmem:s29], [sflag:$0x2], $0x40, s9, s25, $0xb8;
	[tilespmem:$0x1A000] =	vst v63  }
0xc7: {  	s14 =	simm.s32 $0x0;
	s13 =	simm.s32 $0x1;
	_ =	swait.ge [sflag:s23], $0x2000  }
0xc8: {  	s10 =	simm.s32 $0x600;
	s9 =	simm.s32 $0x400;
	[sflag:s23] =	ssyncset.done $0x0  }
.LBB2_8:
0xc9: {  	s11 =	sand.u32 $0xF, s13  }
0xca: {  	s15 =	sshll.u32 s14, $0xB;
	[sflag:s23] =	ssyncadd.s32 $0xFFFFE000;
	s16 =	smov.u32 s10  }
0xcb: {  	_ =	swait.ge [sflag:s26], $0x2000;
	p0 =	sne.s32 s11, $0xF;
	s11 =	sshll.u32 s11, $0x7  }
0xcc: {  	s15 =	sand.u32 $0x800, s15;
	[sflag:s26] =	ssyncset.done $0x0;
	s14 =	sshll.u32 @!p0 s14, $0xB  }
0xcd: {  	s11 =	sor.u32 s11, s15;
	[sflag:s26] =	ssyncadd.s32 $0xFFFFE000;
	s14 =	sadd.s32 @!p0 $0x800, s14  }
0xce: {  	s10 =	sadd.s32 $0x200, s10;
	s15 =	sadd.s32 @!p0 s7, s14;
	s14 =	sand.u32 @!p0 $0x800, s14  }
0xcf: {  	s17 =	simm.s32 @!p0 $0x2;
	s15 =	sshrl.u32 @!p0 s15, $0x3;
	s24 =	sor.u32 @!p0 $0x1000, s14  }
0xd0: {  	s29 =	simm.s32 @!p0 $0x0;
	s28 =	sadd.s32 @!p0 s5, s15;
	s15 =	sadd.s32 @!p0 s6, s15  }
0xd1: {  	[tilespmem:s14], [sflag:$0x2] =	stream.linear.gather @!p0 [hbm4b:s28+s29], $0x800, $0x38;
	[tilespmem:$0x1A000] =	vst v63  }
0xd2: {  	p1 =	sne.s32 s10, $0xA000;
	_ =	swait.ge @!p0 [sflag:s17], $0x800  }
0xd3: {  	[sflag:s17] =	ssyncset.done @!p0 $0x0  }
0xd4: {  	s31 =	sadd.s32 $0x8000, s31;
	s9 =	sand.u32 $0x3E00, s9;
	[sflag:s17] =	ssyncadd.s32 @!p0 $0xFFFFF800  }
0xd5: {  	[tilespmem:s24], [sflag:$0x2] =	stream.linear.gather @!p0 [hbm4b:s15+s29], $0x800, $0x38;
	[tilespmem:$0x1A000] =	vst v63  }
0xd6: {  	s14 =	sand.u32 $0x8000, s31;
	_ =	swait.ge @!p0 [sflag:s17], $0x800  }
0xd7: {  	s14 =	sshrl.u32 s14, $0x2;
	[sflag:s17] =	ssyncset.done @!p0 $0x0  }
0xd8: {  	s9 =	sshrl.u32 s9, $0x2;
	s15 =	sadd.s32 $0x2000, s14;
	[sflag:s17] =	ssyncadd.s32 @!p0 $0xFFFFF800  }
0xd9: {  	[tilespmem:s15], [sflag:$0x1] =	stream.indirect.gather [spmem:s3], $0x40, s9, s25, $0xb8;
	[tilespmem:$0x1A000] =	vst v63  }
.Ltmp3:
0xda: {  	_ = 	snop;
	(pc) =	sbr.rel @p1 .LBB2_8-.Ltmp3, $4  }
0xdb: {  	s1 =	sadd.s32 $0x2000, s1;
	s11 =	sor.u32 $0x1000, s11;
	s9 =	smov.u32 s16  }
0xdc: {  	[spmem:s2] =	stream.indirect.scatter.add.f32 [tilespmem:s1], [sflag:$0x2], $0x40, s11, s25, $0xb8;
	[tilespmem:$0x1A000] =	vst v63  }
0xdd: {  	s13 =	sadd.s32 $0x1, s13;
	s1 =	smov.u32 s14;
	_ =	swait.ge [sflag:s23], $0x2000  }
0xde: {  	s14 =	sshrl.u32 s13, $0x4;
	[sflag:s23] =	ssyncset.done $0x0  }
0xdf: {  	s10 =	sand.u32 $0xF, s13  }
0xe0: {  	p0 =	sne.s32 s10, $0xF  }
0xe1: {  	[sflag:s23] =	ssyncadd.s32 $0xFFFFE000;
	s11 =	sshll.u32 @!p0 s14, $0xB  }
0xe2: {  	_ =	swait.ge [sflag:s26], $0x2000;
	s11 =	sadd.s32 @!p0 $0x800, s11  }
0xe3: {  	[sflag:s26] =	ssyncset.done $0x0;
	s13 =	sadd.s32 @!p0 s7, s11  }
0xe4: {  	s15 =	simm.s32 @!p0 $0x2;
	s17 =	simm.s32 @!p0 $0x0;
	s13 =	sshrl.u32 @!p0 s13, $0x3  }
0xe5: {  	[sflag:s26] =	ssyncadd.s32 $0xFFFFE000;
	s11 =	sand.u32 @!p0 $0x800, s11;
	s16 =	sadd.s32 @!p0 s5, s13  }
0xe6: {  	[tilespmem:s11], [sflag:$0x2] =	stream.linear.gather @!p0 [hbm4b:s16+s17], $0x800, $0x38;
	[tilespmem:$0x1A000] =	vst v63  }
0xe7: {  	s29 =	sshll.u32 s14, $0xB;
	s31 =	sadd.s32 $0x8000, s31;
	_ =	swait.ge @!p0 [sflag:s15], $0x800  }
0xe8: {  	s9 =	sand.u32 $0x3E00, s9;
	s10 =	sshll.u32 s10, $0x7;
	[sflag:s15] =	ssyncset.done @!p0 $0x0  }
0xe9: {  	s13 =	sadd.s32 @!p0 s6, s13;
	s11 =	sor.u32 @!p0 $0x1000, s11;
	[sflag:s15] =	ssyncadd.s32 @!p0 $0xFFFFF800  }
0xea: {  	[tilespmem:s11], [sflag:$0x2] =	stream.linear.gather @!p0 [hbm4b:s13+s17], $0x800, $0x38;
	[tilespmem:$0x1A000] =	vst v63  }
0xeb: {  	s9 =	sshrl.u32 s9, $0x2;
	s16 =	sand.u32 $0x8000, s31;
	_ =	swait.ge @!p0 [sflag:s15], $0x800  }
0xec: {  	s14 =	sand.u32 $0x800, s29;
	s11 =	sshrl.u32 s16, $0x2;
	[sflag:s15] =	ssyncset.done @!p0 $0x0  }
0xed: {  	s10 =	sor.u32 s10, s14;
	s11 =	sadd.s32 $0x2000, s11;
	[sflag:s15] =	ssyncadd.s32 @!p0 $0xFFFFF800  }
0xee: {  	[tilespmem:s11], [sflag:$0x1] =	stream.indirect.gather [spmem:s3], $0x40, s9, s25, $0xb8;
	[tilespmem:$0x1A000] =	vst v63  }
0xef: {  	s1 =	sadd.s32 $0x2000, s1;
	s17 =	sor.u32 $0x1000, s10  }
0xf0: {  	[spmem:s2] =	stream.indirect.scatter.add.f32 [tilespmem:s1], [sflag:$0x2], $0x40, s17, s25, $0xb8;
	[tilespmem:$0x1A000] =	vst v63  }
0xf1: {  	_ =	swait.ge [sflag:s23], $0x2000  }
0xf2: {  	[sflag:s23] =	ssyncset.done $0x0  }
0xf3: {  	[sflag:s23] =	ssyncadd.s32 $0xFFFFE000  }
0xf4: {  	_ =	swait.ge [sflag:s26], $0x2000  }
0xf5: {  	[sflag:s26] =	ssyncset.done $0x0  }
0xf6: {  	s24 =	simm.s32 $0x1780;
	s28 =	simm.s32 $0x4000;
	[sflag:s26] =	ssyncadd.s32 $0xFFFFE000  }
0xf7: {  	[spmem:s2] =	stream.indirect.scatter.add.f32 [tilespmem:s28], [sflag:$0x2], $0x40, s24, s25, $0xb8;
	[tilespmem:$0x1A000] =	vst v63  }
0xf8: {  	_ =	swait.ge [sflag:s23], $0x2000  }
0xf9: {  	[sflag:s23] =	ssyncset.done $0x0  }
0xfa: {  	[sflag:s23] =	ssyncadd.s32 $0xFFFFE000  }
0xfb: {  	[bflag:$0x0] =	sbarrier.arrive $0xFFFF  }
0xfc: {  	s29 =	rddreg [dreg:$0xa]  }
0xfd: {  	[hbm:s29], [sflag:s30] =	dma.local [spmem:s0], $0x1400  }
0xfe: {  	_ =	swait.ge [sflag:s23], $0x1400  }
0xff: {  	s4 =	sadd.s32 $0x1, s4;
	s31 =	rddreg [dreg:$0xb]  }
0x100: {  	p0 =	sne.s32 s4, s31  }
.Ltmp4:
0x101: {  	_ = 	snop;
	(pc) =	sbr.rel @p0 .LBB2_1-.Ltmp4, $3  }
0x102: {  	_ =	sdelay $0x1  }
0x103: {  	[sflag:s23] =	ssyncset.done $0x0  }
0x104: {  	[sflag:s23] =	ssyncadd.s32 $0xFFFFEC00  }
0x105: {  	_ =	sfence.sel $0x180000  }
0x106: {  	[bflag:$0x0] =	sbarrier.arrive $0xFFFF  }
0x107: {  	_ =	strace $0x9000004A  }
0x108: {  	s0 =	stileid.u32;
	[bflag:$0x2] =	sbarrier.arrive $0xFFFF  }
0x109: {  	p0 =	sne.s32 s0, $0x0;
	s0 =	rddreg [dreg:$0x3]  }
0x10a: {  	s0 =	sadd.s32 @!p0 $0x100000, s0  }
0x10b: {  	[sflag:s0] =	ssyncadd.tile.s32 @!p0 $0x1;
	_ =	shalt  }
.Lfunc_end2:
_tile_overlayer_lowered:
.L_overlay_start_2:
0x10c: {  	(tag) =	ssettag $0x2  }
0x10d: {  	s0 =	rddreg [dreg:$0x0];
	s2 =	stileid.u32  }
0x10e: {  	s1 =	rddreg [dreg:$0x1];
	p0 =	sne.s32 s2, $0x0  }
0x10f: {  	s3 =	rddreg [dreg:$0x2];
	[bflag:$0x3] =	sbarrier.arrive $0xFFFF;
	s2 =	simm.s32 @!p0 $0x1C02  }
0x110: {  	[timem:s3], [sflag:s2] =	dma.local @!p0 [hbm:s0], s1  }
0x111: {  	s0 =	simm.s32 @!p0 $0x2  }
0x112: {  	_ =	swait.ge @!p0 [sflag:s0], s1  }
0x113: {  	s1 =	ssub.s32 @!p0 $0x0, s1;
	[sflag:s0] =	ssyncset.done @!p0 $0x0  }
0x114: {  	[sflag:s0] =	ssyncadd.s32 @!p0 s1  }
0x115: {  	[bflag:$0x3] =	sbarrier.arrive $0xFFFF  }
0x116: {  	_ =	shalt  }

// kernel: kernel.14.cloned.1.call-start
scs
__scs_entry_jumppad:
0x0: {  	(pc) =	sbr.rel $0x88, $3  }
0x1: {  	(tag) =	ssettag $0x0;
	lr =	simm.s32 $0x1  }
0x2: {  	[smem:$0x3F9B] =	sst lr;
	_ =	strace $0xD0000000  }
0x3: {  	_ = 	snop  }
0x4: {  	_ = 	snop  }
0x5: {  	_ = 	snop  }
0x6: {  	_ = 	snop  }
0x7: {  	_ = 	snop  }
__scs_overlays_trampoline_lowered:
0x8: {  	[smem:$0x3FAA] =	sst s0  }
0x9: {  	[smem:$0x3FAB] =	sst s1  }
0xa: {  	[smem:$0x3FAC] =	sst s2  }
0xb: {  	[smem:$0x3FAD] =	sst s3  }
0xc: {  	[smem:$0x3FAE] =	sst s4  }
0xd: {  	[smem:$0x3FAF] =	sst s5  }
0xe: {  	[smem:$0x3FB0] =	sst s6  }
0xf: {  	[smem:$0x3FB1] =	sst s7  }
0x10: {  	[smem:$0x3FB2] =	sst s8  }
0x11: {  	[smem:$0x3FB3] =	sst s9;
	s0 =	simm.s32 @!p0 $0x0  }
0x12: {  	s1 =	sld [smem:$0x3F99];
	s0 =	simm.s32 @p0 $0x1  }
0x13: {  	[smem:$0x3FB4] =	sst s0;
	s0 =	simm.s32 @!p1 $0x0  }
0x14: {  	s2 =	sld [smem:$0x3F98];
	s0 =	simm.s32 @p1 $0x1  }
0x15: {  	[smem:$0x3FB5] =	sst s0;
	s0 =	simm.s32 @!p2 $0x0  }
0x16: {  	s3 =	sld [smem:$0x3FDB];
	s0 =	simm.s32 @p2 $0x1  }
0x17: {  	s4 =	simm.s32 $0x1BF5;
	[smem:$0x3FB7] =	sst s0  }
0x18: {  	s0 =	sld [smem:$0x3F9A];
	_ =	swait.ge [sflag:s4], $0x0  }
0x19: {  	s7 =	sld [smem:$0x3F9B]  }
0x1a: {  	s8 =	sadd.s32 $0xFFFFE003, lr  }
0x1b: {  	s9 =	sadd.s32 $0xFFFFFEF7, lr;
	s5 =	simm.s32 $0xFFFFFFFF;
	p2 =	slt.u32 s8, $0xFFFFF086  }
0x1c: {  	p1 =	slt.u32 s9, $0xF7A;
	s5 =	simm.s32 @!p2 $0x0  }
0x1d: {  	s5 =	simm.s32 @p1 $0x1;
	p0 =	seq.s32 s7, s2  }
0x1e: {  	s7 =	smul.u32 @!p0 $0xF7A, s2;
	p2 =	seq.s32 @!p0 s5, $0x0  }
0x1f: {  	s9 =	smul.u32 $0xF7A, s1;
	s8 =	simm.s32 @!p0 $0x1BF5;
	p2 =	por !p2, p0  }
0x20: {  	[sflag:s8] =	ssyncset.s32 @!p0 $0xFFFFF086;
	s6 =	sadd.s32 @!p0 s3, s7;
	s7 =	simm.s32 @!p0 $0x108  }
0x21: {  	s3 =	sadd.s32 s3, s9;
	s6 =	sadd.s32 @!p0 $0x88, s6;
	s7 =	simm.s32 @p2 $0x1082  }
0x22: {  	[simem:s7], [sflag:s8] =	dma.local @!p0 [hbm:s6], $0xF7A  }
0x23: {  	s9 =	sor.u32 $0xD0000000, s2;
	s6 =	simm.s32 $0x108;
	_ =	swait.ge @!p0 [sflag:s8], $0x0  }
0x24: {  	s3 =	sadd.s32 $0x88, s3;
	s6 =	simm.s32 @!p1 $0x1082;
	[sflag:s4] =	ssyncset.s32 $0xFFFFF086  }
0x25: {  	[simem:s6], [sflag:s4] =	dma.local [hbm:s3], $0xF7A  }
0x26: {  	[smem:$0x3F9B] =	sst s1;
	(tag) =	ssettag s2;
	_ =	strace s9  }
0x27: {  	s1 =	sld [smem:$0x3FAB]  }
0x28: {  	s2 =	sld [smem:$0x3FAC]  }
0x29: {  	s4 =	sld [smem:$0x3FAE]  }
0x2a: {  	p0 =	seq.s32 s5, $0x0;
	s5 =	sld [smem:$0x3FAF]  }
0x2b: {  	s6 =	sld [smem:$0x3FB0]  }
0x2c: {  	s7 =	sld [smem:$0x3FB1]  }
0x2d: {  	s3 =	simm.s32 $0x108;
	s8 =	sld [smem:$0x3FB2]  }
0x2e: {  	s3 =	simm.s32 @!p0 $0x1082;
	s9 =	sld [smem:$0x3FB3]  }
0x2f: {  	lr =	sadd.s32 s0, s3;
	s0 =	sld [smem:$0x3FAA]  }
0x30: {  	s3 =	sld [smem:$0x3FAD]  }
0x31: {  	[smem:$0x3FB6] =	sst s10  }
0x32: {  	s10 =	sld [smem:$0x3FB4];
	_ =	sdelay $0x3  }
0x33: {  	p0 =	seq.s32 s10, $0x1;
	s10 =	sld [smem:$0x3FB6];
	_ =	sdelay $0x3  }
0x34: {  	[smem:$0x3FB6] =	sst s10  }
0x35: {  	s10 =	sld [smem:$0x3FB5];
	_ =	sdelay $0x3  }
0x36: {  	p1 =	seq.s32 s10, $0x1;
	s10 =	sld [smem:$0x3FB6];
	_ =	sdelay $0x3  }
0x37: {  	[smem:$0x3FB6] =	sst s10  }
0x38: {  	s10 =	sld [smem:$0x3FB7]  }
0x39: {  	_ = 	snop;
	(pc) =	sbr.ind lr, $3  }
0x3a: {  	_ = 	snop  }
0x3b: {  	_ = 	snop  }
0x3c: {  	p2 =	seq.s32 s10, $0x1;
	s10 =	sld [smem:$0x3FB6]  }
0x3d: {  	_ =	shalt  }
0x3e: {  	_ =	shalt  }
0x3f: {  	_ =	shalt  }
0x40: {  	_ =	shalt  }
0x41: {  	_ =	shalt  }
0x42: {  	_ =	shalt  }
0x43: {  	_ =	shalt  }
0x44: {  	_ =	shalt  }
0x45: {  	_ =	shalt  }
0x46: {  	_ =	shalt  }
0x47: {  	_ =	shalt  }
0x48: {  	_ =	shalt  }
0x49: {  	_ =	shalt  }
0x4a: {  	_ =	shalt  }
0x4b: {  	_ =	shalt  }
0x4c: {  	_ =	shalt  }
0x4d: {  	_ =	shalt  }
0x4e: {  	_ =	shalt  }
0x4f: {  	_ =	shalt  }
0x50: {  	_ =	shalt  }
0x51: {  	_ =	shalt  }
0x52: {  	_ =	shalt  }
0x53: {  	_ =	shalt  }
0x54: {  	_ =	shalt  }
0x55: {  	_ =	shalt  }
0x56: {  	_ =	shalt  }
0x57: {  	_ =	shalt  }
0x58: {  	_ =	shalt  }
0x59: {  	_ =	shalt  }
0x5a: {  	_ =	shalt  }
0x5b: {  	_ =	shalt  }
0x5c: {  	_ =	shalt  }
0x5d: {  	_ =	shalt  }
0x5e: {  	_ =	shalt  }
0x5f: {  	_ =	shalt  }
0x60: {  	_ =	shalt  }
0x61: {  	_ =	shalt  }
0x62: {  	_ =	shalt  }
0x63: {  	_ =	shalt  }
0x64: {  	_ =	shalt  }
0x65: {  	_ =	shalt  }
0x66: {  	_ =	shalt  }
0x67: {  	_ =	shalt  }
0x68: {  	_ =	shalt  }
0x69: {  	_ =	shalt  }
0x6a: {  	_ =	shalt  }
0x6b: {  	_ =	shalt  }
0x6c: {  	_ =	shalt  }
0x6d: {  	_ =	shalt  }
0x6e: {  	_ =	shalt  }
0x6f: {  	_ =	shalt  }
0x70: {  	_ =	shalt  }
0x71: {  	_ =	shalt  }
0x72: {  	_ =	shalt  }
0x73: {  	_ =	shalt  }
0x74: {  	_ =	shalt  }
0x75: {  	_ =	shalt  }
0x76: {  	_ =	shalt  }
0x77: {  	_ =	shalt  }
0x78: {  	_ =	shalt  }
0x79: {  	_ =	shalt  }
0x7a: {  	_ =	shalt  }
0x7b: {  	_ =	shalt  }
0x7c: {  	_ =	shalt  }
0x7d: {  	_ =	shalt  }
0x7e: {  	_ =	shalt  }
0x7f: {  	_ =	shalt  }
0x80: {  	_ =	shalt  }
0x81: {  	_ =	shalt  }
0x82: {  	_ =	shalt  }
0x83: {  	_ =	shalt  }
0x84: {  	_ =	shalt  }
0x85: {  	_ =	shalt  }
0x86: {  	_ =	shalt  }
0x87: {  	_ =	shalt  }
.Lfunc_end0:
.L_simem_size_0:
called_computation.2_lowered:
.L_overlay_start_0:
0x88: {  	s2 =	sld [smem:$0x3FD9]  }
0x89: {  	s3 =	sld [smem:$0x3FFE];
	_ =	sdelay $0x1  }
0x8a: {  	s1 =	srdreg.scid  }
0x8b: {  	s0 =	sand.u32 $0x1, s1  }
0x8c: {  	s16 =	sshll.u32 s0, $0xA;
	s2 =	sadd.s32 s3, s2  }
0x8d: {  	s2 =	sadd.s32 s2, s16  }
0x8e: {  	[smem:$0x3FC2] =	sst s2  }
0x8f: {  	_ = 	snop  }
0x90: {  	(tm) =	ssettm $0x1  }
0x91: {  	s17 =	sld [smem:$0x3FFB];
	_ =	sdelay $0x3  }
0x92: {  	_ =	strace s17  }
0x93: {  	s2 =	sld [smem:$0x3FFC];
	_ =	sdelay $0x3  }
0x94: {  	_ =	strace s2  }
0x95: {  	s2 =	sld [smem:$0x3FFD];
	_ =	sdelay $0x3  }
0x96: {  	_ =	strace s2  }
0x97: {  	_ =	strace $0x8FFFFFFF  }
0x98: {  	s18 =	sld [smem:$0x3FDB];
	_ =	sdelay $0x1  }
0x99: {  	s19 =	simm.s32 $_scs_section_size  }
0x9a: {  	s4 =	simm.s32 $_size__tile_overlayer_lowered;
	s5 =	simm.s32 $_tile_overlayer_lowered  }
0x9b: {  	s22 =	simm.s32 $0x1BFF;
	s21 =	sshll.u32 s5, $0x1;
	s2 =	sadd.s32 s19, s18  }
0x9c: {  	s6 =	simm.s32 $0x0;
	s20 =	sshll.u32 s4, $0x1;
	s4 =	sadd.s32 s21, s2  }
0x9d: {  	[timem:s6], [sflag:s22] =	dma.local [hbm:s4], s20  }
0x9e: {  	_ =	swait.ge [sflag:s22], s20  }
0x9f: {  	s3 =	ssub.s32 $0x0, s20;
	[sflag:s22] =	ssyncset.done $0x0  }
0xa0: {  	[sflag:s22] =	ssyncadd.s32 s3;
	_ =	sdelay $0x1  }
0xa1: {  	s23 =	simm.s32 $0x1B8B  }
0xa2: {  	_ =	swait.ge [sflag:s23], $0x1  }
0xa3: {  	[sflag:s23] =	ssyncset.done $0x0  }
0xa4: {  	s25 =	simm.s32 $0x1B8E;
	s24 =	sld [smem:$0x3FFE];
	[sflag:s23] =	ssyncadd.s32 $0xFFFFFFFF  }
0xa5: {  	s26 =	simm.s32 $execute0_lowered;
	[smem:$0x3FD2] =	sst s25  }
0xa6: {  	s4 =	sshll.u32 s26, $0x1;
	_ =	strace $0x8000004C;
	[dreg:$0x1] =	wrdreg $0xFFFFFFFF  }
0xa7: {  	s28 =	simm.s32 $_size_execute0_lowered;
	s2 =	sadd.s32 s2, s4;
	[dreg:$0x0] =	wrdreg $0x0  }
0xa8: {  	s4 =	sshll.u32 s28, $0x1;
	[dreg:$0x2] =	wrdreg s2  }
0xa9: {  	[dreg:$0x3] =	wrdreg s4  }
0xaa: {  	[dreg:$0x4] =	wrdreg $0xC0  }
0xab: {  	_ =	task [dreg:s6], $0x5FFFF  }
0xac: {  	[dreg:$0x1] =	wrdreg $0xFFFFFFFF  }
0xad: {  	[dreg:$0x0] =	wrdreg $0x60  }
0xae: {  	[dreg:$0x2] =	wrdreg s24  }
0xaf: {  	[dreg:$0x3] =	wrdreg $0x30000  }
0xb0: {  	[dreg:$0x4] =	wrdreg $0x58000  }
0xb1: {  	[dreg:$0x5] =	wrdreg $0x9  }
0xb2: {  	_ =	task.clear_ibuf [dreg:s6], $0x6FFFF;
	_ =	strace $0x9000004C  }
0xb3: {  	s29 =	simm.s32 $0x9;
	_ =	strace $0x8000004E  }
0xb4: {  	_ =	swait.ge [sflag:s29], $0x1  }
0xb5: {  	[sflag:s29] =	ssyncadd.s32 $0xFFFFFFFF  }
0xb6: {  	_ =	strace $0x9000004E  }
0xb7: {  	_ =	sfence  }
0xb8: {  	s30 =	sld [smem:$0x0];
	_ =	sdelay $0x2  }
0xb9: {  	s31 =	sshll.u32 s1, $0xD;
	s1 =	sshrl.u32 s1, $0x2  }
0xba: {  	s3 =	sand.u32 $0x4000, s31;
	s1 =	sadd.s32 s1, s30  }
0xbb: {  	s0 =	sor.u32 s3, s0;
	s1 =	sshll.u32 s1, $0x11  }
0xbc: {  	s0 =	sor.u32 s1, s0  }
0xbd: {  	s0 =	sadd.s32 $0x8F2B, s0  }
0xbe: {  	[sflag:s0] =	ssyncadd.remote.s32 $0x1  }
0xbf: {  	_ =	sfence.sel $0xFFFF  }
0xc0: {  	[dreg:$0x0] =	wrdreg $0xFFFFFFFF;
	(pc) =	sbr.abs _section_cstart, $3  }
0xc1: {  	[dreg:$0x1] =	wrdreg $0xFFFFFFFF  }
0xc2: {  	_ =	task.clear_ibuf [dreg:s6], $0x2FFFF;
	_ =	strace $0x9FFFFFFF  }
0xc3: {  	(tm) =	ssettm $0x7FFFFFFF  }
tec
execute0_lowered:
.L_overlay_start_1:
0x0: {  	(tag) =	ssettag $0x1  }
0x1: {  	s0 =	rddreg [dreg:$0x0]  }
0x2: {  	s2 =	rddreg [dreg:$0x1]  }
0x3: {  	s3 =	rddreg [dreg:$0x2];
	s13 =	stileid.u32;
	s4 =	simm.s32 $0x0  }
0x4: {  	s5 =	srdreg.scid;
	s18 =	simm.s32 $0x2000;
	s19 =	simm.s32 $0x2  }
0x5: {  	s1 =	smul.u32 $0x2800, s13;
	[smem:$0x7FF] =	sst s4;
	s7 =	sand.u32 $0x1, s5  }
0x6: {  	s5 =	sadd.s32 $0xBC00, s0;
	s6 =	sadd.s32 $0x1C00, s0;
	s11 =	smul.u32 $0xA000, s13  }
0x7: {  	_ =	strace $0x8000004D;
	s8 =	smul.u32 $0x28000, s7;
	s10 =	sshll.u32 s7, $0x4  }
0x8: {  	s12 =	ssub.s32 $0x2, s7;
	s22 =	sshrl.u32 s1, $0x3;
	s23 =	sor.u32 s13, s10  }
0x9: {  	s24 =	sshrl.u32 s12, $0x1;
	s11 =	sshrl.u32 s11, $0x2;
	s20 =	sadd.s32 s1, s3  }
0xa: {  	s30 =	sadd.s32 s1, s2;
	s9 =	sadd.s32 s22, s0;
	s8 =	sadd.s32 s1, s8  }
0xb: {  	s7 =	smul.u32 $0x2800, s23;
	s25 =	ssub.s32 s12, s24;
	s20 =	sshrl.u32 s20, $0x3  }
0xc: {  	s22 =	simm.s32 $0x80;
	s23 =	simm.s32 $0x1;
	s8 =	sshrl.u32 s8, $0x3  }
0xd: {  	s9 =	sadd.s32 $0x15C00, s9;
	s31 =	smax.u32 s25, $0x1;
	s25 =	sshrl.u32 s30, $0x3  }
0xe: {  	s0 =	sadd.s32 s8, s0;
	[dreg:$0x4] =	wrdreg s9;
	s26 =	sshrl.u32 s7, $0x3  }
0xf: {  	s8 =	sadd.s32 s11, s2;
	[dreg:$0x8] =	wrdreg s31;
	s28 =	sadd.s32 s5, s26  }
0x10: {  	s29 =	sadd.s32 s6, s26;
	s0 =	sadd.s32 $0x1AC00, s0;
	[dreg:$0x5] =	wrdreg s28  }
0x11: {  	s14 =	sadd.s32 $0x800, s8;
	s15 =	sadd.s32 $0x1000, s8;
	[dreg:$0x6] =	wrdreg s29  }
0x12: {  	v0 =	vimm.f32 $0.0e+00;
	s16 =	sadd.s32 $0x1800, s8;
	s17 =	sadd.s32 $0x2000, s8;
	[dreg:$0x7] =	wrdreg s0  }
.LBB2_1:
0x13: {  	s0 =	simm.s32 $0x40;
	s1 =	simm.s32 $0x0  }
.LBB2_2:
0x14: {  	p0 =	sne.s32 s0, $0x1FC0;
	[tilespmem:s1+$0x2000] =	vst v0;
	s1 =	smov.u32 s0;
	s0 =	sadd.s32 $0x40, s0  }
.Ltmp0:
0x15: {  	(pc) =	sbr.rel @p0 .LBB2_2-.Ltmp0, $2  }
0x16: {  	_ =	sdelay $0x2  }
0x17: {  	s1 =	sshra.s32 s1, $0x2  }
0x18: {  	[tilespmem:s1+$0x2000] =	vst v0  }
0x19: {  	[spmem:s8] =	stream.linear.scatter [tilespmem:s18], [sflag:$0x2], $0x800, $0x38;
	[tilespmem:$0x8000] =	vst v63  }
0x1a: {  	_ =	swait.ge [sflag:s19], $0x800  }
0x1b: {  	[sflag:s19] =	ssyncset.done $0x0  }
0x1c: {  	[sflag:s19] =	ssyncadd.s32 $0xFFFFF800  }
0x1d: {  	[spmem:s14] =	stream.linear.scatter [tilespmem:s18], [sflag:$0x2], $0x800, $0x38;
	[tilespmem:$0x8000] =	vst v63  }
0x1e: {  	_ =	swait.ge [sflag:s19], $0x800  }
0x1f: {  	[sflag:s19] =	ssyncset.done $0x0  }
0x20: {  	[sflag:s19] =	ssyncadd.s32 $0xFFFFF800  }
0x21: {  	[spmem:s15] =	stream.linear.scatter [tilespmem:s18], [sflag:$0x2], $0x800, $0x38;
	[tilespmem:$0x8000] =	vst v63  }
0x22: {  	_ =	swait.ge [sflag:s19], $0x800  }
0x23: {  	[sflag:s19] =	ssyncset.done $0x0  }
0x24: {  	[sflag:s19] =	ssyncadd.s32 $0xFFFFF800  }
0x25: {  	[spmem:s16] =	stream.linear.scatter [tilespmem:s18], [sflag:$0x2], $0x800, $0x38;
	[tilespmem:$0x8000] =	vst v63  }
0x26: {  	_ =	swait.ge [sflag:s19], $0x800  }
0x27: {  	[sflag:s19] =	ssyncset.done $0x0  }
0x28: {  	[sflag:s19] =	ssyncadd.s32 $0xFFFFF800  }
0x29: {  	[spmem:s17] =	stream.linear.scatter [tilespmem:s18], [sflag:$0x2], $0x800, $0x38;
	[tilespmem:$0x8000] =	vst v63  }
0x2a: {  	s0 =	stileid.u32;
	_ =	swait.ge [sflag:s19], $0x800  }
0x2b: {  	s0 =	sshll.u32 s0, $0x6;
	[sflag:s19] =	ssyncset.done $0x0  }
0x2c: {  	s28 =	sor.u32 $0x1C02, s0;
	s24 =	rddreg [dreg:$0x4];
	[sflag:s19] =	ssyncadd.s32 $0xFFFFF800  }
0x2d: {  	[spmem:s20], [sflag:s28] =	dma.local [hbm:s24], $0x500  }
0x2e: {  	_ =	swait.ge [sflag:s19], $0x500  }
0x2f: {  	[sflag:s19] =	ssyncset.done $0x0  }
0x30: {  	[sflag:s19] =	ssyncadd.s32 $0xFFFFFB00  }
0x31: {  	[bflag:$0x0] =	sbarrier.arrive $0xFFFF  }
0x32: {  	s26 =	simm.s32 $0x0;
	s10 =	rddreg [dreg:$0x5]  }
0x33: {  	[tilespmem:s26], [sflag:$0x2] =	stream.linear.gather [hbm4b:s10+s26], $0x800, $0x38;
	[tilespmem:$0x8000] =	vst v63  }
0x34: {  	_ =	swait.ge [sflag:s19], $0x800  }
0x35: {  	[sflag:s19] =	ssyncset.done $0x0  }
0x36: {  	s9 =	simm.s32 $0x1000;
	s11 =	rddreg [dreg:$0x6];
	[sflag:s19] =	ssyncadd.s32 $0xFFFFF800  }
0x37: {  	[tilespmem:s9], [sflag:$0x2] =	stream.linear.gather [hbm4b:s11+s26], $0x800, $0x38;
	[tilespmem:$0x8000] =	vst v63  }
0x38: {  	s12 =	sand.u32 $0xF, s26;
	_ =	swait.ge [sflag:s19], $0x800  }
0x39: {  	p0 =	sne.s32 s12, $0xF;
	[sflag:s19] =	ssyncset.done $0x0  }
0x3a: {  	s21 =	sadd.s32 @!p0 $0x800, s7;
	[sflag:s19] =	ssyncadd.s32 $0xFFFFF800  }
0x3b: {  	[tilespmem:s18], [sflag:$0x1] =	stream.indirect.gather [spmem:s3], $0x10, s26, s22, $0xb8;
	[tilespmem:$0x8000] =	vst v63  }
0x3c: {  	s29 =	simm.s32 @!p0 $0x800;
	s31 =	simm.s32 @!p0 $0x0;
	_ =	swait.ge [sflag:s23], $0x800  }
0x3d: {  	s21 =	sshrl.u32 @!p0 s21, $0x3;
	s29 =	sand.u32 @!p0 $0x800, s29;
	[sflag:s23] =	ssyncset.done $0x0  }
0x3e: {  	s30 =	sadd.s32 @!p0 s5, s21;
	s24 =	simm.s32 @!p0 $0x2;
	[sflag:s23] =	ssyncadd.s32 $0xFFFFF800  }
0x3f: {  	[tilespmem:s29], [sflag:$0x2] =	stream.linear.gather @!p0 [hbm4b:s30+s31], $0x800, $0x38;
	[tilespmem:$0x8000] =	vst v63  }
0x40: {  	_ =	swait.ge @!p0 [sflag:s24], $0x800  }
0x41: {  	s13 =	simm.s32 $0x200;
	[sflag:s24] =	ssyncset.done @!p0 $0x0  }
0x42: {  	s21 =	sadd.s32 @!p0 s6, s21;
	s29 =	sor.u32 @!p0 $0x1000, s29;
	[sflag:s24] =	ssyncadd.s32 @!p0 $0xFFFFF800  }
0x43: {  	[tilespmem:s29], [sflag:$0x2] =	stream.linear.gather @!p0 [hbm4b:s21+s31], $0x800, $0x38;
	[tilespmem:$0x8000] =	vst v63  }
0x44: {  	s0 =	sand.u32 $0x2000, s26;
	s1 =	sshll.u32 s12, $0x7;
	s29 =	simm.s32 $0x0  }
0x45: {  	s0 =	sshrl.u32 s0, $0x2;
	s30 =	sand.u32 $0x800, s29;
	s29 =	simm.s32 $0x2000  }
0x46: {  	_ =	swait.ge @!p0 [sflag:s24], $0x800;
	s1 =	sor.u32 s1, s30;
	s30 =	sand.u32 $0x2000, s29  }
0x47: {  	s21 =	sand.u32 $0x3E00, s13;
	[sflag:s24] =	ssyncset.done @!p0 $0x0;
	s30 =	sshrl.u32 s30, $0x2  }
0x48: {  	s21 =	sshrl.u32 s21, $0x2;
	[sflag:s24] =	ssyncadd.s32 @!p0 $0xFFFFF800;
	s26 =	sor.u32 $0x2000, s30  }
0x49: {  	[tilespmem:s26], [sflag:$0x1] =	stream.indirect.gather [spmem:s3], $0x10, s21, s22, $0xb8;
	[tilespmem:$0x8000] =	vst v63  }
0x4a: {  	s0 =	sor.u32 $0x2000, s0;
	s1 =	sor.u32 $0x1000, s1  }
0x4b: {  	[spmem:s2] =	stream.indirect.scatter.add.f32 [tilespmem:s0], [sflag:$0x2], $0x10, s1, s22, $0xb8;
	[tilespmem:$0x8000] =	vst v63  }
0x4c: {  	s31 =	simm.s32 $0x400;
	s21 =	simm.s32 $0x0;
	_ =	swait.ge [sflag:s19], $0x800  }
0x4d: {  	s0 =	simm.s32 $0x600;
	s1 =	simm.s32 $0x1;
	[sflag:s19] =	ssyncset.done $0x0  }
.LBB2_4:
0x4e: {  	s24 =	sand.u32 $0xF, s1  }
0x4f: {  	s26 =	sshll.u32 s21, $0xB;
	[sflag:s19] =	ssyncadd.s32 $0xFFFFF800;
	s9 =	smov.u32 s0  }
0x50: {  	_ =	swait.ge [sflag:s23], $0x800;
	p0 =	sne.s32 s24, $0xF;
	s24 =	sshll.u32 s24, $0x7  }
0x51: {  	s26 =	sand.u32 $0x800, s26;
	[sflag:s23] =	ssyncset.done $0x0;
	s21 =	sshll.u32 @!p0 s21, $0xB  }
0x52: {  	s24 =	sor.u32 s24, s26;
	[sflag:s23] =	ssyncadd.s32 $0xFFFFF800;
	s21 =	sadd.s32 @!p0 $0x800, s21  }
0x53: {  	s0 =	sadd.s32 $0x200, s0;
	s26 =	sadd.s32 @!p0 s7, s21;
	s21 =	sand.u32 @!p0 $0x800, s21  }
0x54: {  	s10 =	simm.s32 @!p0 $0x2;
	s26 =	sshrl.u32 @!p0 s26, $0x3;
	s11 =	sor.u32 @!p0 $0x1000, s21  }
0x55: {  	s13 =	simm.s32 @!p0 $0x0;
	s12 =	sadd.s32 @!p0 s5, s26;
	s26 =	sadd.s32 @!p0 s6, s26  }
0x56: {  	[tilespmem:s21], [sflag:$0x2] =	stream.linear.gather @!p0 [hbm4b:s12+s13], $0x800, $0x38;
	[tilespmem:$0x8000] =	vst v63  }
0x57: {  	p1 =	sne.s32 s0, $0xA000;
	_ =	swait.ge @!p0 [sflag:s10], $0x800  }
0x58: {  	[sflag:s10] =	ssyncset.done @!p0 $0x0  }
0x59: {  	s29 =	sadd.s32 $0x2000, s29;
	s12 =	sand.u32 $0x3E00, s31;
	[sflag:s10] =	ssyncadd.s32 @!p0 $0xFFFFF800  }
0x5a: {  	[tilespmem:s11], [sflag:$0x2] =	stream.linear.gather @!p0 [hbm4b:s26+s13], $0x800, $0x38;
	[tilespmem:$0x8000] =	vst v63  }
0x5b: {  	s11 =	sand.u32 $0x2000, s29;
	_ =	swait.ge @!p0 [sflag:s10], $0x800  }
0x5c: {  	s11 =	sshrl.u32 s11, $0x2;
	[sflag:s10] =	ssyncset.done @!p0 $0x0  }
0x5d: {  	s12 =	sshrl.u32 s12, $0x2;
	[sflag:s10] =	ssyncadd.s32 @!p0 $0xFFFFF800;
	s10 =	sor.u32 $0x2000, s11  }
0x5e: {  	[tilespmem:s10], [sflag:$0x1] =	stream.indirect.gather [spmem:s3], $0x10, s12, s22, $0xb8;
	[tilespmem:$0x8000] =	vst v63  }
.Ltmp1:
0x5f: {  	_ = 	snop;
	(pc) =	sbr.rel @p1 .LBB2_4-.Ltmp1, $4  }
0x60: {  	s31 =	smov.u32 s9;
	s10 =	sor.u32 $0x2000, s30;
	s12 =	sor.u32 $0x1000, s24  }
0x61: {  	[spmem:s2] =	stream.indirect.scatter.add.f32 [tilespmem:s10], [sflag:$0x2], $0x10, s12, s22, $0xb8;
	[tilespmem:$0x8000] =	vst v63  }
0x62: {  	s1 =	sadd.s32 $0x1, s1;
	s30 =	smov.u32 s11;
	_ =	swait.ge [sflag:s19], $0x800  }
0x63: {  	s21 =	sshrl.u32 s1, $0x4;
	[sflag:s19] =	ssyncset.done $0x0  }
0x64: {  	s0 =	sand.u32 $0xF, s1  }
0x65: {  	p0 =	sne.s32 s0, $0xF  }
0x66: {  	[sflag:s19] =	ssyncadd.s32 $0xFFFFF800;
	s1 =	sshll.u32 @!p0 s21, $0xB  }
0x67: {  	_ =	swait.ge [sflag:s23], $0x800;
	s1 =	sadd.s32 @!p0 $0x800, s1  }
0x68: {  	[sflag:s23] =	ssyncset.done $0x0;
	s9 =	sadd.s32 @!p0 s7, s1  }
0x69: {  	s10 =	simm.s32 @!p0 $0x2;
	s12 =	simm.s32 @!p0 $0x0;
	s9 =	sshrl.u32 @!p0 s9, $0x3  }
0x6a: {  	[sflag:s23] =	ssyncadd.s32 $0xFFFFF800;
	s1 =	sand.u32 @!p0 $0x800, s1;
	s11 =	sadd.s32 @!p0 s5, s9  }
0x6b: {  	[tilespmem:s1], [sflag:$0x2] =	stream.linear.gather @!p0 [hbm4b:s11+s12], $0x800, $0x38;
	[tilespmem:$0x8000] =	vst v63  }
0x6c: {  	s26 =	sshll.u32 s21, $0xB;
	s13 =	sadd.s32 $0x2000, s29;
	_ =	swait.ge @!p0 [sflag:s10], $0x800  }
0x6d: {  	s0 =	sshll.u32 s0, $0x7;
	s13 =	sand.u32 $0x2000, s13;
	[sflag:s10] =	ssyncset.done @!p0 $0x0  }
0x6e: {  	s9 =	sadd.s32 @!p0 s6, s9;
	s1 =	sor.u32 @!p0 $0x1000, s1;
	[sflag:s10] =	ssyncadd.s32 @!p0 $0xFFFFF800  }
0x6f: {  	[tilespmem:s1], [sflag:$0x2] =	stream.linear.gather @!p0 [hbm4b:s9+s12], $0x800, $0x38;
	[tilespmem:$0x8000] =	vst v63  }
0x70: {  	s21 =	sand.u32 $0x3E00, s31;
	s11 =	sand.u32 $0x800, s26;
	_ =	swait.ge @!p0 [sflag:s10], $0x800  }
0x71: {  	s0 =	sor.u32 s0, s11;
	s1 =	sshrl.u32 s13, $0x2;
	[sflag:s10] =	ssyncset.done @!p0 $0x0  }
0x72: {  	s9 =	sshrl.u32 s21, $0x2;
	s1 =	sor.u32 $0x2000, s1;
	[sflag:s10] =	ssyncadd.s32 @!p0 $0xFFFFF800  }
0x73: {  	[tilespmem:s1], [sflag:$0x1] =	stream.indirect.gather [spmem:s3], $0x10, s9, s22, $0xb8;
	[tilespmem:$0x8000] =	vst v63  }
0x74: {  	s24 =	sor.u32 $0x2000, s30;
	s0 =	sor.u32 $0x1000, s0  }
0x75: {  	[spmem:s2] =	stream.indirect.scatter.add.f32 [tilespmem:s24], [sflag:$0x2], $0x10, s0, s22, $0xb8;
	[tilespmem:$0x8000] =	vst v63  }
0x76: {  	_ =	swait.ge [sflag:s19], $0x800  }
0x77: {  	[sflag:s19] =	ssyncset.done $0x0  }
0x78: {  	[sflag:s19] =	ssyncadd.s32 $0xFFFFF800  }
0x79: {  	_ =	swait.ge [sflag:s23], $0x800  }
0x7a: {  	[sflag:s23] =	ssyncset.done $0x0  }
0x7b: {  	s29 =	simm.s32 $0x2800;
	s26 =	simm.s32 $0x1780;
	[sflag:s23] =	ssyncadd.s32 $0xFFFFF800  }
0x7c: {  	[spmem:s2] =	stream.indirect.scatter.add.f32 [tilespmem:s29], [sflag:$0x2], $0x10, s26, s22, $0xb8;
	[tilespmem:$0x8000] =	vst v63  }
0x7d: {  	_ =	swait.ge [sflag:s19], $0x800  }
0x7e: {  	[sflag:s19] =	ssyncset.done $0x0  }
0x7f: {  	[sflag:s19] =	ssyncadd.s32 $0xFFFFF800  }
0x80: {  	[bflag:$0x0] =	sbarrier.arrive $0xFFFF  }
0x81: {  	s30 =	rddreg [dreg:$0x7]  }
0x82: {  	[hbm:s30], [sflag:s28] =	dma.local [spmem:s25], $0x500  }
0x83: {  	_ =	swait.ge [sflag:s19], $0x500  }
0x84: {  	s4 =	sadd.s32 $0x1, s4;
	s31 =	rddreg [dreg:$0x8]  }
0x85: {  	p0 =	sne.s32 s4, s31  }
.Ltmp2:
0x86: {  	_ = 	snop;
	(pc) =	sbr.rel @p0 .LBB2_1-.Ltmp2, $3  }
0x87: {  	_ =	sdelay $0x1  }
0x88: {  	[sflag:s19] =	ssyncset.done $0x0  }
0x89: {  	[sflag:s19] =	ssyncadd.s32 $0xFFFFFB00  }
0x8a: {  	_ =	sfence.sel $0x180000  }
0x8b: {  	[bflag:$0x0] =	sbarrier.arrive $0xFFFF  }
0x8c: {  	_ =	strace $0x9000004D  }
0x8d: {  	s0 =	stileid.u32;
	[bflag:$0x2] =	sbarrier.arrive $0xFFFF  }
0x8e: {  	p0 =	sne.s32 s0, $0x0;
	s0 =	rddreg [dreg:$0x3]  }
0x8f: {  	s0 =	sadd.s32 @!p0 $0x100000, s0  }
0x90: {  	[sflag:s0] =	ssyncadd.tile.s32 @!p0 $0x1;
	_ =	shalt  }
.Lfunc_end2:
_tile_overlayer_lowered:
.L_overlay_start_2:
0x91: {  	(tag) =	ssettag $0x2  }
0x92: {  	s0 =	rddreg [dreg:$0x0];
	s2 =	stileid.u32  }
0x93: {  	s1 =	rddreg [dreg:$0x1];
	p0 =	sne.s32 s2, $0x0  }
0x94: {  	s3 =	rddreg [dreg:$0x2];
	[bflag:$0x3] =	sbarrier.arrive $0xFFFF;
	s2 =	simm.s32 @!p0 $0x1C02  }
0x95: {  	[timem:s3], [sflag:s2] =	dma.local @!p0 [hbm:s0], s1  }
0x96: {  	s0 =	simm.s32 @!p0 $0x2  }
0x97: {  	_ =	swait.ge @!p0 [sflag:s0], s1  }
0x98: {  	s1 =	ssub.s32 @!p0 $0x0, s1;
	[sflag:s0] =	ssyncset.done @!p0 $0x0  }
0x99: {  	[sflag:s0] =	ssyncadd.s32 @!p0 s1  }
0x9a: {  	[bflag:$0x3] =	sbarrier.arrive $0xFFFF  }
0x9b: {  	_ =	shalt  }

// kernel: kernel.8.cloned.1.call-start
scs
__scs_entry_jumppad:
0x0: {  	(pc) =	sbr.rel $0x88, $3  }
0x1: {  	(tag) =	ssettag $0x0;
	lr =	simm.s32 $0x1  }
0x2: {  	[smem:$0x3F9B] =	sst lr;
	_ =	strace $0xD0000000  }
0x3: {  	_ = 	snop  }
0x4: {  	_ = 	snop  }
0x5: {  	_ = 	snop  }
0x6: {  	_ = 	snop  }
0x7: {  	_ = 	snop  }
__scs_overlays_trampoline_lowered:
0x8: {  	[smem:$0x3FAA] =	sst s0  }
0x9: {  	[smem:$0x3FAB] =	sst s1  }
0xa: {  	[smem:$0x3FAC] =	sst s2  }
0xb: {  	[smem:$0x3FAD] =	sst s3  }
0xc: {  	[smem:$0x3FAE] =	sst s4  }
0xd: {  	[smem:$0x3FAF] =	sst s5  }
0xe: {  	[smem:$0x3FB0] =	sst s6  }
0xf: {  	[smem:$0x3FB1] =	sst s7  }
0x10: {  	[smem:$0x3FB2] =	sst s8  }
0x11: {  	[smem:$0x3FB3] =	sst s9;
	s0 =	simm.s32 @!p0 $0x0  }
0x12: {  	s1 =	sld [smem:$0x3F99];
	s0 =	simm.s32 @p0 $0x1  }
0x13: {  	[smem:$0x3FB4] =	sst s0;
	s0 =	simm.s32 @!p1 $0x0  }
0x14: {  	s2 =	sld [smem:$0x3F98];
	s0 =	simm.s32 @p1 $0x1  }
0x15: {  	[smem:$0x3FB5] =	sst s0;
	s0 =	simm.s32 @!p2 $0x0  }
0x16: {  	s3 =	sld [smem:$0x3FDB];
	s0 =	simm.s32 @p2 $0x1  }
0x17: {  	s4 =	simm.s32 $0x1BF5;
	[smem:$0x3FB7] =	sst s0  }
0x18: {  	s0 =	sld [smem:$0x3F9A];
	_ =	swait.ge [sflag:s4], $0x0  }
0x19: {  	s7 =	sld [smem:$0x3F9B]  }
0x1a: {  	s8 =	sadd.s32 $0xFFFFE003, lr  }
0x1b: {  	s9 =	sadd.s32 $0xFFFFFEF7, lr;
	s5 =	simm.s32 $0xFFFFFFFF;
	p2 =	slt.u32 s8, $0xFFFFF086  }
0x1c: {  	p1 =	slt.u32 s9, $0xF7A;
	s5 =	simm.s32 @!p2 $0x0  }
0x1d: {  	s5 =	simm.s32 @p1 $0x1;
	p0 =	seq.s32 s7, s2  }
0x1e: {  	s7 =	smul.u32 @!p0 $0xF7A, s2;
	p2 =	seq.s32 @!p0 s5, $0x0  }
0x1f: {  	s9 =	smul.u32 $0xF7A, s1;
	s8 =	simm.s32 @!p0 $0x1BF5;
	p2 =	por !p2, p0  }
0x20: {  	[sflag:s8] =	ssyncset.s32 @!p0 $0xFFFFF086;
	s6 =	sadd.s32 @!p0 s3, s7;
	s7 =	simm.s32 @!p0 $0x108  }
0x21: {  	s3 =	sadd.s32 s3, s9;
	s6 =	sadd.s32 @!p0 $0x88, s6;
	s7 =	simm.s32 @p2 $0x1082  }
0x22: {  	[simem:s7], [sflag:s8] =	dma.local @!p0 [hbm:s6], $0xF7A  }
0x23: {  	s9 =	sor.u32 $0xD0000000, s2;
	s6 =	simm.s32 $0x108;
	_ =	swait.ge @!p0 [sflag:s8], $0x0  }
0x24: {  	s3 =	sadd.s32 $0x88, s3;
	s6 =	simm.s32 @!p1 $0x1082;
	[sflag:s4] =	ssyncset.s32 $0xFFFFF086  }
0x25: {  	[simem:s6], [sflag:s4] =	dma.local [hbm:s3], $0xF7A  }
0x26: {  	[smem:$0x3F9B] =	sst s1;
	(tag) =	ssettag s2;
	_ =	strace s9  }
0x27: {  	s1 =	sld [smem:$0x3FAB]  }
0x28: {  	s2 =	sld [smem:$0x3FAC]  }
0x29: {  	s4 =	sld [smem:$0x3FAE]  }
0x2a: {  	p0 =	seq.s32 s5, $0x0;
	s5 =	sld [smem:$0x3FAF]  }
0x2b: {  	s6 =	sld [smem:$0x3FB0]  }
0x2c: {  	s7 =	sld [smem:$0x3FB1]  }
0x2d: {  	s3 =	simm.s32 $0x108;
	s8 =	sld [smem:$0x3FB2]  }
0x2e: {  	s3 =	simm.s32 @!p0 $0x1082;
	s9 =	sld [smem:$0x3FB3]  }
0x2f: {  	lr =	sadd.s32 s0, s3;
	s0 =	sld [smem:$0x3FAA]  }
0x30: {  	s3 =	sld [smem:$0x3FAD]  }
0x31: {  	[smem:$0x3FB6] =	sst s10  }
0x32: {  	s10 =	sld [smem:$0x3FB4];
	_ =	sdelay $0x3  }
0x33: {  	p0 =	seq.s32 s10, $0x1;
	s10 =	sld [smem:$0x3FB6];
	_ =	sdelay $0x3  }
0x34: {  	[smem:$0x3FB6] =	sst s10  }
0x35: {  	s10 =	sld [smem:$0x3FB5];
	_ =	sdelay $0x3  }
0x36: {  	p1 =	seq.s32 s10, $0x1;
	s10 =	sld [smem:$0x3FB6];
	_ =	sdelay $0x3  }
0x37: {  	[smem:$0x3FB6] =	sst s10  }
0x38: {  	s10 =	sld [smem:$0x3FB7]  }
0x39: {  	_ = 	snop;
	(pc) =	sbr.ind lr, $3  }
0x3a: {  	_ = 	snop  }
0x3b: {  	_ = 	snop  }
0x3c: {  	p2 =	seq.s32 s10, $0x1;
	s10 =	sld [smem:$0x3FB6]  }
0x3d: {  	_ =	shalt  }
0x3e: {  	_ =	shalt  }
0x3f: {  	_ =	shalt  }
0x40: {  	_ =	shalt  }
0x41: {  	_ =	shalt  }
0x42: {  	_ =	shalt  }
0x43: {  	_ =	shalt  }
0x44: {  	_ =	shalt  }
0x45: {  	_ =	shalt  }
0x46: {  	_ =	shalt  }
0x47: {  	_ =	shalt  }
0x48: {  	_ =	shalt  }
0x49: {  	_ =	shalt  }
0x4a: {  	_ =	shalt  }
0x4b: {  	_ =	shalt  }
0x4c: {  	_ =	shalt  }
0x4d: {  	_ =	shalt  }
0x4e: {  	_ =	shalt  }
0x4f: {  	_ =	shalt  }
0x50: {  	_ =	shalt  }
0x51: {  	_ =	shalt  }
0x52: {  	_ =	shalt  }
0x53: {  	_ =	shalt  }
0x54: {  	_ =	shalt  }
0x55: {  	_ =	shalt  }
0x56: {  	_ =	shalt  }
0x57: {  	_ =	shalt  }
0x58: {  	_ =	shalt  }
0x59: {  	_ =	shalt  }
0x5a: {  	_ =	shalt  }
0x5b: {  	_ =	shalt  }
0x5c: {  	_ =	shalt  }
0x5d: {  	_ =	shalt  }
0x5e: {  	_ =	shalt  }
0x5f: {  	_ =	shalt  }
0x60: {  	_ =	shalt  }
0x61: {  	_ =	shalt  }
0x62: {  	_ =	shalt  }
0x63: {  	_ =	shalt  }
0x64: {  	_ =	shalt  }
0x65: {  	_ =	shalt  }
0x66: {  	_ =	shalt  }
0x67: {  	_ =	shalt  }
0x68: {  	_ =	shalt  }
0x69: {  	_ =	shalt  }
0x6a: {  	_ =	shalt  }
0x6b: {  	_ =	shalt  }
0x6c: {  	_ =	shalt  }
0x6d: {  	_ =	shalt  }
0x6e: {  	_ =	shalt  }
0x6f: {  	_ =	shalt  }
0x70: {  	_ =	shalt  }
0x71: {  	_ =	shalt  }
0x72: {  	_ =	shalt  }
0x73: {  	_ =	shalt  }
0x74: {  	_ =	shalt  }
0x75: {  	_ =	shalt  }
0x76: {  	_ =	shalt  }
0x77: {  	_ =	shalt  }
0x78: {  	_ =	shalt  }
0x79: {  	_ =	shalt  }
0x7a: {  	_ =	shalt  }
0x7b: {  	_ =	shalt  }
0x7c: {  	_ =	shalt  }
0x7d: {  	_ =	shalt  }
0x7e: {  	_ =	shalt  }
0x7f: {  	_ =	shalt  }
0x80: {  	_ =	shalt  }
0x81: {  	_ =	shalt  }
0x82: {  	_ =	shalt  }
0x83: {  	_ =	shalt  }
0x84: {  	_ =	shalt  }
0x85: {  	_ =	shalt  }
0x86: {  	_ =	shalt  }
0x87: {  	_ =	shalt  }
.Lfunc_end0:
.L_simem_size_0:
called_computation_lowered:
.L_overlay_start_0:
0x88: {  	s2 =	sld [smem:$0x3FD9]  }
0x89: {  	s3 =	sld [smem:$0x3FFE];
	_ =	sdelay $0x1  }
0x8a: {  	s1 =	srdreg.scid  }
0x8b: {  	s0 =	sand.u32 $0x1, s1  }
0x8c: {  	s17 =	sshll.u32 s0, $0xA;
	s2 =	sadd.s32 s3, s2  }
0x8d: {  	s2 =	sadd.s32 s2, s17  }
0x8e: {  	[smem:$0x3FC2] =	sst s2  }
0x8f: {  	_ = 	snop  }
0x90: {  	s2 =	sld [smem:$0x3FD0];
	(tm) =	ssettm $0x1  }
0x91: {  	s18 =	sld [smem:$0x3FFB];
	_ =	sdelay $0x3  }
0x92: {  	_ =	strace s18  }
0x93: {  	s3 =	sld [smem:$0x3FFC];
	_ =	sdelay $0x3  }
0x94: {  	_ =	strace s3  }
0x95: {  	s3 =	sld [smem:$0x3FFD];
	_ =	sdelay $0x3  }
0x96: {  	_ =	strace s3  }
0x97: {  	_ =	strace $0x8FFFFFFF  }
0x98: {  	s19 =	sld [smem:$0x3FDB];
	_ =	sdelay $0x1  }
0x99: {  	s4 =	simm.s32 $_scs_section_size  }
0x9a: {  	s5 =	simm.s32 $_size__tile_overlayer_lowered;
	s6 =	simm.s32 $_tile_overlayer_lowered  }
0x9b: {  	s22 =	simm.s32 $0x1BFF;
	s21 =	sshll.u32 s6, $0x1;
	s3 =	sadd.s32 s4, s19  }
0x9c: {  	s7 =	simm.s32 $0x0;
	s20 =	sshll.u32 s5, $0x1;
	s5 =	sadd.s32 s21, s3  }
0x9d: {  	[timem:s7], [sflag:s22] =	dma.local [hbm:s5], s20  }
0x9e: {  	_ =	swait.ge [sflag:s22], s20  }
0x9f: {  	s4 =	ssub.s32 $0x0, s20;
	[sflag:s22] =	ssyncset.done $0x0  }
0xa0: {  	[sflag:s22] =	ssyncadd.s32 s4;
	_ =	sdelay $0x1  }
0xa1: {  	s23 =	simm.s32 $0x1B8B  }
0xa2: {  	_ =	swait.ge [sflag:s23], $0x1  }
0xa3: {  	[sflag:s23] =	ssyncset.done $0x0  }
0xa4: {  	s25 =	simm.s32 $0x1B8E;
	s24 =	sld [smem:$0x3FFE];
	[sflag:s23] =	ssyncadd.s32 $0xFFFFFFFF  }
0xa5: {  	s26 =	simm.s32 $execute0_lowered;
	[smem:$0x3FD2] =	sst s25  }
0xa6: {  	s5 =	sshll.u32 s26, $0x1;
	_ =	strace $0x80000046;
	[dreg:$0x1] =	wrdreg $0xFFFFFFFF  }
0xa7: {  	s28 =	simm.s32 $_size_execute0_lowered;
	s3 =	sadd.s32 s3, s5;
	[dreg:$0x0] =	wrdreg $0x0  }
0xa8: {  	s5 =	sshll.u32 s28, $0x1;
	[dreg:$0x2] =	wrdreg s3  }
0xa9: {  	[dreg:$0x3] =	wrdreg s5  }
0xaa: {  	[dreg:$0x4] =	wrdreg $0xC0  }
0xab: {  	_ =	task [dreg:s7], $0x5FFFF  }
0xac: {  	[dreg:$0x1] =	wrdreg $0xFFFFFFFF  }
0xad: {  	[dreg:$0x0] =	wrdreg $0x60  }
0xae: {  	[dreg:$0x2] =	wrdreg s24  }
0xaf: {  	[dreg:$0x3] =	wrdreg s2  }
0xb0: {  	[dreg:$0x4] =	wrdreg $0x2B000  }
0xb1: {  	[dreg:$0x5] =	wrdreg $0x9  }
0xb2: {  	_ =	task.clear_ibuf [dreg:s7], $0x6FFFF;
	_ =	strace $0x90000046  }
0xb3: {  	s29 =	simm.s32 $0x9;
	_ =	strace $0x80000048  }
0xb4: {  	_ =	swait.ge [sflag:s29], $0x1  }
0xb5: {  	[sflag:s29] =	ssyncadd.s32 $0xFFFFFFFF  }
0xb6: {  	_ =	strace $0x90000048  }
0xb7: {  	_ =	sfence  }
0xb8: {  	s30 =	sld [smem:$0x0];
	_ =	sdelay $0x2  }
0xb9: {  	s31 =	sshll.u32 s1, $0xD;
	s1 =	sshrl.u32 s1, $0x2  }
0xba: {  	s3 =	sand.u32 $0x4000, s31;
	s1 =	sadd.s32 s1, s30  }
0xbb: {  	s0 =	sor.u32 s3, s0;
	s1 =	sshll.u32 s1, $0x11  }
0xbc: {  	s0 =	sor.u32 s1, s0  }
0xbd: {  	s0 =	sadd.s32 $0x8F2B, s0  }
0xbe: {  	[sflag:s0] =	ssyncadd.remote.s32 $0x1  }
0xbf: {  	_ =	sfence.sel $0xFFFF  }
0xc0: {  	[dreg:$0x0] =	wrdreg $0xFFFFFFFF;
	(pc) =	sbr.abs _section_cstart, $3  }
0xc1: {  	[dreg:$0x1] =	wrdreg $0xFFFFFFFF  }
0xc2: {  	_ =	task.clear_ibuf [dreg:s7], $0x2FFFF;
	_ =	strace $0x9FFFFFFF  }
0xc3: {  	(tm) =	ssettm $0x7FFFFFFF  }
tec
execute0_lowered:
.L_overlay_start_1:
0x0: {  	(tag) =	ssettag $0x1  }
0x1: {  	s4 =	rddreg [dreg:$0x0]  }
0x2: {  	s6 =	rddreg [dreg:$0x1];
	s0 =	srdreg.scid  }
0x3: {  	s2 =	rddreg [dreg:$0x2];
	s1 =	stileid.u32;
	s3 =	simm.s32 $0x0  }
0x4: {  	s11 =	simm.s32 $0x2800;
	s5 =	sand.u32 $0x1, s0;
	s0 =	rddreg [dreg:$0x3]  }
0x5: {  	s14 =	simm.s32 $0x0;
	s8 =	smul.u32 $0x280, s1;
	[smem:$0x7FF] =	sst s3  }
0x6: {  	s12 =	sshll.u32 s1, $0x6;
	s7 =	sshll.u32 s5, $0x4;
	s9 =	smul.u32 $0x2800, s5  }
0x7: {  	s5 =	ssub.s32 $0x2, s5;
	_ =	strace $0x80000047;
	s7 =	sor.u32 s1, s7  }
0x8: {  	s10 =	sshrl.u32 s5, $0x1;
	s7 =	smul.u32 $0x500, s7;
	s9 =	sadd.s32 s8, s9  }
0x9: {  	s12 =	sor.u32 $0x1C01, s12;
	s10 =	ssub.s32 s5, s10;
	s9 =	sshrl.u32 s9, $0x3  }
0xa: {  	s7 =	sadd.s32 s7, s4;
	s4 =	sadd.s32 s8, s2;
	s6 =	sadd.s32 s6, s9  }
0xb: {  	s8 =	simm.s32 $0x2880;
	s9 =	simm.s32 $0x1;
	s5 =	sadd.s32 $0x1C00, s7  }
0xc: {  	v0 =	vimm.f32 $1.000000000e+00;
	v1 =	vimm.f32 $0.0e+00;
	s7 =	smax.u32 s10, $0x1;
	s10 =	simm.s32 $0x80;
	s13 =	sshrl.u32 s4, $0x3  }
.LBB2_1:
0xd: {  	[tilespmem:$0x2800] =	vst v0  }
0xe: {  	[tilespmem:$0x2810] =	vst v0  }
0xf: {  	[tilespmem:$0x2820] =	vst v0  }
0x10: {  	[tilespmem:$0x2830] =	vst v0  }
0x11: {  	[tilespmem:$0x2840] =	vst v0  }
0x12: {  	[tilespmem:$0x2850] =	vst v0  }
0x13: {  	[tilespmem:$0x2860] =	vst v0  }
0x14: {  	[tilespmem:$0x2870] =	vst v0  }
0x15: {  	[tilespmem:$0x2880] =	vst v1  }
0x16: {  	[tilespmem:$0x2890] =	vst v1  }
0x17: {  	[tilespmem:$0x28A0] =	vst v1  }
0x18: {  	[tilespmem:$0x28B0] =	vst v1  }
0x19: {  	[tilespmem:$0x28C0] =	vst v1  }
0x1a: {  	[tilespmem:$0x28D0] =	vst v1  }
0x1b: {  	[tilespmem:$0x28E0] =	vst v1  }
0x1c: {  	[tilespmem:$0x28F0] =	vst v1  }
0x1d: {  	[tilespmem:$0x2900] =	vst v1  }
0x1e: {  	[tilespmem:$0x2910] =	vst v1  }
0x1f: {  	[tilespmem:$0x2920] =	vst v1  }
0x20: {  	[tilespmem:$0x2930] =	vst v1  }
0x21: {  	[tilespmem:$0x2940] =	vst v1  }
0x22: {  	[tilespmem:$0x2950] =	vst v1  }
0x23: {  	[tilespmem:$0x2960] =	vst v1  }
0x24: {  	[tilespmem:$0x2970] =	vst v1  }
0x25: {  	[tilespmem:$0x2980] =	vst v1  }
0x26: {  	[tilespmem:$0x2990] =	vst v1  }
0x27: {  	[tilespmem:$0x29A0] =	vst v1  }
0x28: {  	[tilespmem:$0x29B0] =	vst v1  }
0x29: {  	[tilespmem:$0x29C0] =	vst v1  }
0x2a: {  	[tilespmem:$0x29D0] =	vst v1  }
0x2b: {  	[tilespmem:$0x29E0] =	vst v1  }
0x2c: {  	[tilespmem:$0x29F0] =	vst v1  }
0x2d: {  	[tilespmem:$0x2A00] =	vst v1  }
0x2e: {  	[tilespmem:$0x2A10] =	vst v1  }
0x2f: {  	[tilespmem:$0x2A20] =	vst v1  }
0x30: {  	[tilespmem:$0x2A30] =	vst v1  }
0x31: {  	[tilespmem:$0x2A40] =	vst v1  }
0x32: {  	[tilespmem:$0x2A50] =	vst v1  }
0x33: {  	[tilespmem:$0x2A60] =	vst v1  }
0x34: {  	[tilespmem:$0x2A70] =	vst v1  }
0x35: {  	[tilespmem:$0x2A80] =	vst v1  }
0x36: {  	[tilespmem:$0x2A90] =	vst v1  }
0x37: {  	[tilespmem:$0x2AA0] =	vst v1  }
0x38: {  	[tilespmem:$0x2AB0] =	vst v1  }
0x39: {  	[tilespmem:$0x2AC0] =	vst v1  }
0x3a: {  	[tilespmem:$0x2AD0] =	vst v1  }
0x3b: {  	[tilespmem:$0x2AE0] =	vst v1  }
0x3c: {  	[tilespmem:$0x2AF0] =	vst v1  }
0x3d: {  	[spmem:s4] =	stream.linear.scatter [tilespmem:s8], [sflag:$0x1], $0x280, $0x38;
	[tilespmem:$0x2D80] =	vst v63  }
0x3e: {  	_ =	swait.ge [sflag:s9], $0x280  }
0x3f: {  	[sflag:s9] =	ssyncset.done $0x0  }
0x40: {  	[sflag:s9] =	ssyncadd.s32 $0xFFFFFD80  }
0x41: {  	[bflag:$0x0] =	sbarrier.arrive $0xFFFF  }
0x42: {  	[tilespmem:s3], [sflag:$0x1] =	stream.linear.gather [hbm4b:s5+s3], $0x2800, $0x38;
	[tilespmem:$0x2D80] =	vst v63  }
0x43: {  	_ =	swait.ge [sflag:s9], $0x2800  }
0x44: {  	[sflag:s9] =	ssyncset.done $0x0  }
0x45: {  	s15 =	simm.s32 $0x0;
	[sflag:s9] =	ssyncadd.s32 $0xFFFFD800  }
0x46: {  	[spmem:s2] =	stream.indirect.scatter.add.f32 [tilespmem:s11], [sflag:$0x1], $0x1, s15, s10, $0xb8;
	[tilespmem:$0x2D80] =	vst v63  }
0x47: {  	_ =	swait.ge [sflag:s9], $0x80  }
0x48: {  	s15 =	simm.s32 $0x200;
	[sflag:s9] =	ssyncset.done $0x0  }
.LBB2_2:
0x49: {  	s16 =	sshra.s32 s15, $0x2;
	[sflag:s9] =	ssyncadd.s32 $0xFFFFFF80;
	p0 =	sne.s32 s15, $0x9E00  }
0x4a: {  	[spmem:s2] =	stream.indirect.scatter.add.f32 [tilespmem:s11], [sflag:$0x1], $0x1, s16, s10, $0xb8;
	[tilespmem:$0x2D80] =	vst v63  }
.Ltmp0:
0x4b: {  	_ = 	snop;
	(pc) =	sbr.rel @p0 .LBB2_2-.Ltmp0, $4  }
0x4c: {  	_ = 	snop  }
0x4d: {  	s15 =	sadd.s32 $0x200, s15  }
0x4e: {  	_ =	swait.ge [sflag:s9], $0x80  }
0x4f: {  	[sflag:s9] =	ssyncset.done $0x0  }
0x50: {  	s14 =	sadd.s32 $0x1, s14  }
0x51: {  	[sflag:s9] =	ssyncadd.s32 $0xFFFFFF80;
	p0 =	sne.s32 s14, s7  }
.Ltmp1:
0x52: {  	[bflag:$0x0] =	sbarrier.arrive $0xFFFF;
	(pc) =	sbr.rel @p0 .LBB2_1-.Ltmp1, $4  }
0x53: {  	[hbm:s6], [sflag:s12] =	dma.local [spmem:s13], $0x50  }
0x54: {  	_ =	swait.ge [sflag:s9], $0x50  }
0x55: {  	[sflag:s9] =	ssyncset.done $0x0  }
0x56: {  	[sflag:s9] =	ssyncadd.s32 $0xFFFFFFB0  }
0x57: {  	_ =	sfence.sel $0x180000  }
0x58: {  	[bflag:$0x0] =	sbarrier.arrive $0xFFFF  }
0x59: {  	p0 =	sne.s32 s1, $0x0;
	_ =	strace $0x90000047  }
0x5a: {  	s0 =	sadd.s32 @!p0 $0x100000, s0;
	[bflag:$0x2] =	sbarrier.arrive $0xFFFF  }
0x5b: {  	[sflag:s0] =	ssyncadd.tile.s32 @!p0 $0x1;
	_ =	shalt  }
.Lfunc_end2:
_tile_overlayer_lowered:
.L_overlay_start_2:
0x5c: {  	(tag) =	ssettag $0x2  }
0x5d: {  	s0 =	rddreg [dreg:$0x0];
	s2 =	stileid.u32  }
0x5e: {  	s1 =	rddreg [dreg:$0x1];
	p0 =	sne.s32 s2, $0x0  }
0x5f: {  	s3 =	rddreg [dreg:$0x2];
	[bflag:$0x3] =	sbarrier.arrive $0xFFFF;
	s2 =	simm.s32 @!p0 $0x1C01  }
0x60: {  	[timem:s3], [sflag:s2] =	dma.local @!p0 [hbm:s0], s1  }
0x61: {  	s0 =	simm.s32 @!p0 $0x1  }
0x62: {  	_ =	swait.ge @!p0 [sflag:s0], s1  }
0x63: {  	s1 =	ssub.s32 @!p0 $0x0, s1;
	[sflag:s0] =	ssyncset.done @!p0 $0x0  }
0x64: {  	[sflag:s0] =	ssyncadd.s32 @!p0 s1  }
0x65: {  	[bflag:$0x3] =	sbarrier.arrive $0xFFFF  }
0x66: {  	_ =	shalt  }

</sc_bundles>
